<compile_context>
chip_gen: v7x
topology: tpu7x:2x2x1
jax: 0.10.2.dev20260603
libtpu: 0.0.44.dev20260713+nightly
codegen_flags: <defaults>
</compile_context>

<pallas_src>
import functools

import jax
import jax.numpy as jnp
from jax import lax
from jax.experimental import pallas as pl
from jax.experimental.pallas import tpu as pltpu
from jax.experimental.pallas import tpu_sc as plsc

_K = 64
_S = 4


def _thresh_body(x_ref, thr_ref, cut_ref, *, k):
    x = x_ref[...]
    r_rows, n = x.shape
    b = lax.bitcast_convert_type(x, jnp.int32)
    key = jnp.where(b >= 0, b, b ^ jnp.int32(0x7FFFFFFF))

    i32 = jnp.int32
    kc = key.reshape(r_rows, k, n // k)
    cmax = jnp.max(kc, axis=2)
    lb = jnp.min(cmax, axis=1, keepdims=True)
    ub = jnp.max(cmax, axis=1, keepdims=True)

    def vcond(carry):
        lo, hi = carry
        return jnp.any(lo < hi)

    def vstep(carry):
        lo, hi = carry
        mid = (lo >> 1) + (hi >> 1) + (lo & hi & 1)
        cnt = jnp.sum((key > mid).astype(i32), axis=1, keepdims=True)
        ge = cnt >= k
        return jnp.where(ge, mid + 1, lo), jnp.where(ge, hi, mid)

    lo, _ = lax.while_loop(vcond, vstep, (lb, ub))
    v = lo
    gt = key > v
    eq = key == v
    cgt = jnp.sum(gt.astype(i32), axis=1, keepdims=True)
    ceq = jnp.sum(eq.astype(i32), axis=1, keepdims=True)
    need = k - cgt

    idx = lax.broadcasted_iota(i32, (r_rows, n), 1)
    tie = ceq > need
    lo2 = jnp.where(tie, 0, n - 1)
    hi2 = jnp.full((r_rows, 1), n - 1, i32)

    def icond(carry):
        lo2, hi2 = carry
        return jnp.any(lo2 < hi2)

    def istep(carry):
        lo2, hi2 = carry
        mid = (lo2 + hi2) >> 1
        cnt = jnp.sum((eq & (idx <= mid)).astype(i32), axis=1, keepdims=True)
        ge = cnt >= need
        return jnp.where(ge, lo2, mid + 1), jnp.where(ge, mid, hi2)

    lo2, _ = lax.while_loop(icond, istep, (lo2, hi2))
    thr_ref[...] = jnp.broadcast_to(v, (r_rows, 128))
    cut_ref[...] = jnp.broadcast_to(lo2, (r_rows, 128))


def _thresholds(x, k, rows_per_block):
    bsz, n = x.shape
    grid = bsz // rows_per_block
    body = functools.partial(_thresh_body, k=k)
    return pl.pallas_call(
        body,
        grid=(grid,),
        in_specs=[pl.BlockSpec((rows_per_block, n), lambda i: (i, 0))],
        out_specs=[
            pl.BlockSpec((rows_per_block, 128), lambda i: (i, 0)),
            pl.BlockSpec((rows_per_block, 128), lambda i: (i, 0)),
        ],
        out_shape=[
            jax.ShapeDtypeStruct((bsz, 128), jnp.int32),
            jax.ShapeDtypeStruct((bsz, 128), jnp.int32),
        ],
    )(x)


def _sc_expand(x, thr, cut, s):
    bsz, n = x.shape
    info = plsc.get_sparse_core_info()
    nw = info.num_cores * info.num_subcores
    rows_w = bsz // nw
    nvec = n // 16
    unroll = 4
    mesh = plsc.VectorSubcoreMesh(core_axis_name="c", subcore_axis_name="s")

    @functools.partial(
        pl.kernel,
        mesh=mesh,
        out_type=jax.ShapeDtypeStruct((s, bsz, n), jnp.float32),
        scratch_types=[
            pltpu.VMEM((n,), jnp.float32),
            pltpu.VMEM((2, n), jnp.float32),
            pltpu.VMEM((rows_w, 128), jnp.int32),
            pltpu.VMEM((rows_w, 128), jnp.int32),
            pltpu.SemaphoreType.DMA,
        ],
    )
    def k(x_hbm, thr_hbm, cut_hbm, out_hbm, xrow, mrow, thrv, cutv, osem):
        wid = lax.axis_index("s") * info.num_cores + lax.axis_index("c")
        base_row = wid * rows_w
        lane = lax.iota(jnp.int32, 16)
        pltpu.sync_copy(thr_hbm.at[pl.ds(base_row, rows_w)], thrv)
        pltpu.sync_copy(cut_hbm.at[pl.ds(base_row, rows_w)], cutv)
        out_dma = [None] * rows_w
        for r in range(rows_w):
            row = base_row + r
            pltpu.sync_copy(x_hbm.at[row], xrow)
            tv = thrv[r, pl.ds(0, 16)]
            cv = cutv[r, pl.ds(0, 16)]
            mbuf = mrow.at[r % 2]
            if r >= 2:
                for h in out_dma[r - 2]:
                    h.wait()

            def body(j, carry):
                for u in range(unroll):
                    base = (j * unroll + u) * 16
                    xv = xrow[pl.ds(base, 16)]
                    bv = lax.bitcast_convert_type(xv, jnp.int32)
                    kv = jnp.where(bv >= 0, bv, bv ^ jnp.int32(0x7FFFFFFF))
                    iv = base + lane
                    m = (kv > tv) | ((kv == tv) & (iv <= cv))
                    mbuf[pl.ds(base, 16)] = jnp.where(
                        m, jnp.float32(1.0), jnp.float32(0.0)
                    )
                return carry

            lax.fori_loop(0, nvec // unroll, body, jnp.int32(0))
            out_dma[r] = [
                pltpu.async_copy(mbuf, out_hbm.at[si, row], osem)
                for si in range(s)
            ]
        for r in range(max(0, rows_w - 2), rows_w):
            for h in out_dma[r]:
                h.wait()

    return k(x, thr, cut)


def kernel(logits):
    bsz, n, _ = logits.shape
    x = jnp.squeeze(logits, axis=-1)
    rows_per_block = 32 if bsz % 32 == 0 else bsz
    thr, cut = _thresholds(x, _K, rows_per_block)
    out = _sc_expand(x, thr, cut, _S)
    return out.reshape(_S, bsz, n, 1)

# --- scband reference (transcript-rebuilt; emitter-appended) ---
"""Pipeline reference for scband-subset-layer-35450660061325 (READ-ONLY COPY).

The authoritative reference and input builder live on the scoring server;
editing this copy changes nothing except your own understanding.
"""

import jax, jax.numpy as jnp
import numpy as np

K = 64
NUM_SAMPLES = 4

def setup_inputs(seed: int = 0) -> dict:
    key = jax.random.key(seed)
    logits = jax.random.normal(key, (128, 32768, 1), dtype=jnp.float32)
    return {"logits": logits}

def reference(logits):
    # eval-mode path of SubsetLayer.forward
    scores = jnp.squeeze(logits, axis=-1)            # [B, N]
    _, indices = jax.lax.top_k(scores, K)            # [B, K]
    n = scores.shape[1]
    khot = jax.nn.one_hot(indices, n, dtype=jnp.float32).sum(axis=1)  # [B, N]
    khot = khot[None, :, :, None]                    # [1, B, N, 1]
    khot = jnp.broadcast_to(khot, (NUM_SAMPLES, khot.shape[1], khot.shape[2], 1))
    return khot

if __name__ == "__main__":
    import jax
    _d = setup_inputs()
    print(jax.jit(kernel)(*tuple(_d.values())))

</pallas_src>

<mosaic_0001>
#map = affine_map<(d0, d1) -> (0, 0)>
#map1 = affine_map<(d0, d1) -> (0, 0, 0)>
module attributes {stable_mosaic.version = 14 : i64} {
  func.func @k(%arg0: i32, %arg1: i32, %arg2: memref<128x32768xf32, #tpu.memory_space<hbm>>, %arg3: memref<128x128xi32, #tpu.memory_space<hbm>>, %arg4: memref<128x128xi32, #tpu.memory_space<hbm>>, %arg5: memref<4x128x32768xf32, #tpu.memory_space<hbm>>, %arg6: memref<32768xf32, #tpu.memory_space<vmem>>, %arg7: memref<2x32768xf32, #tpu.memory_space<vmem>>, %arg8: memref<4x128xi32, #tpu.memory_space<vmem>>, %arg9: memref<4x128xi32, #tpu.memory_space<vmem>>, %arg10: memref<!tpu.dma_semaphore, #tpu.memory_space<semaphore_mem>>) attributes {dimension_semantics = [#tpu.dimension_semantics<core_parallel>, #tpu.dimension_semantics<subcore_parallel>], iteration_bounds = array<i64: 2, 16>, scalar_prefetch = 0 : i64, scratch_operands = 5 : i64, tpu.core_type = #tpu.core_type<sc_vector_subcore>, window_params = [{transform_indices = #map}, {transform_indices = #map}, {transform_indices = #map}, {transform_indices = #map1}]} {
    %mul3A = arith.constant 2 : i32
    %mul3A_0 = arith.muli %arg1, %mul3A : i32
    %add3A = arith.addi %mul3A_0, %arg0 : i32
    %mul3A_1 = arith.constant 4 : i32
    %mul3A_2 = arith.muli %add3A, %mul3A_1 : i32
    %iota3A = tpu.iota {dimensions = array<i32: 0>} : vector<16xi32>
    "tpu.region"() ({
      %run_scoped3A = tpu.sem_alloc : memref<!tpu.dma_semaphore, #tpu.memory_space<semaphore_mem>>
      %dma_start3A_523 = arith.constant 0 : i32
      %dma_start3A_524 = tpu.memref_slice %arg3[%mul3A_2, %dma_start3A_523] : memref<128x128xi32, #tpu.memory_space<hbm>> -> memref<4x128xi32, #tpu.memory_space<hbm>>
      %dma_start3A_525 = arith.constant 0 : i32
      %dma_start3A_526 = tpu.memref_slice %arg3[%mul3A_2, %dma_start3A_525] : memref<128x128xi32, #tpu.memory_space<hbm>> -> memref<4x128xi32, #tpu.memory_space<hbm>>
      tpu.enqueue_dma source(%dma_start3A_526 : memref<4x128xi32, #tpu.memory_space<hbm>>) target(%arg8 : memref<4x128xi32, #tpu.memory_space<vmem>>) target_semaphore(%run_scoped3A : memref<!tpu.dma_semaphore, #tpu.memory_space<semaphore_mem>>)
      %dma_wait3A_527 = arith.constant 0 : i32
      %dma_wait3A_528 = tpu.memref_slice %arg3[%mul3A_2, %dma_wait3A_527] : memref<128x128xi32, #tpu.memory_space<hbm>> -> memref<4x128xi32, #tpu.memory_space<hbm>>
      %dma_wait3A_529 = arith.constant 0 : i32
      %dma_wait3A_530 = tpu.memref_slice %arg3[%mul3A_2, %dma_wait3A_529] : memref<128x128xi32, #tpu.memory_space<hbm>> -> memref<4x128xi32, #tpu.memory_space<hbm>>
      tpu.wait_dma2 semaphore(%run_scoped3A : memref<!tpu.dma_semaphore, #tpu.memory_space<semaphore_mem>>) src(%dma_wait3A_530 : memref<4x128xi32, #tpu.memory_space<hbm>>) dst(%arg8 : memref<4x128xi32, #tpu.memory_space<vmem>>)
      tpu.yield
    }) : () -> ()
    "tpu.region"() ({
      %run_scoped3A = tpu.sem_alloc : memref<!tpu.dma_semaphore, #tpu.memory_space<semaphore_mem>>
      %dma_start3A_523 = arith.constant 0 : i32
      %dma_start3A_524 = tpu.memref_slice %arg4[%mul3A_2, %dma_start3A_523] : memref<128x128xi32, #tpu.memory_space<hbm>> -> memref<4x128xi32, #tpu.memory_space<hbm>>
      %dma_start3A_525 = arith.constant 0 : i32
      %dma_start3A_526 = tpu.memref_slice %arg4[%mul3A_2, %dma_start3A_525] : memref<128x128xi32, #tpu.memory_space<hbm>> -> memref<4x128xi32, #tpu.memory_space<hbm>>
      tpu.enqueue_dma source(%dma_start3A_526 : memref<4x128xi32, #tpu.memory_space<hbm>>) target(%arg9 : memref<4x128xi32, #tpu.memory_space<vmem>>) target_semaphore(%run_scoped3A : memref<!tpu.dma_semaphore, #tpu.memory_space<semaphore_mem>>)
      %dma_wait3A_527 = arith.constant 0 : i32
      %dma_wait3A_528 = tpu.memref_slice %arg4[%mul3A_2, %dma_wait3A_527] : memref<128x128xi32, #tpu.memory_space<hbm>> -> memref<4x128xi32, #tpu.memory_space<hbm>>
      %dma_wait3A_529 = arith.constant 0 : i32
      %dma_wait3A_530 = tpu.memref_slice %arg4[%mul3A_2, %dma_wait3A_529] : memref<128x128xi32, #tpu.memory_space<hbm>> -> memref<4x128xi32, #tpu.memory_space<hbm>>
      tpu.wait_dma2 semaphore(%run_scoped3A : memref<!tpu.dma_semaphore, #tpu.memory_space<semaphore_mem>>) src(%dma_wait3A_530 : memref<4x128xi32, #tpu.memory_space<hbm>>) dst(%arg9 : memref<4x128xi32, #tpu.memory_space<vmem>>)
      tpu.yield
    }) : () -> ()
    %add3A_3 = arith.constant 0 : i32
    %add3A_4 = arith.addi %mul3A_2, %add3A_3 : i32
    "tpu.region"() ({
      %run_scoped3A = tpu.sem_alloc : memref<!tpu.dma_semaphore, #tpu.memory_space<semaphore_mem>>
      %dma_start3A_523 = arith.constant 0 : i32
      %dma_start3A_524 = tpu.memref_slice %arg2[%add3A_4, %dma_start3A_523] : memref<128x32768xf32, #tpu.memory_space<hbm>> -> memref<1x32768xf32, #tpu.memory_space<hbm>>
      %dma_start3A_525 = tpu.memref_squeeze %dma_start3A_524 : memref<1x32768xf32, #tpu.memory_space<hbm>> -> memref<32768xf32, #tpu.memory_space<hbm>>
      %dma_start3A_526 = arith.constant 0 : i32
      %dma_start3A_527 = tpu.memref_slice %arg2[%add3A_4, %dma_start3A_526] : memref<128x32768xf32, #tpu.memory_space<hbm>> -> memref<1x32768xf32, #tpu.memory_space<hbm>>
      %dma_start3A_528 = tpu.memref_squeeze %dma_start3A_527 : memref<1x32768xf32, #tpu.memory_space<hbm>> -> memref<32768xf32, #tpu.memory_space<hbm>>
      tpu.enqueue_dma source(%dma_start3A_528 : memref<32768xf32, #tpu.memory_space<hbm>>) target(%arg6 : memref<32768xf32, #tpu.memory_space<vmem>>) target_semaphore(%run_scoped3A : memref<!tpu.dma_semaphore, #tpu.memory_space<semaphore_mem>>)
      %dma_wait3A_529 = arith.constant 0 : i32
      %dma_wait3A_530 = tpu.memref_slice %arg2[%add3A_4, %dma_wait3A_529] : memref<128x32768xf32, #tpu.memory_space<hbm>> -> memref<1x32768xf32, #tpu.memory_space<hbm>>
      %dma_wait3A_531 = tpu.memref_squeeze %dma_wait3A_530 : memref<1x32768xf32, #tpu.memory_space<hbm>> -> memref<32768xf32, #tpu.memory_space<hbm>>
      %dma_wait3A_532 = arith.constant 0 : i32
      %dma_wait3A_533 = tpu.memref_slice %arg2[%add3A_4, %dma_wait3A_532] : memref<128x32768xf32, #tpu.memory_space<hbm>> -> memref<1x32768xf32, #tpu.memory_space<hbm>>
      %dma_wait3A_534 = tpu.memref_squeeze %dma_wait3A_533 : memref<1x32768xf32, #tpu.memory_space<hbm>> -> memref<32768xf32, #tpu.memory_space<hbm>>
      tpu.wait_dma2 semaphore(%run_scoped3A : memref<!tpu.dma_semaphore, #tpu.memory_space<semaphore_mem>>) src(%dma_wait3A_534 : memref<32768xf32, #tpu.memory_space<hbm>>) dst(%arg6 : memref<32768xf32, #tpu.memory_space<vmem>>)
      tpu.yield
    }) : () -> ()
    %get3A = arith.constant 0 : i32
    %get3A_5 = arith.index_cast %get3A : i32 to index
    %get3A_6 = arith.constant 0 : index
    %get3A_7 = tpu.vector_load %arg8[%get3A_5, %get3A_6] {strides = array<i32>} : memref<4x128xi32, #tpu.memory_space<vmem>>, vector<1x16xi32>,
    %get3A_8 = vector.shape_cast %get3A_7 : vector<1x16xi32> to vector<16xi32>
    %get3A_9 = arith.constant 0 : i32
    %get3A_10 = arith.index_cast %get3A_9 : i32 to index
    %get3A_11 = arith.constant 0 : index
    %get3A_12 = tpu.vector_load %arg9[%get3A_10, %get3A_11] {strides = array<i32>} : memref<4x128xi32, #tpu.memory_space<vmem>>, vector<1x16xi32>,
    %get3A_13 = vector.shape_cast %get3A_12 : vector<1x16xi32> to vector<16xi32>
    %scan3A = arith.constant 0 : i32
    %scan3A_14 = arith.constant 0 : i32
    %scan3A_15 = arith.constant 0 : i32
    %scan3A_16 = arith.constant 512 : i32
    %scan3A_17 = arith.addi %scan3A_15, %scan3A_16 : i32
    %scan3A_18 = arith.constant 1 : i32
    scf.for %scan3A_523 = %scan3A_15 to %scan3A_17 step %scan3A_18  : i32 {
      %mul3A_524 = arith.constant 4 : i32
      %mul3A_525 = arith.muli %scan3A_523, %mul3A_524 : i32
      %add3A_526 = arith.constant 0 : i32
      %add3A_527 = arith.addi %mul3A_525, %add3A_526 : i32
      %mul3A_528 = arith.constant 16 : i32
      %mul3A_529 = arith.muli %add3A_527, %mul3A_528 : i32
      %get3A_530 = arith.index_cast %mul3A_529 : i32 to index
      %get3A_531 = tpu.vector_load %arg6[%get3A_530] {strides = array<i32>} : memref<32768xf32, #tpu.memory_space<vmem>>, vector<16xf32>,
      %get3A_532 = vector.shape_cast %get3A_531 : vector<16xf32> to vector<16xf32>
      %bitcast_convert_type3A = tpu.bitcast %get3A_532 : vector<16xf32> -> vector<16xi32>
      %ge3A = arith.constant 0 : i32
      %ge3A_533 = vector.broadcast %ge3A : i32 to vector<16xi32>
      %ge3A_534 = arith.cmpi sge, %bitcast_convert_type3A, %ge3A_533 : vector<16xi32>
      %xor3A = arith.constant 2147483647 : i32
      %xor3A_535 = vector.broadcast %xor3A : i32 to vector<16xi32>
      %xor3A_536 = arith.xori %bitcast_convert_type3A, %xor3A_535 : vector<16xi32>
      %select_n3A = arith.select %ge3A_534, %bitcast_convert_type3A, %xor3A_536 : vector<16xi1>, vector<16xi32>
      %add3A_537 = vector.broadcast %mul3A_529 : i32 to vector<16xi32>
      %add3A_538 = arith.addi %add3A_537, %iota3A : vector<16xi32>
      %gt3A = arith.cmpi sgt, %select_n3A, %get3A_8 : vector<16xi32>
      %eq3A = arith.cmpi eq, %select_n3A, %get3A_8 : vector<16xi32>
      %le3A = arith.cmpi sle, %add3A_538, %get3A_13 : vector<16xi32>
      %and3A = arith.andi %eq3A, %le3A : vector<16xi1>
      %or3A = arith.ori %gt3A, %and3A : vector<16xi1>
      %jit3A = arith.constant 1.000000e+00 : f32
      %jit3A_539 = arith.constant 0.000000e+00 : f32
      %broadcast_in_dim3A = vector.broadcast %jit3A : f32 to vector<16xf32>
      %broadcast_in_dim3A_540 = vector.broadcast %jit3A_539 : f32 to vector<16xf32>
      %select_n3A_541 = arith.select %or3A, %broadcast_in_dim3A, %broadcast_in_dim3A_540 : vector<16xi1>, vector<16xf32>
      %swap3A = arith.constant 0 : i32
      %swap3A_542 = tpu.memref_slice %arg7[%scan3A_14, %swap3A] : memref<2x32768xf32, #tpu.memory_space<vmem>> -> memref<1x32768xf32, #tpu.memory_space<vmem>>
      %swap3A_543 = tpu.memref_squeeze %swap3A_542 : memref<1x32768xf32, #tpu.memory_space<vmem>> -> memref<32768xf32, #tpu.memory_space<vmem>>
      %swap3A_544 = arith.index_cast %mul3A_529 : i32 to index
      %swap3A_545 = tpu.vector_load %swap3A_543[%swap3A_544] {strides = array<i32>} : memref<32768xf32, #tpu.memory_space<vmem>>, vector<16xf32>,
      %swap3A_546 = vector.shape_cast %swap3A_545 : vector<16xf32> to vector<16xf32>
      %swap3A_547 = vector.shape_cast %select_n3A_541 : vector<16xf32> to vector<16xf32>
      tpu.vector_store %swap3A_543[%swap3A_544], %swap3A_547 {strides = array<i32>} : memref<32768xf32, #tpu.memory_space<vmem>>, vector<16xf32>,
      %mul3A_548 = arith.constant 4 : i32
      %mul3A_549 = arith.muli %scan3A_523, %mul3A_548 : i32
      %add3A_550 = arith.constant 1 : i32
      %add3A_551 = arith.addi %mul3A_549, %add3A_550 : i32
      %mul3A_552 = arith.constant 16 : i32
      %mul3A_553 = arith.muli %add3A_551, %mul3A_552 : i32
      %get3A_554 = arith.index_cast %mul3A_553 : i32 to index
      %get3A_555 = tpu.vector_load %arg6[%get3A_554] {strides = array<i32>} : memref<32768xf32, #tpu.memory_space<vmem>>, vector<16xf32>,
      %get3A_556 = vector.shape_cast %get3A_555 : vector<16xf32> to vector<16xf32>
      %bitcast_convert_type3A_557 = tpu.bitcast %get3A_556 : vector<16xf32> -> vector<16xi32>
      %ge3A_558 = arith.constant 0 : i32
      %ge3A_559 = vector.broadcast %ge3A_558 : i32 to vector<16xi32>
      %ge3A_560 = arith.cmpi sge, %bitcast_convert_type3A_557, %ge3A_559 : vector<16xi32>
      %xor3A_561 = arith.constant 2147483647 : i32
      %xor3A_562 = vector.broadcast %xor3A_561 : i32 to vector<16xi32>
      %xor3A_563 = arith.xori %bitcast_convert_type3A_557, %xor3A_562 : vector<16xi32>
      %select_n3A_564 = arith.select %ge3A_560, %bitcast_convert_type3A_557, %xor3A_563 : vector<16xi1>, vector<16xi32>
      %add3A_565 = vector.broadcast %mul3A_553 : i32 to vector<16xi32>
      %add3A_566 = arith.addi %add3A_565, %iota3A : vector<16xi32>
      %gt3A_567 = arith.cmpi sgt, %select_n3A_564, %get3A_8 : vector<16xi32>
      %eq3A_568 = arith.cmpi eq, %select_n3A_564, %get3A_8 : vector<16xi32>
      %le3A_569 = arith.cmpi sle, %add3A_566, %get3A_13 : vector<16xi32>
      %and3A_570 = arith.andi %eq3A_568, %le3A_569 : vector<16xi1>
      %or3A_571 = arith.ori %gt3A_567, %and3A_570 : vector<16xi1>
      %jit3A_572 = arith.constant 1.000000e+00 : f32
      %jit3A_573 = arith.constant 0.000000e+00 : f32
      %broadcast_in_dim3A_574 = vector.broadcast %jit3A_572 : f32 to vector<16xf32>
      %broadcast_in_dim3A_575 = vector.broadcast %jit3A_573 : f32 to vector<16xf32>
      %select_n3A_576 = arith.select %or3A_571, %broadcast_in_dim3A_574, %broadcast_in_dim3A_575 : vector<16xi1>, vector<16xf32>
      %swap3A_577 = arith.constant 0 : i32
      %swap3A_578 = tpu.memref_slice %arg7[%scan3A_14, %swap3A_577] : memref<2x32768xf32, #tpu.memory_space<vmem>> -> memref<1x32768xf32, #tpu.memory_space<vmem>>
      %swap3A_579 = tpu.memref_squeeze %swap3A_578 : memref<1x32768xf32, #tpu.memory_space<vmem>> -> memref<32768xf32, #tpu.memory_space<vmem>>
      %swap3A_580 = arith.index_cast %mul3A_553 : i32 to index
      %swap3A_581 = tpu.vector_load %swap3A_579[%swap3A_580] {strides = array<i32>} : memref<32768xf32, #tpu.memory_space<vmem>>, vector<16xf32>,
      %swap3A_582 = vector.shape_cast %swap3A_581 : vector<16xf32> to vector<16xf32>
      %swap3A_583 = vector.shape_cast %select_n3A_576 : vector<16xf32> to vector<16xf32>
      tpu.vector_store %swap3A_579[%swap3A_580], %swap3A_583 {strides = array<i32>} : memref<32768xf32, #tpu.memory_space<vmem>>, vector<16xf32>,
      %mul3A_584 = arith.constant 4 : i32
      %mul3A_585 = arith.muli %scan3A_523, %mul3A_584 : i32
      %add3A_586 = arith.constant 2 : i32
      %add3A_587 = arith.addi %mul3A_585, %add3A_586 : i32
      %mul3A_588 = arith.constant 16 : i32
      %mul3A_589 = arith.muli %add3A_587, %mul3A_588 : i32
      %get3A_590 = arith.index_cast %mul3A_589 : i32 to index
      %get3A_591 = tpu.vector_load %arg6[%get3A_590] {strides = array<i32>} : memref<32768xf32, #tpu.memory_space<vmem>>, vector<16xf32>,
      %get3A_592 = vector.shape_cast %get3A_591 : vector<16xf32> to vector<16xf32>
      %bitcast_convert_type3A_593 = tpu.bitcast %get3A_592 : vector<16xf32> -> vector<16xi32>
      %ge3A_594 = arith.constant 0 : i32
      %ge3A_595 = vector.broadcast %ge3A_594 : i32 to vector<16xi32>
      %ge3A_596 = arith.cmpi sge, %bitcast_convert_type3A_593, %ge3A_595 : vector<16xi32>
      %xor3A_597 = arith.constant 2147483647 : i32
      %xor3A_598 = vector.broadcast %xor3A_597 : i32 to vector<16xi32>
      %xor3A_599 = arith.xori %bitcast_convert_type3A_593, %xor3A_598 : vector<16xi32>
      %select_n3A_600 = arith.select %ge3A_596, %bitcast_convert_type3A_593, %xor3A_599 : vector<16xi1>, vector<16xi32>
      %add3A_601 = vector.broadcast %mul3A_589 : i32 to vector<16xi32>
      %add3A_602 = arith.addi %add3A_601, %iota3A : vector<16xi32>
      %gt3A_603 = arith.cmpi sgt, %select_n3A_600, %get3A_8 : vector<16xi32>
      %eq3A_604 = arith.cmpi eq, %select_n3A_600, %get3A_8 : vector<16xi32>
      %le3A_605 = arith.cmpi sle, %add3A_602, %get3A_13 : vector<16xi32>
      %and3A_606 = arith.andi %eq3A_604, %le3A_605 : vector<16xi1>
      %or3A_607 = arith.ori %gt3A_603, %and3A_606 : vector<16xi1>
      %jit3A_608 = arith.constant 1.000000e+00 : f32
      %jit3A_609 = arith.constant 0.000000e+00 : f32
      %broadcast_in_dim3A_610 = vector.broadcast %jit3A_608 : f32 to vector<16xf32>
      %broadcast_in_dim3A_611 = vector.broadcast %jit3A_609 : f32 to vector<16xf32>
      %select_n3A_612 = arith.select %or3A_607, %broadcast_in_dim3A_610, %broadcast_in_dim3A_611 : vector<16xi1>, vector<16xf32>
      %swap3A_613 = arith.constant 0 : i32
      %swap3A_614 = tpu.memref_slice %arg7[%scan3A_14, %swap3A_613] : memref<2x32768xf32, #tpu.memory_space<vmem>> -> memref<1x32768xf32, #tpu.memory_space<vmem>>
      %swap3A_615 = tpu.memref_squeeze %swap3A_614 : memref<1x32768xf32, #tpu.memory_space<vmem>> -> memref<32768xf32, #tpu.memory_space<vmem>>
      %swap3A_616 = arith.index_cast %mul3A_589 : i32 to index
      %swap3A_617 = tpu.vector_load %swap3A_615[%swap3A_616] {strides = array<i32>} : memref<32768xf32, #tpu.memory_space<vmem>>, vector<16xf32>,
      %swap3A_618 = vector.shape_cast %swap3A_617 : vector<16xf32> to vector<16xf32>
      %swap3A_619 = vector.shape_cast %select_n3A_612 : vector<16xf32> to vector<16xf32>
      tpu.vector_store %swap3A_615[%swap3A_616], %swap3A_619 {strides = array<i32>} : memref<32768xf32, #tpu.memory_space<vmem>>, vector<16xf32>,
      %mul3A_620 = arith.constant 4 : i32
      %mul3A_621 = arith.muli %scan3A_523, %mul3A_620 : i32
      %add3A_622 = arith.constant 3 : i32
      %add3A_623 = arith.addi %mul3A_621, %add3A_622 : i32
      %mul3A_624 = arith.constant 16 : i32
      %mul3A_625 = arith.muli %add3A_623, %mul3A_624 : i32
      %get3A_626 = arith.index_cast %mul3A_625 : i32 to index
      %get3A_627 = tpu.vector_load %arg6[%get3A_626] {strides = array<i32>} : memref<32768xf32, #tpu.memory_space<vmem>>, vector<16xf32>,
      %get3A_628 = vector.shape_cast %get3A_627 : vector<16xf32> to vector<16xf32>
      %bitcast_convert_type3A_629 = tpu.bitcast %get3A_628 : vector<16xf32> -> vector<16xi32>
      %ge3A_630 = arith.constant 0 : i32
      %ge3A_631 = vector.broadcast %ge3A_630 : i32 to vector<16xi32>
      %ge3A_632 = arith.cmpi sge, %bitcast_convert_type3A_629, %ge3A_631 : vector<16xi32>
      %xor3A_633 = arith.constant 2147483647 : i32
      %xor3A_634 = vector.broadcast %xor3A_633 : i32 to vector<16xi32>
      %xor3A_635 = arith.xori %bitcast_convert_type3A_629, %xor3A_634 : vector<16xi32>
      %select_n3A_636 = arith.select %ge3A_632, %bitcast_convert_type3A_629, %xor3A_635 : vector<16xi1>, vector<16xi32>
      %add3A_637 = vector.broadcast %mul3A_625 : i32 to vector<16xi32>
      %add3A_638 = arith.addi %add3A_637, %iota3A : vector<16xi32>
      %gt3A_639 = arith.cmpi sgt, %select_n3A_636, %get3A_8 : vector<16xi32>
      %eq3A_640 = arith.cmpi eq, %select_n3A_636, %get3A_8 : vector<16xi32>
      %le3A_641 = arith.cmpi sle, %add3A_638, %get3A_13 : vector<16xi32>
      %and3A_642 = arith.andi %eq3A_640, %le3A_641 : vector<16xi1>
      %or3A_643 = arith.ori %gt3A_639, %and3A_642 : vector<16xi1>
      %jit3A_644 = arith.constant 1.000000e+00 : f32
      %jit3A_645 = arith.constant 0.000000e+00 : f32
      %broadcast_in_dim3A_646 = vector.broadcast %jit3A_644 : f32 to vector<16xf32>
      %broadcast_in_dim3A_647 = vector.broadcast %jit3A_645 : f32 to vector<16xf32>
      %select_n3A_648 = arith.select %or3A_643, %broadcast_in_dim3A_646, %broadcast_in_dim3A_647 : vector<16xi1>, vector<16xf32>
      %swap3A_649 = arith.constant 0 : i32
      %swap3A_650 = tpu.memref_slice %arg7[%scan3A_14, %swap3A_649] : memref<2x32768xf32, #tpu.memory_space<vmem>> -> memref<1x32768xf32, #tpu.memory_space<vmem>>
      %swap3A_651 = tpu.memref_squeeze %swap3A_650 : memref<1x32768xf32, #tpu.memory_space<vmem>> -> memref<32768xf32, #tpu.memory_space<vmem>>
      %swap3A_652 = arith.index_cast %mul3A_625 : i32 to index
      %swap3A_653 = tpu.vector_load %swap3A_651[%swap3A_652] {strides = array<i32>} : memref<32768xf32, #tpu.memory_space<vmem>>, vector<16xf32>,
      %swap3A_654 = vector.shape_cast %swap3A_653 : vector<16xf32> to vector<16xf32>
      %swap3A_655 = vector.shape_cast %select_n3A_648 : vector<16xf32> to vector<16xf32>
      tpu.vector_store %swap3A_651[%swap3A_652], %swap3A_655 {strides = array<i32>} : memref<32768xf32, #tpu.memory_space<vmem>>, vector<16xf32>,
    }
    %scan3A_19 = arith.constant 512 : i32
    %dma_start3A = arith.constant 0 : i32
    %dma_start3A_20 = arith.constant 0 : i32
    %dma_start3A_21 = arith.constant 0 : i32
    %dma_start3A_22 = tpu.memref_slice %arg7[%dma_start3A, %dma_start3A_21] : memref<2x32768xf32, #tpu.memory_space<vmem>> -> memref<1x32768xf32, #tpu.memory_space<vmem>>
    %dma_start3A_23 = tpu.memref_squeeze %dma_start3A_22 : memref<1x32768xf32, #tpu.memory_space<vmem>> -> memref<32768xf32, #tpu.memory_space<vmem>>
    %dma_start3A_24 = arith.constant 0 : i32
    %dma_start3A_25 = tpu.memref_slice %arg5[%dma_start3A_20, %add3A_4, %dma_start3A_24] : memref<4x128x32768xf32, #tpu.memory_space<hbm>> -> memref<1x1x32768xf32, #tpu.memory_space<hbm>>
    %dma_start3A_26 = tpu.memref_squeeze %dma_start3A_25 : memref<1x1x32768xf32, #tpu.memory_space<hbm>> -> memref<32768xf32, #tpu.memory_space<hbm>>
    %dma_start3A_27 = arith.constant 0 : i32
    %dma_start3A_28 = tpu.memref_slice %arg5[%dma_start3A_20, %add3A_4, %dma_start3A_27] : memref<4x128x32768xf32, #tpu.memory_space<hbm>> -> memref<1x1x32768xf32, #tpu.memory_space<hbm>>
    %dma_start3A_29 = tpu.memref_squeeze %dma_start3A_28 : memref<1x1x32768xf32, #tpu.memory_space<hbm>> -> memref<32768xf32, #tpu.memory_space<hbm>>
    %dma_start3A_30 = arith.constant 0 : i32
    %dma_start3A_31 = tpu.memref_slice %arg7[%dma_start3A, %dma_start3A_30] : memref<2x32768xf32, #tpu.memory_space<vmem>> -> memref<1x32768xf32, #tpu.memory_space<vmem>>
    %dma_start3A_32 = tpu.memref_squeeze %dma_start3A_31 : memref<1x32768xf32, #tpu.memory_space<vmem>> -> memref<32768xf32, #tpu.memory_space<vmem>>
    tpu.enqueue_dma source(%dma_start3A_32 : memref<32768xf32, #tpu.memory_space<vmem>>) target(%dma_start3A_29 : memref<32768xf32, #tpu.memory_space<hbm>>) target_semaphore(%arg10 : memref<!tpu.dma_semaphore, #tpu.memory_space<semaphore_mem>>)
    %dma_start3A_33 = arith.constant 0 : i32
    %dma_start3A_34 = arith.constant 1 : i32
    %dma_start3A_35 = arith.constant 0 : i32
    %dma_start3A_36 = tpu.memref_slice %arg7[%dma_start3A_33, %dma_start3A_35] : memref<2x32768xf32, #tpu.memory_space<vmem>> -> memref<1x32768xf32, #tpu.memory_space<vmem>>
    %dma_start3A_37 = tpu.memref_squeeze %dma_start3A_36 : memref<1x32768xf32, #tpu.memory_space<vmem>> -> memref<32768xf32, #tpu.memory_space<vmem>>
    %dma_start3A_38 = arith.constant 0 : i32
    %dma_start3A_39 = tpu.memref_slice %arg5[%dma_start3A_34, %add3A_4, %dma_start3A_38] : memref<4x128x32768xf32, #tpu.memory_space<hbm>> -> memref<1x1x32768xf32, #tpu.memory_space<hbm>>
    %dma_start3A_40 = tpu.memref_squeeze %dma_start3A_39 : memref<1x1x32768xf32, #tpu.memory_space<hbm>> -> memref<32768xf32, #tpu.memory_space<hbm>>
    %dma_start3A_41 = arith.constant 0 : i32
    %dma_start3A_42 = tpu.memref_slice %arg5[%dma_start3A_34, %add3A_4, %dma_start3A_41] : memref<4x128x32768xf32, #tpu.memory_space<hbm>> -> memref<1x1x32768xf32, #tpu.memory_space<hbm>>
    %dma_start3A_43 = tpu.memref_squeeze %dma_start3A_42 : memref<1x1x32768xf32, #tpu.memory_space<hbm>> -> memref<32768xf32, #tpu.memory_space<hbm>>
    %dma_start3A_44 = arith.constant 0 : i32
    %dma_start3A_45 = tpu.memref_slice %arg7[%dma_start3A_33, %dma_start3A_44] : memref<2x32768xf32, #tpu.memory_space<vmem>> -> memref<1x32768xf32, #tpu.memory_space<vmem>>
    %dma_start3A_46 = tpu.memref_squeeze %dma_start3A_45 : memref<1x32768xf32, #tpu.memory_space<vmem>> -> memref<32768xf32, #tpu.memory_space<vmem>>
    tpu.enqueue_dma source(%dma_start3A_46 : memref<32768xf32, #tpu.memory_space<vmem>>) target(%dma_start3A_43 : memref<32768xf32, #tpu.memory_space<hbm>>) target_semaphore(%arg10 : memref<!tpu.dma_semaphore, #tpu.memory_space<semaphore_mem>>)
    %dma_start3A_47 = arith.constant 0 : i32
    %dma_start3A_48 = arith.constant 2 : i32
    %dma_start3A_49 = arith.constant 0 : i32
    %dma_start3A_50 = tpu.memref_slice %arg7[%dma_start3A_47, %dma_start3A_49] : memref<2x32768xf32, #tpu.memory_space<vmem>> -> memref<1x32768xf32, #tpu.memory_space<vmem>>
    %dma_start3A_51 = tpu.memref_squeeze %dma_start3A_50 : memref<1x32768xf32, #tpu.memory_space<vmem>> -> memref<32768xf32, #tpu.memory_space<vmem>>
    %dma_start3A_52 = arith.constant 0 : i32
    %dma_start3A_53 = tpu.memref_slice %arg5[%dma_start3A_48, %add3A_4, %dma_start3A_52] : memref<4x128x32768xf32, #tpu.memory_space<hbm>> -> memref<1x1x32768xf32, #tpu.memory_space<hbm>>
    %dma_start3A_54 = tpu.memref_squeeze %dma_start3A_53 : memref<1x1x32768xf32, #tpu.memory_space<hbm>> -> memref<32768xf32, #tpu.memory_space<hbm>>
    %dma_start3A_55 = arith.constant 0 : i32
    %dma_start3A_56 = tpu.memref_slice %arg5[%dma_start3A_48, %add3A_4, %dma_start3A_55] : memref<4x128x32768xf32, #tpu.memory_space<hbm>> -> memref<1x1x32768xf32, #tpu.memory_space<hbm>>
    %dma_start3A_57 = tpu.memref_squeeze %dma_start3A_56 : memref<1x1x32768xf32, #tpu.memory_space<hbm>> -> memref<32768xf32, #tpu.memory_space<hbm>>
    %dma_start3A_58 = arith.constant 0 : i32
    %dma_start3A_59 = tpu.memref_slice %arg7[%dma_start3A_47, %dma_start3A_58] : memref<2x32768xf32, #tpu.memory_space<vmem>> -> memref<1x32768xf32, #tpu.memory_space<vmem>>
    %dma_start3A_60 = tpu.memref_squeeze %dma_start3A_59 : memref<1x32768xf32, #tpu.memory_space<vmem>> -> memref<32768xf32, #tpu.memory_space<vmem>>
    tpu.enqueue_dma source(%dma_start3A_60 : memref<32768xf32, #tpu.memory_space<vmem>>) target(%dma_start3A_57 : memref<32768xf32, #tpu.memory_space<hbm>>) target_semaphore(%arg10 : memref<!tpu.dma_semaphore, #tpu.memory_space<semaphore_mem>>)
    %dma_start3A_61 = arith.constant 0 : i32
    %dma_start3A_62 = arith.constant 3 : i32
    %dma_start3A_63 = arith.constant 0 : i32
    %dma_start3A_64 = tpu.memref_slice %arg7[%dma_start3A_61, %dma_start3A_63] : memref<2x32768xf32, #tpu.memory_space<vmem>> -> memref<1x32768xf32, #tpu.memory_space<vmem>>
    %dma_start3A_65 = tpu.memref_squeeze %dma_start3A_64 : memref<1x32768xf32, #tpu.memory_space<vmem>> -> memref<32768xf32, #tpu.memory_space<vmem>>
    %dma_start3A_66 = arith.constant 0 : i32
    %dma_start3A_67 = tpu.memref_slice %arg5[%dma_start3A_62, %add3A_4, %dma_start3A_66] : memref<4x128x32768xf32, #tpu.memory_space<hbm>> -> memref<1x1x32768xf32, #tpu.memory_space<hbm>>
    %dma_start3A_68 = tpu.memref_squeeze %dma_start3A_67 : memref<1x1x32768xf32, #tpu.memory_space<hbm>> -> memref<32768xf32, #tpu.memory_space<hbm>>
    %dma_start3A_69 = arith.constant 0 : i32
    %dma_start3A_70 = tpu.memref_slice %arg5[%dma_start3A_62, %add3A_4, %dma_start3A_69] : memref<4x128x32768xf32, #tpu.memory_space<hbm>> -> memref<1x1x32768xf32, #tpu.memory_space<hbm>>
    %dma_start3A_71 = tpu.memref_squeeze %dma_start3A_70 : memref<1x1x32768xf32, #tpu.memory_space<hbm>> -> memref<32768xf32, #tpu.memory_space<hbm>>
    %dma_start3A_72 = arith.constant 0 : i32
    %dma_start3A_73 = tpu.memref_slice %arg7[%dma_start3A_61, %dma_start3A_72] : memref<2x32768xf32, #tpu.memory_space<vmem>> -> memref<1x32768xf32, #tpu.memory_space<vmem>>
    %dma_start3A_74 = tpu.memref_squeeze %dma_start3A_73 : memref<1x32768xf32, #tpu.memory_space<vmem>> -> memref<32768xf32, #tpu.memory_space<vmem>>
    tpu.enqueue_dma source(%dma_start3A_74 : memref<32768xf32, #tpu.memory_space<vmem>>) target(%dma_start3A_71 : memref<32768xf32, #tpu.memory_space<hbm>>) target_semaphore(%arg10 : memref<!tpu.dma_semaphore, #tpu.memory_space<semaphore_mem>>)
    %add3A_75 = arith.constant 1 : i32
    %add3A_76 = arith.addi %mul3A_2, %add3A_75 : i32
    "tpu.region"() ({
      %run_scoped3A = tpu.sem_alloc : memref<!tpu.dma_semaphore, #tpu.memory_space<semaphore_mem>>
      %dma_start3A_523 = arith.constant 0 : i32
      %dma_start3A_524 = tpu.memref_slice %arg2[%add3A_76, %dma_start3A_523] : memref<128x32768xf32, #tpu.memory_space<hbm>> -> memref<1x32768xf32, #tpu.memory_space<hbm>>
      %dma_start3A_525 = tpu.memref_squeeze %dma_start3A_524 : memref<1x32768xf32, #tpu.memory_space<hbm>> -> memref<32768xf32, #tpu.memory_space<hbm>>
      %dma_start3A_526 = arith.constant 0 : i32
      %dma_start3A_527 = tpu.memref_slice %arg2[%add3A_76, %dma_start3A_526] : memref<128x32768xf32, #tpu.memory_space<hbm>> -> memref<1x32768xf32, #tpu.memory_space<hbm>>
      %dma_start3A_528 = tpu.memref_squeeze %dma_start3A_527 : memref<1x32768xf32, #tpu.memory_space<hbm>> -> memref<32768xf32, #tpu.memory_space<hbm>>
      tpu.enqueue_dma source(%dma_start3A_528 : memref<32768xf32, #tpu.memory_space<hbm>>) target(%arg6 : memref<32768xf32, #tpu.memory_space<vmem>>) target_semaphore(%run_scoped3A : memref<!tpu.dma_semaphore, #tpu.memory_space<semaphore_mem>>)
      %dma_wait3A_529 = arith.constant 0 : i32
      %dma_wait3A_530 = tpu.memref_slice %arg2[%add3A_76, %dma_wait3A_529] : memref<128x32768xf32, #tpu.memory_space<hbm>> -> memref<1x32768xf32, #tpu.memory_space<hbm>>
      %dma_wait3A_531 = tpu.memref_squeeze %dma_wait3A_530 : memref<1x32768xf32, #tpu.memory_space<hbm>> -> memref<32768xf32, #tpu.memory_space<hbm>>
      %dma_wait3A_532 = arith.constant 0 : i32
      %dma_wait3A_533 = tpu.memref_slice %arg2[%add3A_76, %dma_wait3A_532] : memref<128x32768xf32, #tpu.memory_space<hbm>> -> memref<1x32768xf32, #tpu.memory_space<hbm>>
      %dma_wait3A_534 = tpu.memref_squeeze %dma_wait3A_533 : memref<1x32768xf32, #tpu.memory_space<hbm>> -> memref<32768xf32, #tpu.memory_space<hbm>>
      tpu.wait_dma2 semaphore(%run_scoped3A : memref<!tpu.dma_semaphore, #tpu.memory_space<semaphore_mem>>) src(%dma_wait3A_534 : memref<32768xf32, #tpu.memory_space<hbm>>) dst(%arg6 : memref<32768xf32, #tpu.memory_space<vmem>>)
      tpu.yield
    }) : () -> ()
    %get3A_77 = arith.constant 1 : i32
    %get3A_78 = arith.index_cast %get3A_77 : i32 to index
    %get3A_79 = arith.constant 0 : index
    %get3A_80 = tpu.vector_load %arg8[%get3A_78, %get3A_79] {strides = array<i32>} : memref<4x128xi32, #tpu.memory_space<vmem>>, vector<1x16xi32>,
    %get3A_81 = vector.shape_cast %get3A_80 : vector<1x16xi32> to vector<16xi32>
    %get3A_82 = arith.constant 1 : i32
    %get3A_83 = arith.index_cast %get3A_82 : i32 to index
    %get3A_84 = arith.constant 0 : index
    %get3A_85 = tpu.vector_load %arg9[%get3A_83, %get3A_84] {strides = array<i32>} : memref<4x128xi32, #tpu.memory_space<vmem>>, vector<1x16xi32>,
    %get3A_86 = vector.shape_cast %get3A_85 : vector<1x16xi32> to vector<16xi32>
    %scan3A_87 = arith.constant 0 : i32
    %scan3A_88 = arith.constant 1 : i32
    %scan3A_89 = arith.constant 0 : i32
    %scan3A_90 = arith.constant 512 : i32
    %scan3A_91 = arith.addi %scan3A_89, %scan3A_90 : i32
    %scan3A_92 = arith.constant 1 : i32
    scf.for %scan3A_523 = %scan3A_89 to %scan3A_91 step %scan3A_92  : i32 {
      %mul3A_524 = arith.constant 4 : i32
      %mul3A_525 = arith.muli %scan3A_523, %mul3A_524 : i32
      %add3A_526 = arith.constant 0 : i32
      %add3A_527 = arith.addi %mul3A_525, %add3A_526 : i32
      %mul3A_528 = arith.constant 16 : i32
      %mul3A_529 = arith.muli %add3A_527, %mul3A_528 : i32
      %get3A_530 = arith.index_cast %mul3A_529 : i32 to index
      %get3A_531 = tpu.vector_load %arg6[%get3A_530] {strides = array<i32>} : memref<32768xf32, #tpu.memory_space<vmem>>, vector<16xf32>,
      %get3A_532 = vector.shape_cast %get3A_531 : vector<16xf32> to vector<16xf32>
      %bitcast_convert_type3A = tpu.bitcast %get3A_532 : vector<16xf32> -> vector<16xi32>
      %ge3A = arith.constant 0 : i32
      %ge3A_533 = vector.broadcast %ge3A : i32 to vector<16xi32>
      %ge3A_534 = arith.cmpi sge, %bitcast_convert_type3A, %ge3A_533 : vector<16xi32>
      %xor3A = arith.constant 2147483647 : i32
      %xor3A_535 = vector.broadcast %xor3A : i32 to vector<16xi32>
      %xor3A_536 = arith.xori %bitcast_convert_type3A, %xor3A_535 : vector<16xi32>
      %select_n3A = arith.select %ge3A_534, %bitcast_convert_type3A, %xor3A_536 : vector<16xi1>, vector<16xi32>
      %add3A_537 = vector.broadcast %mul3A_529 : i32 to vector<16xi32>
      %add3A_538 = arith.addi %add3A_537, %iota3A : vector<16xi32>
      %gt3A = arith.cmpi sgt, %select_n3A, %get3A_81 : vector<16xi32>
      %eq3A = arith.cmpi eq, %select_n3A, %get3A_81 : vector<16xi32>
      %le3A = arith.cmpi sle, %add3A_538, %get3A_86 : vector<16xi32>
      %and3A = arith.andi %eq3A, %le3A : vector<16xi1>
      %or3A = arith.ori %gt3A, %and3A : vector<16xi1>
      %jit3A = arith.constant 1.000000e+00 : f32
      %jit3A_539 = arith.constant 0.000000e+00 : f32
      %broadcast_in_dim3A = vector.broadcast %jit3A : f32 to vector<16xf32>
      %broadcast_in_dim3A_540 = vector.broadcast %jit3A_539 : f32 to vector<16xf32>
      %select_n3A_541 = arith.select %or3A, %broadcast_in_dim3A, %broadcast_in_dim3A_540 : vector<16xi1>, vector<16xf32>
      %swap3A = arith.constant 0 : i32
      %swap3A_542 = tpu.memref_slice %arg7[%scan3A_88, %swap3A] : memref<2x32768xf32, #tpu.memory_space<vmem>> -> memref<1x32768xf32, #tpu.memory_space<vmem>>
      %swap3A_543 = tpu.memref_squeeze %swap3A_542 : memref<1x32768xf32, #tpu.memory_space<vmem>> -> memref<32768xf32, #tpu.memory_space<vmem>>
      %swap3A_544 = arith.index_cast %mul3A_529 : i32 to index
      %swap3A_545 = tpu.vector_load %swap3A_543[%swap3A_544] {strides = array<i32>} : memref<32768xf32, #tpu.memory_space<vmem>>, vector<16xf32>,
      %swap3A_546 = vector.shape_cast %swap3A_545 : vector<16xf32> to vector<16xf32>
      %swap3A_547 = vector.shape_cast %select_n3A_541 : vector<16xf32> to vector<16xf32>
      tpu.vector_store %swap3A_543[%swap3A_544], %swap3A_547 {strides = array<i32>} : memref<32768xf32, #tpu.memory_space<vmem>>, vector<16xf32>,
      %mul3A_548 = arith.constant 4 : i32
      %mul3A_549 = arith.muli %scan3A_523, %mul3A_548 : i32
      %add3A_550 = arith.constant 1 : i32
      %add3A_551 = arith.addi %mul3A_549, %add3A_550 : i32
      %mul3A_552 = arith.constant 16 : i32
      %mul3A_553 = arith.muli %add3A_551, %mul3A_552 : i32
      %get3A_554 = arith.index_cast %mul3A_553 : i32 to index
      %get3A_555 = tpu.vector_load %arg6[%get3A_554] {strides = array<i32>} : memref<32768xf32, #tpu.memory_space<vmem>>, vector<16xf32>,
      %get3A_556 = vector.shape_cast %get3A_555 : vector<16xf32> to vector<16xf32>
      %bitcast_convert_type3A_557 = tpu.bitcast %get3A_556 : vector<16xf32> -> vector<16xi32>
      %ge3A_558 = arith.constant 0 : i32
      %ge3A_559 = vector.broadcast %ge3A_558 : i32 to vector<16xi32>
      %ge3A_560 = arith.cmpi sge, %bitcast_convert_type3A_557, %ge3A_559 : vector<16xi32>
      %xor3A_561 = arith.constant 2147483647 : i32
      %xor3A_562 = vector.broadcast %xor3A_561 : i32 to vector<16xi32>
      %xor3A_563 = arith.xori %bitcast_convert_type3A_557, %xor3A_562 : vector<16xi32>
      %select_n3A_564 = arith.select %ge3A_560, %bitcast_convert_type3A_557, %xor3A_563 : vector<16xi1>, vector<16xi32>
      %add3A_565 = vector.broadcast %mul3A_553 : i32 to vector<16xi32>
      %add3A_566 = arith.addi %add3A_565, %iota3A : vector<16xi32>
      %gt3A_567 = arith.cmpi sgt, %select_n3A_564, %get3A_81 : vector<16xi32>
      %eq3A_568 = arith.cmpi eq, %select_n3A_564, %get3A_81 : vector<16xi32>
      %le3A_569 = arith.cmpi sle, %add3A_566, %get3A_86 : vector<16xi32>
      %and3A_570 = arith.andi %eq3A_568, %le3A_569 : vector<16xi1>
      %or3A_571 = arith.ori %gt3A_567, %and3A_570 : vector<16xi1>
      %jit3A_572 = arith.constant 1.000000e+00 : f32
      %jit3A_573 = arith.constant 0.000000e+00 : f32
      %broadcast_in_dim3A_574 = vector.broadcast %jit3A_572 : f32 to vector<16xf32>
      %broadcast_in_dim3A_575 = vector.broadcast %jit3A_573 : f32 to vector<16xf32>
      %select_n3A_576 = arith.select %or3A_571, %broadcast_in_dim3A_574, %broadcast_in_dim3A_575 : vector<16xi1>, vector<16xf32>
      %swap3A_577 = arith.constant 0 : i32
      %swap3A_578 = tpu.memref_slice %arg7[%scan3A_88, %swap3A_577] : memref<2x32768xf32, #tpu.memory_space<vmem>> -> memref<1x32768xf32, #tpu.memory_space<vmem>>
      %swap3A_579 = tpu.memref_squeeze %swap3A_578 : memref<1x32768xf32, #tpu.memory_space<vmem>> -> memref<32768xf32, #tpu.memory_space<vmem>>
      %swap3A_580 = arith.index_cast %mul3A_553 : i32 to index
      %swap3A_581 = tpu.vector_load %swap3A_579[%swap3A_580] {strides = array<i32>} : memref<32768xf32, #tpu.memory_space<vmem>>, vector<16xf32>,
      %swap3A_582 = vector.shape_cast %swap3A_581 : vector<16xf32> to vector<16xf32>
      %swap3A_583 = vector.shape_cast %select_n3A_576 : vector<16xf32> to vector<16xf32>
      tpu.vector_store %swap3A_579[%swap3A_580], %swap3A_583 {strides = array<i32>} : memref<32768xf32, #tpu.memory_space<vmem>>, vector<16xf32>,
      %mul3A_584 = arith.constant 4 : i32
      %mul3A_585 = arith.muli %scan3A_523, %mul3A_584 : i32
      %add3A_586 = arith.constant 2 : i32
      %add3A_587 = arith.addi %mul3A_585, %add3A_586 : i32
      %mul3A_588 = arith.constant 16 : i32
      %mul3A_589 = arith.muli %add3A_587, %mul3A_588 : i32
      %get3A_590 = arith.index_cast %mul3A_589 : i32 to index
      %get3A_591 = tpu.vector_load %arg6[%get3A_590] {strides = array<i32>} : memref<32768xf32, #tpu.memory_space<vmem>>, vector<16xf32>,
      %get3A_592 = vector.shape_cast %get3A_591 : vector<16xf32> to vector<16xf32>
      %bitcast_convert_type3A_593 = tpu.bitcast %get3A_592 : vector<16xf32> -> vector<16xi32>
      %ge3A_594 = arith.constant 0 : i32
      %ge3A_595 = vector.broadcast %ge3A_594 : i32 to vector<16xi32>
      %ge3A_596 = arith.cmpi sge, %bitcast_convert_type3A_593, %ge3A_595 : vector<16xi32>
      %xor3A_597 = arith.constant 2147483647 : i32
      %xor3A_598 = vector.broadcast %xor3A_597 : i32 to vector<16xi32>
      %xor3A_599 = arith.xori %bitcast_convert_type3A_593, %xor3A_598 : vector<16xi32>
      %select_n3A_600 = arith.select %ge3A_596, %bitcast_convert_type3A_593, %xor3A_599 : vector<16xi1>, vector<16xi32>
      %add3A_601 = vector.broadcast %mul3A_589 : i32 to vector<16xi32>
      %add3A_602 = arith.addi %add3A_601, %iota3A : vector<16xi32>
      %gt3A_603 = arith.cmpi sgt, %select_n3A_600, %get3A_81 : vector<16xi32>
      %eq3A_604 = arith.cmpi eq, %select_n3A_600, %get3A_81 : vector<16xi32>
      %le3A_605 = arith.cmpi sle, %add3A_602, %get3A_86 : vector<16xi32>
      %and3A_606 = arith.andi %eq3A_604, %le3A_605 : vector<16xi1>
      %or3A_607 = arith.ori %gt3A_603, %and3A_606 : vector<16xi1>
      %jit3A_608 = arith.constant 1.000000e+00 : f32
      %jit3A_609 = arith.constant 0.000000e+00 : f32
      %broadcast_in_dim3A_610 = vector.broadcast %jit3A_608 : f32 to vector<16xf32>
      %broadcast_in_dim3A_611 = vector.broadcast %jit3A_609 : f32 to vector<16xf32>
      %select_n3A_612 = arith.select %or3A_607, %broadcast_in_dim3A_610, %broadcast_in_dim3A_611 : vector<16xi1>, vector<16xf32>
      %swap3A_613 = arith.constant 0 : i32
      %swap3A_614 = tpu.memref_slice %arg7[%scan3A_88, %swap3A_613] : memref<2x32768xf32, #tpu.memory_space<vmem>> -> memref<1x32768xf32, #tpu.memory_space<vmem>>
      %swap3A_615 = tpu.memref_squeeze %swap3A_614 : memref<1x32768xf32, #tpu.memory_space<vmem>> -> memref<32768xf32, #tpu.memory_space<vmem>>
      %swap3A_616 = arith.index_cast %mul3A_589 : i32 to index
      %swap3A_617 = tpu.vector_load %swap3A_615[%swap3A_616] {strides = array<i32>} : memref<32768xf32, #tpu.memory_space<vmem>>, vector<16xf32>,
      %swap3A_618 = vector.shape_cast %swap3A_617 : vector<16xf32> to vector<16xf32>
      %swap3A_619 = vector.shape_cast %select_n3A_612 : vector<16xf32> to vector<16xf32>
      tpu.vector_store %swap3A_615[%swap3A_616], %swap3A_619 {strides = array<i32>} : memref<32768xf32, #tpu.memory_space<vmem>>, vector<16xf32>,
      %mul3A_620 = arith.constant 4 : i32
      %mul3A_621 = arith.muli %scan3A_523, %mul3A_620 : i32
      %add3A_622 = arith.constant 3 : i32
      %add3A_623 = arith.addi %mul3A_621, %add3A_622 : i32
      %mul3A_624 = arith.constant 16 : i32
      %mul3A_625 = arith.muli %add3A_623, %mul3A_624 : i32
      %get3A_626 = arith.index_cast %mul3A_625 : i32 to index
      %get3A_627 = tpu.vector_load %arg6[%get3A_626] {strides = array<i32>} : memref<32768xf32, #tpu.memory_space<vmem>>, vector<16xf32>,
      %get3A_628 = vector.shape_cast %get3A_627 : vector<16xf32> to vector<16xf32>
      %bitcast_convert_type3A_629 = tpu.bitcast %get3A_628 : vector<16xf32> -> vector<16xi32>
      %ge3A_630 = arith.constant 0 : i32
      %ge3A_631 = vector.broadcast %ge3A_630 : i32 to vector<16xi32>
      %ge3A_632 = arith.cmpi sge, %bitcast_convert_type3A_629, %ge3A_631 : vector<16xi32>
      %xor3A_633 = arith.constant 2147483647 : i32
      %xor3A_634 = vector.broadcast %xor3A_633 : i32 to vector<16xi32>
      %xor3A_635 = arith.xori %bitcast_convert_type3A_629, %xor3A_634 : vector<16xi32>
      %select_n3A_636 = arith.select %ge3A_632, %bitcast_convert_type3A_629, %xor3A_635 : vector<16xi1>, vector<16xi32>
      %add3A_637 = vector.broadcast %mul3A_625 : i32 to vector<16xi32>
      %add3A_638 = arith.addi %add3A_637, %iota3A : vector<16xi32>
      %gt3A_639 = arith.cmpi sgt, %select_n3A_636, %get3A_81 : vector<16xi32>
      %eq3A_640 = arith.cmpi eq, %select_n3A_636, %get3A_81 : vector<16xi32>
      %le3A_641 = arith.cmpi sle, %add3A_638, %get3A_86 : vector<16xi32>
      %and3A_642 = arith.andi %eq3A_640, %le3A_641 : vector<16xi1>
      %or3A_643 = arith.ori %gt3A_639, %and3A_642 : vector<16xi1>
      %jit3A_644 = arith.constant 1.000000e+00 : f32
      %jit3A_645 = arith.constant 0.000000e+00 : f32
      %broadcast_in_dim3A_646 = vector.broadcast %jit3A_644 : f32 to vector<16xf32>
      %broadcast_in_dim3A_647 = vector.broadcast %jit3A_645 : f32 to vector<16xf32>
      %select_n3A_648 = arith.select %or3A_643, %broadcast_in_dim3A_646, %broadcast_in_dim3A_647 : vector<16xi1>, vector<16xf32>
      %swap3A_649 = arith.constant 0 : i32
      %swap3A_650 = tpu.memref_slice %arg7[%scan3A_88, %swap3A_649] : memref<2x32768xf32, #tpu.memory_space<vmem>> -> memref<1x32768xf32, #tpu.memory_space<vmem>>
      %swap3A_651 = tpu.memref_squeeze %swap3A_650 : memref<1x32768xf32, #tpu.memory_space<vmem>> -> memref<32768xf32, #tpu.memory_space<vmem>>
      %swap3A_652 = arith.index_cast %mul3A_625 : i32 to index
      %swap3A_653 = tpu.vector_load %swap3A_651[%swap3A_652] {strides = array<i32>} : memref<32768xf32, #tpu.memory_space<vmem>>, vector<16xf32>,
      %swap3A_654 = vector.shape_cast %swap3A_653 : vector<16xf32> to vector<16xf32>
      %swap3A_655 = vector.shape_cast %select_n3A_648 : vector<16xf32> to vector<16xf32>
      tpu.vector_store %swap3A_651[%swap3A_652], %swap3A_655 {strides = array<i32>} : memref<32768xf32, #tpu.memory_space<vmem>>, vector<16xf32>,
    }
    %scan3A_93 = arith.constant 512 : i32
    %dma_start3A_94 = arith.constant 1 : i32
    %dma_start3A_95 = arith.constant 0 : i32
    %dma_start3A_96 = arith.constant 0 : i32
    %dma_start3A_97 = tpu.memref_slice %arg7[%dma_start3A_94, %dma_start3A_96] : memref<2x32768xf32, #tpu.memory_space<vmem>> -> memref<1x32768xf32, #tpu.memory_space<vmem>>
    %dma_start3A_98 = tpu.memref_squeeze %dma_start3A_97 : memref<1x32768xf32, #tpu.memory_space<vmem>> -> memref<32768xf32, #tpu.memory_space<vmem>>
    %dma_start3A_99 = arith.constant 0 : i32
    %dma_start3A_100 = tpu.memref_slice %arg5[%dma_start3A_95, %add3A_76, %dma_start3A_99] : memref<4x128x32768xf32, #tpu.memory_space<hbm>> -> memref<1x1x32768xf32, #tpu.memory_space<hbm>>
    %dma_start3A_101 = tpu.memref_squeeze %dma_start3A_100 : memref<1x1x32768xf32, #tpu.memory_space<hbm>> -> memref<32768xf32, #tpu.memory_space<hbm>>
    %dma_start3A_102 = arith.constant 0 : i32
    %dma_start3A_103 = tpu.memref_slice %arg5[%dma_start3A_95, %add3A_76, %dma_start3A_102] : memref<4x128x32768xf32, #tpu.memory_space<hbm>> -> memref<1x1x32768xf32, #tpu.memory_space<hbm>>
    %dma_start3A_104 = tpu.memref_squeeze %dma_start3A_103 : memref<1x1x32768xf32, #tpu.memory_space<hbm>> -> memref<32768xf32, #tpu.memory_space<hbm>>
    %dma_start3A_105 = arith.constant 0 : i32
    %dma_start3A_106 = tpu.memref_slice %arg7[%dma_start3A_94, %dma_start3A_105] : memref<2x32768xf32, #tpu.memory_space<vmem>> -> memref<1x32768xf32, #tpu.memory_space<vmem>>
    %dma_start3A_107 = tpu.memref_squeeze %dma_start3A_106 : memref<1x32768xf32, #tpu.memory_space<vmem>> -> memref<32768xf32, #tpu.memory_space<vmem>>
    tpu.enqueue_dma source(%dma_start3A_107 : memref<32768xf32, #tpu.memory_space<vmem>>) target(%dma_start3A_104 : memref<32768xf32, #tpu.memory_space<hbm>>) target_semaphore(%arg10 : memref<!tpu.dma_semaphore, #tpu.memory_space<semaphore_mem>>)
    %dma_start3A_108 = arith.constant 1 : i32
    %dma_start3A_109 = arith.constant 1 : i32
    %dma_start3A_110 = arith.constant 0 : i32
    %dma_start3A_111 = tpu.memref_slice %arg7[%dma_start3A_108, %dma_start3A_110] : memref<2x32768xf32, #tpu.memory_space<vmem>> -> memref<1x32768xf32, #tpu.memory_space<vmem>>
    %dma_start3A_112 = tpu.memref_squeeze %dma_start3A_111 : memref<1x32768xf32, #tpu.memory_space<vmem>> -> memref<32768xf32, #tpu.memory_space<vmem>>
    %dma_start3A_113 = arith.constant 0 : i32
    %dma_start3A_114 = tpu.memref_slice %arg5[%dma_start3A_109, %add3A_76, %dma_start3A_113] : memref<4x128x32768xf32, #tpu.memory_space<hbm>> -> memref<1x1x32768xf32, #tpu.memory_space<hbm>>
    %dma_start3A_115 = tpu.memref_squeeze %dma_start3A_114 : memref<1x1x32768xf32, #tpu.memory_space<hbm>> -> memref<32768xf32, #tpu.memory_space<hbm>>
    %dma_start3A_116 = arith.constant 0 : i32
    %dma_start3A_117 = tpu.memref_slice %arg5[%dma_start3A_109, %add3A_76, %dma_start3A_116] : memref<4x128x32768xf32, #tpu.memory_space<hbm>> -> memref<1x1x32768xf32, #tpu.memory_space<hbm>>
    %dma_start3A_118 = tpu.memref_squeeze %dma_start3A_117 : memref<1x1x32768xf32, #tpu.memory_space<hbm>> -> memref<32768xf32, #tpu.memory_space<hbm>>
    %dma_start3A_119 = arith.constant 0 : i32
    %dma_start3A_120 = tpu.memref_slice %arg7[%dma_start3A_108, %dma_start3A_119] : memref<2x32768xf32, #tpu.memory_space<vmem>> -> memref<1x32768xf32, #tpu.memory_space<vmem>>
    %dma_start3A_121 = tpu.memref_squeeze %dma_start3A_120 : memref<1x32768xf32, #tpu.memory_space<vmem>> -> memref<32768xf32, #tpu.memory_space<vmem>>
    tpu.enqueue_dma source(%dma_start3A_121 : memref<32768xf32, #tpu.memory_space<vmem>>) target(%dma_start3A_118 : memref<32768xf32, #tpu.memory_space<hbm>>) target_semaphore(%arg10 : memref<!tpu.dma_semaphore, #tpu.memory_space<semaphore_mem>>)
    %dma_start3A_122 = arith.constant 1 : i32
    %dma_start3A_123 = arith.constant 2 : i32
    %dma_start3A_124 = arith.constant 0 : i32
    %dma_start3A_125 = tpu.memref_slice %arg7[%dma_start3A_122, %dma_start3A_124] : memref<2x32768xf32, #tpu.memory_space<vmem>> -> memref<1x32768xf32, #tpu.memory_space<vmem>>
    %dma_start3A_126 = tpu.memref_squeeze %dma_start3A_125 : memref<1x32768xf32, #tpu.memory_space<vmem>> -> memref<32768xf32, #tpu.memory_space<vmem>>
    %dma_start3A_127 = arith.constant 0 : i32
    %dma_start3A_128 = tpu.memref_slice %arg5[%dma_start3A_123, %add3A_76, %dma_start3A_127] : memref<4x128x32768xf32, #tpu.memory_space<hbm>> -> memref<1x1x32768xf32, #tpu.memory_space<hbm>>
    %dma_start3A_129 = tpu.memref_squeeze %dma_start3A_128 : memref<1x1x32768xf32, #tpu.memory_space<hbm>> -> memref<32768xf32, #tpu.memory_space<hbm>>
    %dma_start3A_130 = arith.constant 0 : i32
    %dma_start3A_131 = tpu.memref_slice %arg5[%dma_start3A_123, %add3A_76, %dma_start3A_130] : memref<4x128x32768xf32, #tpu.memory_space<hbm>> -> memref<1x1x32768xf32, #tpu.memory_space<hbm>>
    %dma_start3A_132 = tpu.memref_squeeze %dma_start3A_131 : memref<1x1x32768xf32, #tpu.memory_space<hbm>> -> memref<32768xf32, #tpu.memory_space<hbm>>
    %dma_start3A_133 = arith.constant 0 : i32
    %dma_start3A_134 = tpu.memref_slice %arg7[%dma_start3A_122, %dma_start3A_133] : memref<2x32768xf32, #tpu.memory_space<vmem>> -> memref<1x32768xf32, #tpu.memory_space<vmem>>
    %dma_start3A_135 = tpu.memref_squeeze %dma_start3A_134 : memref<1x32768xf32, #tpu.memory_space<vmem>> -> memref<32768xf32, #tpu.memory_space<vmem>>
    tpu.enqueue_dma source(%dma_start3A_135 : memref<32768xf32, #tpu.memory_space<vmem>>) target(%dma_start3A_132 : memref<32768xf32, #tpu.memory_space<hbm>>) target_semaphore(%arg10 : memref<!tpu.dma_semaphore, #tpu.memory_space<semaphore_mem>>)
    %dma_start3A_136 = arith.constant 1 : i32
    %dma_start3A_137 = arith.constant 3 : i32
    %dma_start3A_138 = arith.constant 0 : i32
    %dma_start3A_139 = tpu.memref_slice %arg7[%dma_start3A_136, %dma_start3A_138] : memref<2x32768xf32, #tpu.memory_space<vmem>> -> memref<1x32768xf32, #tpu.memory_space<vmem>>
    %dma_start3A_140 = tpu.memref_squeeze %dma_start3A_139 : memref<1x32768xf32, #tpu.memory_space<vmem>> -> memref<32768xf32, #tpu.memory_space<vmem>>
    %dma_start3A_141 = arith.constant 0 : i32
    %dma_start3A_142 = tpu.memref_slice %arg5[%dma_start3A_137, %add3A_76, %dma_start3A_141] : memref<4x128x32768xf32, #tpu.memory_space<hbm>> -> memref<1x1x32768xf32, #tpu.memory_space<hbm>>
    %dma_start3A_143 = tpu.memref_squeeze %dma_start3A_142 : memref<1x1x32768xf32, #tpu.memory_space<hbm>> -> memref<32768xf32, #tpu.memory_space<hbm>>
    %dma_start3A_144 = arith.constant 0 : i32
    %dma_start3A_145 = tpu.memref_slice %arg5[%dma_start3A_137, %add3A_76, %dma_start3A_144] : memref<4x128x32768xf32, #tpu.memory_space<hbm>> -> memref<1x1x32768xf32, #tpu.memory_space<hbm>>
    %dma_start3A_146 = tpu.memref_squeeze %dma_start3A_145 : memref<1x1x32768xf32, #tpu.memory_space<hbm>> -> memref<32768xf32, #tpu.memory_space<hbm>>
    %dma_start3A_147 = arith.constant 0 : i32
    %dma_start3A_148 = tpu.memref_slice %arg7[%dma_start3A_136, %dma_start3A_147] : memref<2x32768xf32, #tpu.memory_space<vmem>> -> memref<1x32768xf32, #tpu.memory_space<vmem>>
    %dma_start3A_149 = tpu.memref_squeeze %dma_start3A_148 : memref<1x32768xf32, #tpu.memory_space<vmem>> -> memref<32768xf32, #tpu.memory_space<vmem>>
    tpu.enqueue_dma source(%dma_start3A_149 : memref<32768xf32, #tpu.memory_space<vmem>>) target(%dma_start3A_146 : memref<32768xf32, #tpu.memory_space<hbm>>) target_semaphore(%arg10 : memref<!tpu.dma_semaphore, #tpu.memory_space<semaphore_mem>>)
    %add3A_150 = arith.constant 2 : i32
    %add3A_151 = arith.addi %mul3A_2, %add3A_150 : i32
    "tpu.region"() ({
      %run_scoped3A = tpu.sem_alloc : memref<!tpu.dma_semaphore, #tpu.memory_space<semaphore_mem>>
      %dma_start3A_523 = arith.constant 0 : i32
      %dma_start3A_524 = tpu.memref_slice %arg2[%add3A_151, %dma_start3A_523] : memref<128x32768xf32, #tpu.memory_space<hbm>> -> memref<1x32768xf32, #tpu.memory_space<hbm>>
      %dma_start3A_525 = tpu.memref_squeeze %dma_start3A_524 : memref<1x32768xf32, #tpu.memory_space<hbm>> -> memref<32768xf32, #tpu.memory_space<hbm>>
      %dma_start3A_526 = arith.constant 0 : i32
      %dma_start3A_527 = tpu.memref_slice %arg2[%add3A_151, %dma_start3A_526] : memref<128x32768xf32, #tpu.memory_space<hbm>> -> memref<1x32768xf32, #tpu.memory_space<hbm>>
      %dma_start3A_528 = tpu.memref_squeeze %dma_start3A_527 : memref<1x32768xf32, #tpu.memory_space<hbm>> -> memref<32768xf32, #tpu.memory_space<hbm>>
      tpu.enqueue_dma source(%dma_start3A_528 : memref<32768xf32, #tpu.memory_space<hbm>>) target(%arg6 : memref<32768xf32, #tpu.memory_space<vmem>>) target_semaphore(%run_scoped3A : memref<!tpu.dma_semaphore, #tpu.memory_space<semaphore_mem>>)
      %dma_wait3A_529 = arith.constant 0 : i32
      %dma_wait3A_530 = tpu.memref_slice %arg2[%add3A_151, %dma_wait3A_529] : memref<128x32768xf32, #tpu.memory_space<hbm>> -> memref<1x32768xf32, #tpu.memory_space<hbm>>
      %dma_wait3A_531 = tpu.memref_squeeze %dma_wait3A_530 : memref<1x32768xf32, #tpu.memory_space<hbm>> -> memref<32768xf32, #tpu.memory_space<hbm>>
      %dma_wait3A_532 = arith.constant 0 : i32
      %dma_wait3A_533 = tpu.memref_slice %arg2[%add3A_151, %dma_wait3A_532] : memref<128x32768xf32, #tpu.memory_space<hbm>> -> memref<1x32768xf32, #tpu.memory_space<hbm>>
      %dma_wait3A_534 = tpu.memref_squeeze %dma_wait3A_533 : memref<1x32768xf32, #tpu.memory_space<hbm>> -> memref<32768xf32, #tpu.memory_space<hbm>>
      tpu.wait_dma2 semaphore(%run_scoped3A : memref<!tpu.dma_semaphore, #tpu.memory_space<semaphore_mem>>) src(%dma_wait3A_534 : memref<32768xf32, #tpu.memory_space<hbm>>) dst(%arg6 : memref<32768xf32, #tpu.memory_space<vmem>>)
      tpu.yield
    }) : () -> ()
    %get3A_152 = arith.constant 2 : i32
    %get3A_153 = arith.index_cast %get3A_152 : i32 to index
    %get3A_154 = arith.constant 0 : index
    %get3A_155 = tpu.vector_load %arg8[%get3A_153, %get3A_154] {strides = array<i32>} : memref<4x128xi32, #tpu.memory_space<vmem>>, vector<1x16xi32>,
    %get3A_156 = vector.shape_cast %get3A_155 : vector<1x16xi32> to vector<16xi32>
    %get3A_157 = arith.constant 2 : i32
    %get3A_158 = arith.index_cast %get3A_157 : i32 to index
    %get3A_159 = arith.constant 0 : index
    %get3A_160 = tpu.vector_load %arg9[%get3A_158, %get3A_159] {strides = array<i32>} : memref<4x128xi32, #tpu.memory_space<vmem>>, vector<1x16xi32>,
    %get3A_161 = vector.shape_cast %get3A_160 : vector<1x16xi32> to vector<16xi32>
    %dma_wait3A = arith.constant 0 : i32
    %dma_wait3A_162 = arith.constant 0 : i32
    %dma_wait3A_163 = arith.constant 0 : i32
    %dma_wait3A_164 = tpu.memref_slice %arg7[%dma_wait3A, %dma_wait3A_163] : memref<2x32768xf32, #tpu.memory_space<vmem>> -> memref<1x32768xf32, #tpu.memory_space<vmem>>
    %dma_wait3A_165 = tpu.memref_squeeze %dma_wait3A_164 : memref<1x32768xf32, #tpu.memory_space<vmem>> -> memref<32768xf32, #tpu.memory_space<vmem>>
    %dma_wait3A_166 = arith.constant 0 : i32
    %dma_wait3A_167 = tpu.memref_slice %arg5[%dma_wait3A_162, %add3A_4, %dma_wait3A_166] : memref<4x128x32768xf32, #tpu.memory_space<hbm>> -> memref<1x1x32768xf32, #tpu.memory_space<hbm>>
    %dma_wait3A_168 = tpu.memref_squeeze %dma_wait3A_167 : memref<1x1x32768xf32, #tpu.memory_space<hbm>> -> memref<32768xf32, #tpu.memory_space<hbm>>
    %dma_wait3A_169 = arith.constant 0 : i32
    %dma_wait3A_170 = tpu.memref_slice %arg5[%dma_wait3A_162, %add3A_4, %dma_wait3A_169] : memref<4x128x32768xf32, #tpu.memory_space<hbm>> -> memref<1x1x32768xf32, #tpu.memory_space<hbm>>
    %dma_wait3A_171 = tpu.memref_squeeze %dma_wait3A_170 : memref<1x1x32768xf32, #tpu.memory_space<hbm>> -> memref<32768xf32, #tpu.memory_space<hbm>>
    %dma_wait3A_172 = arith.constant 0 : i32
    %dma_wait3A_173 = tpu.memref_slice %arg7[%dma_wait3A, %dma_wait3A_172] : memref<2x32768xf32, #tpu.memory_space<vmem>> -> memref<1x32768xf32, #tpu.memory_space<vmem>>
    %dma_wait3A_174 = tpu.memref_squeeze %dma_wait3A_173 : memref<1x32768xf32, #tpu.memory_space<vmem>> -> memref<32768xf32, #tpu.memory_space<vmem>>
    tpu.wait_dma2 semaphore(%arg10 : memref<!tpu.dma_semaphore, #tpu.memory_space<semaphore_mem>>) src(%dma_wait3A_174 : memref<32768xf32, #tpu.memory_space<vmem>>) dst(%dma_wait3A_171 : memref<32768xf32, #tpu.memory_space<hbm>>)
    %dma_wait3A_175 = arith.constant 0 : i32
    %dma_wait3A_176 = arith.constant 1 : i32
    %dma_wait3A_177 = arith.constant 0 : i32
    %dma_wait3A_178 = tpu.memref_slice %arg7[%dma_wait3A_175, %dma_wait3A_177] : memref<2x32768xf32, #tpu.memory_space<vmem>> -> memref<1x32768xf32, #tpu.memory_space<vmem>>
    %dma_wait3A_179 = tpu.memref_squeeze %dma_wait3A_178 : memref<1x32768xf32, #tpu.memory_space<vmem>> -> memref<32768xf32, #tpu.memory_space<vmem>>
    %dma_wait3A_180 = arith.constant 0 : i32
    %dma_wait3A_181 = tpu.memref_slice %arg5[%dma_wait3A_176, %add3A_4, %dma_wait3A_180] : memref<4x128x32768xf32, #tpu.memory_space<hbm>> -> memref<1x1x32768xf32, #tpu.memory_space<hbm>>
    %dma_wait3A_182 = tpu.memref_squeeze %dma_wait3A_181 : memref<1x1x32768xf32, #tpu.memory_space<hbm>> -> memref<32768xf32, #tpu.memory_space<hbm>>
    %dma_wait3A_183 = arith.constant 0 : i32
    %dma_wait3A_184 = tpu.memref_slice %arg5[%dma_wait3A_176, %add3A_4, %dma_wait3A_183] : memref<4x128x32768xf32, #tpu.memory_space<hbm>> -> memref<1x1x32768xf32, #tpu.memory_space<hbm>>
    %dma_wait3A_185 = tpu.memref_squeeze %dma_wait3A_184 : memref<1x1x32768xf32, #tpu.memory_space<hbm>> -> memref<32768xf32, #tpu.memory_space<hbm>>
    %dma_wait3A_186 = arith.constant 0 : i32
    %dma_wait3A_187 = tpu.memref_slice %arg7[%dma_wait3A_175, %dma_wait3A_186] : memref<2x32768xf32, #tpu.memory_space<vmem>> -> memref<1x32768xf32, #tpu.memory_space<vmem>>
    %dma_wait3A_188 = tpu.memref_squeeze %dma_wait3A_187 : memref<1x32768xf32, #tpu.memory_space<vmem>> -> memref<32768xf32, #tpu.memory_space<vmem>>
    tpu.wait_dma2 semaphore(%arg10 : memref<!tpu.dma_semaphore, #tpu.memory_space<semaphore_mem>>) src(%dma_wait3A_188 : memref<32768xf32, #tpu.memory_space<vmem>>) dst(%dma_wait3A_185 : memref<32768xf32, #tpu.memory_space<hbm>>)
    %dma_wait3A_189 = arith.constant 0 : i32
    %dma_wait3A_190 = arith.constant 2 : i32
    %dma_wait3A_191 = arith.constant 0 : i32
    %dma_wait3A_192 = tpu.memref_slice %arg7[%dma_wait3A_189, %dma_wait3A_191] : memref<2x32768xf32, #tpu.memory_space<vmem>> -> memref<1x32768xf32, #tpu.memory_space<vmem>>
    %dma_wait3A_193 = tpu.memref_squeeze %dma_wait3A_192 : memref<1x32768xf32, #tpu.memory_space<vmem>> -> memref<32768xf32, #tpu.memory_space<vmem>>
    %dma_wait3A_194 = arith.constant 0 : i32
    %dma_wait3A_195 = tpu.memref_slice %arg5[%dma_wait3A_190, %add3A_4, %dma_wait3A_194] : memref<4x128x32768xf32, #tpu.memory_space<hbm>> -> memref<1x1x32768xf32, #tpu.memory_space<hbm>>
    %dma_wait3A_196 = tpu.memref_squeeze %dma_wait3A_195 : memref<1x1x32768xf32, #tpu.memory_space<hbm>> -> memref<32768xf32, #tpu.memory_space<hbm>>
    %dma_wait3A_197 = arith.constant 0 : i32
    %dma_wait3A_198 = tpu.memref_slice %arg5[%dma_wait3A_190, %add3A_4, %dma_wait3A_197] : memref<4x128x32768xf32, #tpu.memory_space<hbm>> -> memref<1x1x32768xf32, #tpu.memory_space<hbm>>
    %dma_wait3A_199 = tpu.memref_squeeze %dma_wait3A_198 : memref<1x1x32768xf32, #tpu.memory_space<hbm>> -> memref<32768xf32, #tpu.memory_space<hbm>>
    %dma_wait3A_200 = arith.constant 0 : i32
    %dma_wait3A_201 = tpu.memref_slice %arg7[%dma_wait3A_189, %dma_wait3A_200] : memref<2x32768xf32, #tpu.memory_space<vmem>> -> memref<1x32768xf32, #tpu.memory_space<vmem>>
    %dma_wait3A_202 = tpu.memref_squeeze %dma_wait3A_201 : memref<1x32768xf32, #tpu.memory_space<vmem>> -> memref<32768xf32, #tpu.memory_space<vmem>>
    tpu.wait_dma2 semaphore(%arg10 : memref<!tpu.dma_semaphore, #tpu.memory_space<semaphore_mem>>) src(%dma_wait3A_202 : memref<32768xf32, #tpu.memory_space<vmem>>) dst(%dma_wait3A_199 : memref<32768xf32, #tpu.memory_space<hbm>>)
    %dma_wait3A_203 = arith.constant 0 : i32
    %dma_wait3A_204 = arith.constant 3 : i32
    %dma_wait3A_205 = arith.constant 0 : i32
    %dma_wait3A_206 = tpu.memref_slice %arg7[%dma_wait3A_203, %dma_wait3A_205] : memref<2x32768xf32, #tpu.memory_space<vmem>> -> memref<1x32768xf32, #tpu.memory_space<vmem>>
    %dma_wait3A_207 = tpu.memref_squeeze %dma_wait3A_206 : memref<1x32768xf32, #tpu.memory_space<vmem>> -> memref<32768xf32, #tpu.memory_space<vmem>>
    %dma_wait3A_208 = arith.constant 0 : i32
    %dma_wait3A_209 = tpu.memref_slice %arg5[%dma_wait3A_204, %add3A_4, %dma_wait3A_208] : memref<4x128x32768xf32, #tpu.memory_space<hbm>> -> memref<1x1x32768xf32, #tpu.memory_space<hbm>>
    %dma_wait3A_210 = tpu.memref_squeeze %dma_wait3A_209 : memref<1x1x32768xf32, #tpu.memory_space<hbm>> -> memref<32768xf32, #tpu.memory_space<hbm>>
    %dma_wait3A_211 = arith.constant 0 : i32
    %dma_wait3A_212 = tpu.memref_slice %arg5[%dma_wait3A_204, %add3A_4, %dma_wait3A_211] : memref<4x128x32768xf32, #tpu.memory_space<hbm>> -> memref<1x1x32768xf32, #tpu.memory_space<hbm>>
    %dma_wait3A_213 = tpu.memref_squeeze %dma_wait3A_212 : memref<1x1x32768xf32, #tpu.memory_space<hbm>> -> memref<32768xf32, #tpu.memory_space<hbm>>
    %dma_wait3A_214 = arith.constant 0 : i32
    %dma_wait3A_215 = tpu.memref_slice %arg7[%dma_wait3A_203, %dma_wait3A_214] : memref<2x32768xf32, #tpu.memory_space<vmem>> -> memref<1x32768xf32, #tpu.memory_space<vmem>>
    %dma_wait3A_216 = tpu.memref_squeeze %dma_wait3A_215 : memref<1x32768xf32, #tpu.memory_space<vmem>> -> memref<32768xf32, #tpu.memory_space<vmem>>
    tpu.wait_dma2 semaphore(%arg10 : memref<!tpu.dma_semaphore, #tpu.memory_space<semaphore_mem>>) src(%dma_wait3A_216 : memref<32768xf32, #tpu.memory_space<vmem>>) dst(%dma_wait3A_213 : memref<32768xf32, #tpu.memory_space<hbm>>)
    %scan3A_217 = arith.constant 0 : i32
    %scan3A_218 = arith.constant 0 : i32
    %scan3A_219 = arith.constant 0 : i32
    %scan3A_220 = arith.constant 512 : i32
    %scan3A_221 = arith.addi %scan3A_219, %scan3A_220 : i32
    %scan3A_222 = arith.constant 1 : i32
    scf.for %scan3A_523 = %scan3A_219 to %scan3A_221 step %scan3A_222  : i32 {
      %mul3A_524 = arith.constant 4 : i32
      %mul3A_525 = arith.muli %scan3A_523, %mul3A_524 : i32
      %add3A_526 = arith.constant 0 : i32
      %add3A_527 = arith.addi %mul3A_525, %add3A_526 : i32
      %mul3A_528 = arith.constant 16 : i32
      %mul3A_529 = arith.muli %add3A_527, %mul3A_528 : i32
      %get3A_530 = arith.index_cast %mul3A_529 : i32 to index
      %get3A_531 = tpu.vector_load %arg6[%get3A_530] {strides = array<i32>} : memref<32768xf32, #tpu.memory_space<vmem>>, vector<16xf32>,
      %get3A_532 = vector.shape_cast %get3A_531 : vector<16xf32> to vector<16xf32>
      %bitcast_convert_type3A = tpu.bitcast %get3A_532 : vector<16xf32> -> vector<16xi32>
      %ge3A = arith.constant 0 : i32
      %ge3A_533 = vector.broadcast %ge3A : i32 to vector<16xi32>
      %ge3A_534 = arith.cmpi sge, %bitcast_convert_type3A, %ge3A_533 : vector<16xi32>
      %xor3A = arith.constant 2147483647 : i32
      %xor3A_535 = vector.broadcast %xor3A : i32 to vector<16xi32>
      %xor3A_536 = arith.xori %bitcast_convert_type3A, %xor3A_535 : vector<16xi32>
      %select_n3A = arith.select %ge3A_534, %bitcast_convert_type3A, %xor3A_536 : vector<16xi1>, vector<16xi32>
      %add3A_537 = vector.broadcast %mul3A_529 : i32 to vector<16xi32>
      %add3A_538 = arith.addi %add3A_537, %iota3A : vector<16xi32>
      %gt3A = arith.cmpi sgt, %select_n3A, %get3A_156 : vector<16xi32>
      %eq3A = arith.cmpi eq, %select_n3A, %get3A_156 : vector<16xi32>
      %le3A = arith.cmpi sle, %add3A_538, %get3A_161 : vector<16xi32>
      %and3A = arith.andi %eq3A, %le3A : vector<16xi1>
      %or3A = arith.ori %gt3A, %and3A : vector<16xi1>
      %jit3A = arith.constant 1.000000e+00 : f32
      %jit3A_539 = arith.constant 0.000000e+00 : f32
      %broadcast_in_dim3A = vector.broadcast %jit3A : f32 to vector<16xf32>
      %broadcast_in_dim3A_540 = vector.broadcast %jit3A_539 : f32 to vector<16xf32>
      %select_n3A_541 = arith.select %or3A, %broadcast_in_dim3A, %broadcast_in_dim3A_540 : vector<16xi1>, vector<16xf32>
      %swap3A = arith.constant 0 : i32
      %swap3A_542 = tpu.memref_slice %arg7[%scan3A_218, %swap3A] : memref<2x32768xf32, #tpu.memory_space<vmem>> -> memref<1x32768xf32, #tpu.memory_space<vmem>>
      %swap3A_543 = tpu.memref_squeeze %swap3A_542 : memref<1x32768xf32, #tpu.memory_space<vmem>> -> memref<32768xf32, #tpu.memory_space<vmem>>
      %swap3A_544 = arith.index_cast %mul3A_529 : i32 to index
      %swap3A_545 = tpu.vector_load %swap3A_543[%swap3A_544] {strides = array<i32>} : memref<32768xf32, #tpu.memory_space<vmem>>, vector<16xf32>,
      %swap3A_546 = vector.shape_cast %swap3A_545 : vector<16xf32> to vector<16xf32>
      %swap3A_547 = vector.shape_cast %select_n3A_541 : vector<16xf32> to vector<16xf32>
      tpu.vector_store %swap3A_543[%swap3A_544], %swap3A_547 {strides = array<i32>} : memref<32768xf32, #tpu.memory_space<vmem>>, vector<16xf32>,
      %mul3A_548 = arith.constant 4 : i32
      %mul3A_549 = arith.muli %scan3A_523, %mul3A_548 : i32
      %add3A_550 = arith.constant 1 : i32
      %add3A_551 = arith.addi %mul3A_549, %add3A_550 : i32
      %mul3A_552 = arith.constant 16 : i32
      %mul3A_553 = arith.muli %add3A_551, %mul3A_552 : i32
      %get3A_554 = arith.index_cast %mul3A_553 : i32 to index
      %get3A_555 = tpu.vector_load %arg6[%get3A_554] {strides = array<i32>} : memref<32768xf32, #tpu.memory_space<vmem>>, vector<16xf32>,
      %get3A_556 = vector.shape_cast %get3A_555 : vector<16xf32> to vector<16xf32>
      %bitcast_convert_type3A_557 = tpu.bitcast %get3A_556 : vector<16xf32> -> vector<16xi32>
      %ge3A_558 = arith.constant 0 : i32
      %ge3A_559 = vector.broadcast %ge3A_558 : i32 to vector<16xi32>
      %ge3A_560 = arith.cmpi sge, %bitcast_convert_type3A_557, %ge3A_559 : vector<16xi32>
      %xor3A_561 = arith.constant 2147483647 : i32
      %xor3A_562 = vector.broadcast %xor3A_561 : i32 to vector<16xi32>
      %xor3A_563 = arith.xori %bitcast_convert_type3A_557, %xor3A_562 : vector<16xi32>
      %select_n3A_564 = arith.select %ge3A_560, %bitcast_convert_type3A_557, %xor3A_563 : vector<16xi1>, vector<16xi32>
      %add3A_565 = vector.broadcast %mul3A_553 : i32 to vector<16xi32>
      %add3A_566 = arith.addi %add3A_565, %iota3A : vector<16xi32>
      %gt3A_567 = arith.cmpi sgt, %select_n3A_564, %get3A_156 : vector<16xi32>
      %eq3A_568 = arith.cmpi eq, %select_n3A_564, %get3A_156 : vector<16xi32>
      %le3A_569 = arith.cmpi sle, %add3A_566, %get3A_161 : vector<16xi32>
      %and3A_570 = arith.andi %eq3A_568, %le3A_569 : vector<16xi1>
      %or3A_571 = arith.ori %gt3A_567, %and3A_570 : vector<16xi1>
      %jit3A_572 = arith.constant 1.000000e+00 : f32
      %jit3A_573 = arith.constant 0.000000e+00 : f32
      %broadcast_in_dim3A_574 = vector.broadcast %jit3A_572 : f32 to vector<16xf32>
      %broadcast_in_dim3A_575 = vector.broadcast %jit3A_573 : f32 to vector<16xf32>
      %select_n3A_576 = arith.select %or3A_571, %broadcast_in_dim3A_574, %broadcast_in_dim3A_575 : vector<16xi1>, vector<16xf32>
      %swap3A_577 = arith.constant 0 : i32
      %swap3A_578 = tpu.memref_slice %arg7[%scan3A_218, %swap3A_577] : memref<2x32768xf32, #tpu.memory_space<vmem>> -> memref<1x32768xf32, #tpu.memory_space<vmem>>
      %swap3A_579 = tpu.memref_squeeze %swap3A_578 : memref<1x32768xf32, #tpu.memory_space<vmem>> -> memref<32768xf32, #tpu.memory_space<vmem>>
      %swap3A_580 = arith.index_cast %mul3A_553 : i32 to index
      %swap3A_581 = tpu.vector_load %swap3A_579[%swap3A_580] {strides = array<i32>} : memref<32768xf32, #tpu.memory_space<vmem>>, vector<16xf32>,
      %swap3A_582 = vector.shape_cast %swap3A_581 : vector<16xf32> to vector<16xf32>
      %swap3A_583 = vector.shape_cast %select_n3A_576 : vector<16xf32> to vector<16xf32>
      tpu.vector_store %swap3A_579[%swap3A_580], %swap3A_583 {strides = array<i32>} : memref<32768xf32, #tpu.memory_space<vmem>>, vector<16xf32>,
      %mul3A_584 = arith.constant 4 : i32
      %mul3A_585 = arith.muli %scan3A_523, %mul3A_584 : i32
      %add3A_586 = arith.constant 2 : i32
      %add3A_587 = arith.addi %mul3A_585, %add3A_586 : i32
      %mul3A_588 = arith.constant 16 : i32
      %mul3A_589 = arith.muli %add3A_587, %mul3A_588 : i32
      %get3A_590 = arith.index_cast %mul3A_589 : i32 to index
      %get3A_591 = tpu.vector_load %arg6[%get3A_590] {strides = array<i32>} : memref<32768xf32, #tpu.memory_space<vmem>>, vector<16xf32>,
      %get3A_592 = vector.shape_cast %get3A_591 : vector<16xf32> to vector<16xf32>
      %bitcast_convert_type3A_593 = tpu.bitcast %get3A_592 : vector<16xf32> -> vector<16xi32>
      %ge3A_594 = arith.constant 0 : i32
      %ge3A_595 = vector.broadcast %ge3A_594 : i32 to vector<16xi32>
      %ge3A_596 = arith.cmpi sge, %bitcast_convert_type3A_593, %ge3A_595 : vector<16xi32>
      %xor3A_597 = arith.constant 2147483647 : i32
      %xor3A_598 = vector.broadcast %xor3A_597 : i32 to vector<16xi32>
      %xor3A_599 = arith.xori %bitcast_convert_type3A_593, %xor3A_598 : vector<16xi32>
      %select_n3A_600 = arith.select %ge3A_596, %bitcast_convert_type3A_593, %xor3A_599 : vector<16xi1>, vector<16xi32>
      %add3A_601 = vector.broadcast %mul3A_589 : i32 to vector<16xi32>
      %add3A_602 = arith.addi %add3A_601, %iota3A : vector<16xi32>
      %gt3A_603 = arith.cmpi sgt, %select_n3A_600, %get3A_156 : vector<16xi32>
      %eq3A_604 = arith.cmpi eq, %select_n3A_600, %get3A_156 : vector<16xi32>
      %le3A_605 = arith.cmpi sle, %add3A_602, %get3A_161 : vector<16xi32>
      %and3A_606 = arith.andi %eq3A_604, %le3A_605 : vector<16xi1>
      %or3A_607 = arith.ori %gt3A_603, %and3A_606 : vector<16xi1>
      %jit3A_608 = arith.constant 1.000000e+00 : f32
      %jit3A_609 = arith.constant 0.000000e+00 : f32
      %broadcast_in_dim3A_610 = vector.broadcast %jit3A_608 : f32 to vector<16xf32>
      %broadcast_in_dim3A_611 = vector.broadcast %jit3A_609 : f32 to vector<16xf32>
      %select_n3A_612 = arith.select %or3A_607, %broadcast_in_dim3A_610, %broadcast_in_dim3A_611 : vector<16xi1>, vector<16xf32>
      %swap3A_613 = arith.constant 0 : i32
      %swap3A_614 = tpu.memref_slice %arg7[%scan3A_218, %swap3A_613] : memref<2x32768xf32, #tpu.memory_space<vmem>> -> memref<1x32768xf32, #tpu.memory_space<vmem>>
      %swap3A_615 = tpu.memref_squeeze %swap3A_614 : memref<1x32768xf32, #tpu.memory_space<vmem>> -> memref<32768xf32, #tpu.memory_space<vmem>>
      %swap3A_616 = arith.index_cast %mul3A_589 : i32 to index
      %swap3A_617 = tpu.vector_load %swap3A_615[%swap3A_616] {strides = array<i32>} : memref<32768xf32, #tpu.memory_space<vmem>>, vector<16xf32>,
      %swap3A_618 = vector.shape_cast %swap3A_617 : vector<16xf32> to vector<16xf32>
      %swap3A_619 = vector.shape_cast %select_n3A_612 : vector<16xf32> to vector<16xf32>
      tpu.vector_store %swap3A_615[%swap3A_616], %swap3A_619 {strides = array<i32>} : memref<32768xf32, #tpu.memory_space<vmem>>, vector<16xf32>,
      %mul3A_620 = arith.constant 4 : i32
      %mul3A_621 = arith.muli %scan3A_523, %mul3A_620 : i32
      %add3A_622 = arith.constant 3 : i32
      %add3A_623 = arith.addi %mul3A_621, %add3A_622 : i32
      %mul3A_624 = arith.constant 16 : i32
      %mul3A_625 = arith.muli %add3A_623, %mul3A_624 : i32
      %get3A_626 = arith.index_cast %mul3A_625 : i32 to index
      %get3A_627 = tpu.vector_load %arg6[%get3A_626] {strides = array<i32>} : memref<32768xf32, #tpu.memory_space<vmem>>, vector<16xf32>,
      %get3A_628 = vector.shape_cast %get3A_627 : vector<16xf32> to vector<16xf32>
      %bitcast_convert_type3A_629 = tpu.bitcast %get3A_628 : vector<16xf32> -> vector<16xi32>
      %ge3A_630 = arith.constant 0 : i32
      %ge3A_631 = vector.broadcast %ge3A_630 : i32 to vector<16xi32>
      %ge3A_632 = arith.cmpi sge, %bitcast_convert_type3A_629, %ge3A_631 : vector<16xi32>
      %xor3A_633 = arith.constant 2147483647 : i32
      %xor3A_634 = vector.broadcast %xor3A_633 : i32 to vector<16xi32>
      %xor3A_635 = arith.xori %bitcast_convert_type3A_629, %xor3A_634 : vector<16xi32>
      %select_n3A_636 = arith.select %ge3A_632, %bitcast_convert_type3A_629, %xor3A_635 : vector<16xi1>, vector<16xi32>
      %add3A_637 = vector.broadcast %mul3A_625 : i32 to vector<16xi32>
      %add3A_638 = arith.addi %add3A_637, %iota3A : vector<16xi32>
      %gt3A_639 = arith.cmpi sgt, %select_n3A_636, %get3A_156 : vector<16xi32>
      %eq3A_640 = arith.cmpi eq, %select_n3A_636, %get3A_156 : vector<16xi32>
      %le3A_641 = arith.cmpi sle, %add3A_638, %get3A_161 : vector<16xi32>
      %and3A_642 = arith.andi %eq3A_640, %le3A_641 : vector<16xi1>
      %or3A_643 = arith.ori %gt3A_639, %and3A_642 : vector<16xi1>
      %jit3A_644 = arith.constant 1.000000e+00 : f32
      %jit3A_645 = arith.constant 0.000000e+00 : f32
      %broadcast_in_dim3A_646 = vector.broadcast %jit3A_644 : f32 to vector<16xf32>
      %broadcast_in_dim3A_647 = vector.broadcast %jit3A_645 : f32 to vector<16xf32>
      %select_n3A_648 = arith.select %or3A_643, %broadcast_in_dim3A_646, %broadcast_in_dim3A_647 : vector<16xi1>, vector<16xf32>
      %swap3A_649 = arith.constant 0 : i32
      %swap3A_650 = tpu.memref_slice %arg7[%scan3A_218, %swap3A_649] : memref<2x32768xf32, #tpu.memory_space<vmem>> -> memref<1x32768xf32, #tpu.memory_space<vmem>>
      %swap3A_651 = tpu.memref_squeeze %swap3A_650 : memref<1x32768xf32, #tpu.memory_space<vmem>> -> memref<32768xf32, #tpu.memory_space<vmem>>
      %swap3A_652 = arith.index_cast %mul3A_625 : i32 to index
      %swap3A_653 = tpu.vector_load %swap3A_651[%swap3A_652] {strides = array<i32>} : memref<32768xf32, #tpu.memory_space<vmem>>, vector<16xf32>,
      %swap3A_654 = vector.shape_cast %swap3A_653 : vector<16xf32> to vector<16xf32>
      %swap3A_655 = vector.shape_cast %select_n3A_648 : vector<16xf32> to vector<16xf32>
      tpu.vector_store %swap3A_651[%swap3A_652], %swap3A_655 {strides = array<i32>} : memref<32768xf32, #tpu.memory_space<vmem>>, vector<16xf32>,
    }
    %scan3A_223 = arith.constant 512 : i32
    %dma_start3A_224 = arith.constant 0 : i32
    %dma_start3A_225 = arith.constant 0 : i32
    %dma_start3A_226 = arith.constant 0 : i32
    %dma_start3A_227 = tpu.memref_slice %arg7[%dma_start3A_224, %dma_start3A_226] : memref<2x32768xf32, #tpu.memory_space<vmem>> -> memref<1x32768xf32, #tpu.memory_space<vmem>>
    %dma_start3A_228 = tpu.memref_squeeze %dma_start3A_227 : memref<1x32768xf32, #tpu.memory_space<vmem>> -> memref<32768xf32, #tpu.memory_space<vmem>>
    %dma_start3A_229 = arith.constant 0 : i32
    %dma_start3A_230 = tpu.memref_slice %arg5[%dma_start3A_225, %add3A_151, %dma_start3A_229] : memref<4x128x32768xf32, #tpu.memory_space<hbm>> -> memref<1x1x32768xf32, #tpu.memory_space<hbm>>
    %dma_start3A_231 = tpu.memref_squeeze %dma_start3A_230 : memref<1x1x32768xf32, #tpu.memory_space<hbm>> -> memref<32768xf32, #tpu.memory_space<hbm>>
    %dma_start3A_232 = arith.constant 0 : i32
    %dma_start3A_233 = tpu.memref_slice %arg5[%dma_start3A_225, %add3A_151, %dma_start3A_232] : memref<4x128x32768xf32, #tpu.memory_space<hbm>> -> memref<1x1x32768xf32, #tpu.memory_space<hbm>>
    %dma_start3A_234 = tpu.memref_squeeze %dma_start3A_233 : memref<1x1x32768xf32, #tpu.memory_space<hbm>> -> memref<32768xf32, #tpu.memory_space<hbm>>
    %dma_start3A_235 = arith.constant 0 : i32
    %dma_start3A_236 = tpu.memref_slice %arg7[%dma_start3A_224, %dma_start3A_235] : memref<2x32768xf32, #tpu.memory_space<vmem>> -> memref<1x32768xf32, #tpu.memory_space<vmem>>
    %dma_start3A_237 = tpu.memref_squeeze %dma_start3A_236 : memref<1x32768xf32, #tpu.memory_space<vmem>> -> memref<32768xf32, #tpu.memory_space<vmem>>
    tpu.enqueue_dma source(%dma_start3A_237 : memref<32768xf32, #tpu.memory_space<vmem>>) target(%dma_start3A_234 : memref<32768xf32, #tpu.memory_space<hbm>>) target_semaphore(%arg10 : memref<!tpu.dma_semaphore, #tpu.memory_space<semaphore_mem>>)
    %dma_start3A_238 = arith.constant 0 : i32
    %dma_start3A_239 = arith.constant 1 : i32
    %dma_start3A_240 = arith.constant 0 : i32
    %dma_start3A_241 = tpu.memref_slice %arg7[%dma_start3A_238, %dma_start3A_240] : memref<2x32768xf32, #tpu.memory_space<vmem>> -> memref<1x32768xf32, #tpu.memory_space<vmem>>
    %dma_start3A_242 = tpu.memref_squeeze %dma_start3A_241 : memref<1x32768xf32, #tpu.memory_space<vmem>> -> memref<32768xf32, #tpu.memory_space<vmem>>
    %dma_start3A_243 = arith.constant 0 : i32
    %dma_start3A_244 = tpu.memref_slice %arg5[%dma_start3A_239, %add3A_151, %dma_start3A_243] : memref<4x128x32768xf32, #tpu.memory_space<hbm>> -> memref<1x1x32768xf32, #tpu.memory_space<hbm>>
    %dma_start3A_245 = tpu.memref_squeeze %dma_start3A_244 : memref<1x1x32768xf32, #tpu.memory_space<hbm>> -> memref<32768xf32, #tpu.memory_space<hbm>>
    %dma_start3A_246 = arith.constant 0 : i32
    %dma_start3A_247 = tpu.memref_slice %arg5[%dma_start3A_239, %add3A_151, %dma_start3A_246] : memref<4x128x32768xf32, #tpu.memory_space<hbm>> -> memref<1x1x32768xf32, #tpu.memory_space<hbm>>
    %dma_start3A_248 = tpu.memref_squeeze %dma_start3A_247 : memref<1x1x32768xf32, #tpu.memory_space<hbm>> -> memref<32768xf32, #tpu.memory_space<hbm>>
    %dma_start3A_249 = arith.constant 0 : i32
    %dma_start3A_250 = tpu.memref_slice %arg7[%dma_start3A_238, %dma_start3A_249] : memref<2x32768xf32, #tpu.memory_space<vmem>> -> memref<1x32768xf32, #tpu.memory_space<vmem>>
    %dma_start3A_251 = tpu.memref_squeeze %dma_start3A_250 : memref<1x32768xf32, #tpu.memory_space<vmem>> -> memref<32768xf32, #tpu.memory_space<vmem>>
    tpu.enqueue_dma source(%dma_start3A_251 : memref<32768xf32, #tpu.memory_space<vmem>>) target(%dma_start3A_248 : memref<32768xf32, #tpu.memory_space<hbm>>) target_semaphore(%arg10 : memref<!tpu.dma_semaphore, #tpu.memory_space<semaphore_mem>>)
    %dma_start3A_252 = arith.constant 0 : i32
    %dma_start3A_253 = arith.constant 2 : i32
    %dma_start3A_254 = arith.constant 0 : i32
    %dma_start3A_255 = tpu.memref_slice %arg7[%dma_start3A_252, %dma_start3A_254] : memref<2x32768xf32, #tpu.memory_space<vmem>> -> memref<1x32768xf32, #tpu.memory_space<vmem>>
    %dma_start3A_256 = tpu.memref_squeeze %dma_start3A_255 : memref<1x32768xf32, #tpu.memory_space<vmem>> -> memref<32768xf32, #tpu.memory_space<vmem>>
    %dma_start3A_257 = arith.constant 0 : i32
    %dma_start3A_258 = tpu.memref_slice %arg5[%dma_start3A_253, %add3A_151, %dma_start3A_257] : memref<4x128x32768xf32, #tpu.memory_space<hbm>> -> memref<1x1x32768xf32, #tpu.memory_space<hbm>>
    %dma_start3A_259 = tpu.memref_squeeze %dma_start3A_258 : memref<1x1x32768xf32, #tpu.memory_space<hbm>> -> memref<32768xf32, #tpu.memory_space<hbm>>
    %dma_start3A_260 = arith.constant 0 : i32
    %dma_start3A_261 = tpu.memref_slice %arg5[%dma_start3A_253, %add3A_151, %dma_start3A_260] : memref<4x128x32768xf32, #tpu.memory_space<hbm>> -> memref<1x1x32768xf32, #tpu.memory_space<hbm>>
    %dma_start3A_262 = tpu.memref_squeeze %dma_start3A_261 : memref<1x1x32768xf32, #tpu.memory_space<hbm>> -> memref<32768xf32, #tpu.memory_space<hbm>>
    %dma_start3A_263 = arith.constant 0 : i32
    %dma_start3A_264 = tpu.memref_slice %arg7[%dma_start3A_252, %dma_start3A_263] : memref<2x32768xf32, #tpu.memory_space<vmem>> -> memref<1x32768xf32, #tpu.memory_space<vmem>>
    %dma_start3A_265 = tpu.memref_squeeze %dma_start3A_264 : memref<1x32768xf32, #tpu.memory_space<vmem>> -> memref<32768xf32, #tpu.memory_space<vmem>>
    tpu.enqueue_dma source(%dma_start3A_265 : memref<32768xf32, #tpu.memory_space<vmem>>) target(%dma_start3A_262 : memref<32768xf32, #tpu.memory_space<hbm>>) target_semaphore(%arg10 : memref<!tpu.dma_semaphore, #tpu.memory_space<semaphore_mem>>)
    %dma_start3A_266 = arith.constant 0 : i32
    %dma_start3A_267 = arith.constant 3 : i32
    %dma_start3A_268 = arith.constant 0 : i32
    %dma_start3A_269 = tpu.memref_slice %arg7[%dma_start3A_266, %dma_start3A_268] : memref<2x32768xf32, #tpu.memory_space<vmem>> -> memref<1x32768xf32, #tpu.memory_space<vmem>>
    %dma_start3A_270 = tpu.memref_squeeze %dma_start3A_269 : memref<1x32768xf32, #tpu.memory_space<vmem>> -> memref<32768xf32, #tpu.memory_space<vmem>>
    %dma_start3A_271 = arith.constant 0 : i32
    %dma_start3A_272 = tpu.memref_slice %arg5[%dma_start3A_267, %add3A_151, %dma_start3A_271] : memref<4x128x32768xf32, #tpu.memory_space<hbm>> -> memref<1x1x32768xf32, #tpu.memory_space<hbm>>
    %dma_start3A_273 = tpu.memref_squeeze %dma_start3A_272 : memref<1x1x32768xf32, #tpu.memory_space<hbm>> -> memref<32768xf32, #tpu.memory_space<hbm>>
    %dma_start3A_274 = arith.constant 0 : i32
    %dma_start3A_275 = tpu.memref_slice %arg5[%dma_start3A_267, %add3A_151, %dma_start3A_274] : memref<4x128x32768xf32, #tpu.memory_space<hbm>> -> memref<1x1x32768xf32, #tpu.memory_space<hbm>>
    %dma_start3A_276 = tpu.memref_squeeze %dma_start3A_275 : memref<1x1x32768xf32, #tpu.memory_space<hbm>> -> memref<32768xf32, #tpu.memory_space<hbm>>
    %dma_start3A_277 = arith.constant 0 : i32
    %dma_start3A_278 = tpu.memref_slice %arg7[%dma_start3A_266, %dma_start3A_277] : memref<2x32768xf32, #tpu.memory_space<vmem>> -> memref<1x32768xf32, #tpu.memory_space<vmem>>
    %dma_start3A_279 = tpu.memref_squeeze %dma_start3A_278 : memref<1x32768xf32, #tpu.memory_space<vmem>> -> memref<32768xf32, #tpu.memory_space<vmem>>
    tpu.enqueue_dma source(%dma_start3A_279 : memref<32768xf32, #tpu.memory_space<vmem>>) target(%dma_start3A_276 : memref<32768xf32, #tpu.memory_space<hbm>>) target_semaphore(%arg10 : memref<!tpu.dma_semaphore, #tpu.memory_space<semaphore_mem>>)
    %add3A_280 = arith.constant 3 : i32
    %add3A_281 = arith.addi %mul3A_2, %add3A_280 : i32
    "tpu.region"() ({
      %run_scoped3A = tpu.sem_alloc : memref<!tpu.dma_semaphore, #tpu.memory_space<semaphore_mem>>
      %dma_start3A_523 = arith.constant 0 : i32
      %dma_start3A_524 = tpu.memref_slice %arg2[%add3A_281, %dma_start3A_523] : memref<128x32768xf32, #tpu.memory_space<hbm>> -> memref<1x32768xf32, #tpu.memory_space<hbm>>
      %dma_start3A_525 = tpu.memref_squeeze %dma_start3A_524 : memref<1x32768xf32, #tpu.memory_space<hbm>> -> memref<32768xf32, #tpu.memory_space<hbm>>
      %dma_start3A_526 = arith.constant 0 : i32
      %dma_start3A_527 = tpu.memref_slice %arg2[%add3A_281, %dma_start3A_526] : memref<128x32768xf32, #tpu.memory_space<hbm>> -> memref<1x32768xf32, #tpu.memory_space<hbm>>
      %dma_start3A_528 = tpu.memref_squeeze %dma_start3A_527 : memref<1x32768xf32, #tpu.memory_space<hbm>> -> memref<32768xf32, #tpu.memory_space<hbm>>
      tpu.enqueue_dma source(%dma_start3A_528 : memref<32768xf32, #tpu.memory_space<hbm>>) target(%arg6 : memref<32768xf32, #tpu.memory_space<vmem>>) target_semaphore(%run_scoped3A : memref<!tpu.dma_semaphore, #tpu.memory_space<semaphore_mem>>)
      %dma_wait3A_529 = arith.constant 0 : i32
      %dma_wait3A_530 = tpu.memref_slice %arg2[%add3A_281, %dma_wait3A_529] : memref<128x32768xf32, #tpu.memory_space<hbm>> -> memref<1x32768xf32, #tpu.memory_space<hbm>>
      %dma_wait3A_531 = tpu.memref_squeeze %dma_wait3A_530 : memref<1x32768xf32, #tpu.memory_space<hbm>> -> memref<32768xf32, #tpu.memory_space<hbm>>
      %dma_wait3A_532 = arith.constant 0 : i32
      %dma_wait3A_533 = tpu.memref_slice %arg2[%add3A_281, %dma_wait3A_532] : memref<128x32768xf32, #tpu.memory_space<hbm>> -> memref<1x32768xf32, #tpu.memory_space<hbm>>
      %dma_wait3A_534 = tpu.memref_squeeze %dma_wait3A_533 : memref<1x32768xf32, #tpu.memory_space<hbm>> -> memref<32768xf32, #tpu.memory_space<hbm>>
      tpu.wait_dma2 semaphore(%run_scoped3A : memref<!tpu.dma_semaphore, #tpu.memory_space<semaphore_mem>>) src(%dma_wait3A_534 : memref<32768xf32, #tpu.memory_space<hbm>>) dst(%arg6 : memref<32768xf32, #tpu.memory_space<vmem>>)
      tpu.yield
    }) : () -> ()
    %get3A_282 = arith.constant 3 : i32
    %get3A_283 = arith.index_cast %get3A_282 : i32 to index
    %get3A_284 = arith.constant 0 : index
    %get3A_285 = tpu.vector_load %arg8[%get3A_283, %get3A_284] {strides = array<i32>} : memref<4x128xi32, #tpu.memory_space<vmem>>, vector<1x16xi32>,
    %get3A_286 = vector.shape_cast %get3A_285 : vector<1x16xi32> to vector<16xi32>
    %get3A_287 = arith.constant 3 : i32
    %get3A_288 = arith.index_cast %get3A_287 : i32 to index
    %get3A_289 = arith.constant 0 : index
    %get3A_290 = tpu.vector_load %arg9[%get3A_288, %get3A_289] {strides = array<i32>} : memref<4x128xi32, #tpu.memory_space<vmem>>, vector<1x16xi32>,
    %get3A_291 = vector.shape_cast %get3A_290 : vector<1x16xi32> to vector<16xi32>
    %dma_wait3A_292 = arith.constant 1 : i32
    %dma_wait3A_293 = arith.constant 0 : i32
    %dma_wait3A_294 = arith.constant 0 : i32
    %dma_wait3A_295 = tpu.memref_slice %arg7[%dma_wait3A_292, %dma_wait3A_294] : memref<2x32768xf32, #tpu.memory_space<vmem>> -> memref<1x32768xf32, #tpu.memory_space<vmem>>
    %dma_wait3A_296 = tpu.memref_squeeze %dma_wait3A_295 : memref<1x32768xf32, #tpu.memory_space<vmem>> -> memref<32768xf32, #tpu.memory_space<vmem>>
    %dma_wait3A_297 = arith.constant 0 : i32
    %dma_wait3A_298 = tpu.memref_slice %arg5[%dma_wait3A_293, %add3A_76, %dma_wait3A_297] : memref<4x128x32768xf32, #tpu.memory_space<hbm>> -> memref<1x1x32768xf32, #tpu.memory_space<hbm>>
    %dma_wait3A_299 = tpu.memref_squeeze %dma_wait3A_298 : memref<1x1x32768xf32, #tpu.memory_space<hbm>> -> memref<32768xf32, #tpu.memory_space<hbm>>
    %dma_wait3A_300 = arith.constant 0 : i32
    %dma_wait3A_301 = tpu.memref_slice %arg5[%dma_wait3A_293, %add3A_76, %dma_wait3A_300] : memref<4x128x32768xf32, #tpu.memory_space<hbm>> -> memref<1x1x32768xf32, #tpu.memory_space<hbm>>
    %dma_wait3A_302 = tpu.memref_squeeze %dma_wait3A_301 : memref<1x1x32768xf32, #tpu.memory_space<hbm>> -> memref<32768xf32, #tpu.memory_space<hbm>>
    %dma_wait3A_303 = arith.constant 0 : i32
    %dma_wait3A_304 = tpu.memref_slice %arg7[%dma_wait3A_292, %dma_wait3A_303] : memref<2x32768xf32, #tpu.memory_space<vmem>> -> memref<1x32768xf32, #tpu.memory_space<vmem>>
    %dma_wait3A_305 = tpu.memref_squeeze %dma_wait3A_304 : memref<1x32768xf32, #tpu.memory_space<vmem>> -> memref<32768xf32, #tpu.memory_space<vmem>>
    tpu.wait_dma2 semaphore(%arg10 : memref<!tpu.dma_semaphore, #tpu.memory_space<semaphore_mem>>) src(%dma_wait3A_305 : memref<32768xf32, #tpu.memory_space<vmem>>) dst(%dma_wait3A_302 : memref<32768xf32, #tpu.memory_space<hbm>>)
    %dma_wait3A_306 = arith.constant 1 : i32
    %dma_wait3A_307 = arith.constant 1 : i32
    %dma_wait3A_308 = arith.constant 0 : i32
    %dma_wait3A_309 = tpu.memref_slice %arg7[%dma_wait3A_306, %dma_wait3A_308] : memref<2x32768xf32, #tpu.memory_space<vmem>> -> memref<1x32768xf32, #tpu.memory_space<vmem>>
    %dma_wait3A_310 = tpu.memref_squeeze %dma_wait3A_309 : memref<1x32768xf32, #tpu.memory_space<vmem>> -> memref<32768xf32, #tpu.memory_space<vmem>>
    %dma_wait3A_311 = arith.constant 0 : i32
    %dma_wait3A_312 = tpu.memref_slice %arg5[%dma_wait3A_307, %add3A_76, %dma_wait3A_311] : memref<4x128x32768xf32, #tpu.memory_space<hbm>> -> memref<1x1x32768xf32, #tpu.memory_space<hbm>>
    %dma_wait3A_313 = tpu.memref_squeeze %dma_wait3A_312 : memref<1x1x32768xf32, #tpu.memory_space<hbm>> -> memref<32768xf32, #tpu.memory_space<hbm>>
    %dma_wait3A_314 = arith.constant 0 : i32
    %dma_wait3A_315 = tpu.memref_slice %arg5[%dma_wait3A_307, %add3A_76, %dma_wait3A_314] : memref<4x128x32768xf32, #tpu.memory_space<hbm>> -> memref<1x1x32768xf32, #tpu.memory_space<hbm>>
    %dma_wait3A_316 = tpu.memref_squeeze %dma_wait3A_315 : memref<1x1x32768xf32, #tpu.memory_space<hbm>> -> memref<32768xf32, #tpu.memory_space<hbm>>
    %dma_wait3A_317 = arith.constant 0 : i32
    %dma_wait3A_318 = tpu.memref_slice %arg7[%dma_wait3A_306, %dma_wait3A_317] : memref<2x32768xf32, #tpu.memory_space<vmem>> -> memref<1x32768xf32, #tpu.memory_space<vmem>>
    %dma_wait3A_319 = tpu.memref_squeeze %dma_wait3A_318 : memref<1x32768xf32, #tpu.memory_space<vmem>> -> memref<32768xf32, #tpu.memory_space<vmem>>
    tpu.wait_dma2 semaphore(%arg10 : memref<!tpu.dma_semaphore, #tpu.memory_space<semaphore_mem>>) src(%dma_wait3A_319 : memref<32768xf32, #tpu.memory_space<vmem>>) dst(%dma_wait3A_316 : memref<32768xf32, #tpu.memory_space<hbm>>)
    %dma_wait3A_320 = arith.constant 1 : i32
    %dma_wait3A_321 = arith.constant 2 : i32
    %dma_wait3A_322 = arith.constant 0 : i32
    %dma_wait3A_323 = tpu.memref_slice %arg7[%dma_wait3A_320, %dma_wait3A_322] : memref<2x32768xf32, #tpu.memory_space<vmem>> -> memref<1x32768xf32, #tpu.memory_space<vmem>>
    %dma_wait3A_324 = tpu.memref_squeeze %dma_wait3A_323 : memref<1x32768xf32, #tpu.memory_space<vmem>> -> memref<32768xf32, #tpu.memory_space<vmem>>
    %dma_wait3A_325 = arith.constant 0 : i32
    %dma_wait3A_326 = tpu.memref_slice %arg5[%dma_wait3A_321, %add3A_76, %dma_wait3A_325] : memref<4x128x32768xf32, #tpu.memory_space<hbm>> -> memref<1x1x32768xf32, #tpu.memory_space<hbm>>
    %dma_wait3A_327 = tpu.memref_squeeze %dma_wait3A_326 : memref<1x1x32768xf32, #tpu.memory_space<hbm>> -> memref<32768xf32, #tpu.memory_space<hbm>>
    %dma_wait3A_328 = arith.constant 0 : i32
    %dma_wait3A_329 = tpu.memref_slice %arg5[%dma_wait3A_321, %add3A_76, %dma_wait3A_328] : memref<4x128x32768xf32, #tpu.memory_space<hbm>> -> memref<1x1x32768xf32, #tpu.memory_space<hbm>>
    %dma_wait3A_330 = tpu.memref_squeeze %dma_wait3A_329 : memref<1x1x32768xf32, #tpu.memory_space<hbm>> -> memref<32768xf32, #tpu.memory_space<hbm>>
    %dma_wait3A_331 = arith.constant 0 : i32
    %dma_wait3A_332 = tpu.memref_slice %arg7[%dma_wait3A_320, %dma_wait3A_331] : memref<2x32768xf32, #tpu.memory_space<vmem>> -> memref<1x32768xf32, #tpu.memory_space<vmem>>
    %dma_wait3A_333 = tpu.memref_squeeze %dma_wait3A_332 : memref<1x32768xf32, #tpu.memory_space<vmem>> -> memref<32768xf32, #tpu.memory_space<vmem>>
    tpu.wait_dma2 semaphore(%arg10 : memref<!tpu.dma_semaphore, #tpu.memory_space<semaphore_mem>>) src(%dma_wait3A_333 : memref<32768xf32, #tpu.memory_space<vmem>>) dst(%dma_wait3A_330 : memref<32768xf32, #tpu.memory_space<hbm>>)
    %dma_wait3A_334 = arith.constant 1 : i32
    %dma_wait3A_335 = arith.constant 3 : i32
    %dma_wait3A_336 = arith.constant 0 : i32
    %dma_wait3A_337 = tpu.memref_slice %arg7[%dma_wait3A_334, %dma_wait3A_336] : memref<2x32768xf32, #tpu.memory_space<vmem>> -> memref<1x32768xf32, #tpu.memory_space<vmem>>
    %dma_wait3A_338 = tpu.memref_squeeze %dma_wait3A_337 : memref<1x32768xf32, #tpu.memory_space<vmem>> -> memref<32768xf32, #tpu.memory_space<vmem>>
    %dma_wait3A_339 = arith.constant 0 : i32
    %dma_wait3A_340 = tpu.memref_slice %arg5[%dma_wait3A_335, %add3A_76, %dma_wait3A_339] : memref<4x128x32768xf32, #tpu.memory_space<hbm>> -> memref<1x1x32768xf32, #tpu.memory_space<hbm>>
    %dma_wait3A_341 = tpu.memref_squeeze %dma_wait3A_340 : memref<1x1x32768xf32, #tpu.memory_space<hbm>> -> memref<32768xf32, #tpu.memory_space<hbm>>
    %dma_wait3A_342 = arith.constant 0 : i32
    %dma_wait3A_343 = tpu.memref_slice %arg5[%dma_wait3A_335, %add3A_76, %dma_wait3A_342] : memref<4x128x32768xf32, #tpu.memory_space<hbm>> -> memref<1x1x32768xf32, #tpu.memory_space<hbm>>
    %dma_wait3A_344 = tpu.memref_squeeze %dma_wait3A_343 : memref<1x1x32768xf32, #tpu.memory_space<hbm>> -> memref<32768xf32, #tpu.memory_space<hbm>>
    %dma_wait3A_345 = arith.constant 0 : i32
    %dma_wait3A_346 = tpu.memref_slice %arg7[%dma_wait3A_334, %dma_wait3A_345] : memref<2x32768xf32, #tpu.memory_space<vmem>> -> memref<1x32768xf32, #tpu.memory_space<vmem>>
    %dma_wait3A_347 = tpu.memref_squeeze %dma_wait3A_346 : memref<1x32768xf32, #tpu.memory_space<vmem>> -> memref<32768xf32, #tpu.memory_space<vmem>>
    tpu.wait_dma2 semaphore(%arg10 : memref<!tpu.dma_semaphore, #tpu.memory_space<semaphore_mem>>) src(%dma_wait3A_347 : memref<32768xf32, #tpu.memory_space<vmem>>) dst(%dma_wait3A_344 : memref<32768xf32, #tpu.memory_space<hbm>>)
    %scan3A_348 = arith.constant 0 : i32
    %scan3A_349 = arith.constant 1 : i32
    %scan3A_350 = arith.constant 0 : i32
    %scan3A_351 = arith.constant 512 : i32
    %scan3A_352 = arith.addi %scan3A_350, %scan3A_351 : i32
    %scan3A_353 = arith.constant 1 : i32
    scf.for %scan3A_523 = %scan3A_350 to %scan3A_352 step %scan3A_353  : i32 {
      %mul3A_524 = arith.constant 4 : i32
      %mul3A_525 = arith.muli %scan3A_523, %mul3A_524 : i32
      %add3A_526 = arith.constant 0 : i32
      %add3A_527 = arith.addi %mul3A_525, %add3A_526 : i32
      %mul3A_528 = arith.constant 16 : i32
      %mul3A_529 = arith.muli %add3A_527, %mul3A_528 : i32
      %get3A_530 = arith.index_cast %mul3A_529 : i32 to index
      %get3A_531 = tpu.vector_load %arg6[%get3A_530] {strides = array<i32>} : memref<32768xf32, #tpu.memory_space<vmem>>, vector<16xf32>,
      %get3A_532 = vector.shape_cast %get3A_531 : vector<16xf32> to vector<16xf32>
      %bitcast_convert_type3A = tpu.bitcast %get3A_532 : vector<16xf32> -> vector<16xi32>
      %ge3A = arith.constant 0 : i32
      %ge3A_533 = vector.broadcast %ge3A : i32 to vector<16xi32>
      %ge3A_534 = arith.cmpi sge, %bitcast_convert_type3A, %ge3A_533 : vector<16xi32>
      %xor3A = arith.constant 2147483647 : i32
      %xor3A_535 = vector.broadcast %xor3A : i32 to vector<16xi32>
      %xor3A_536 = arith.xori %bitcast_convert_type3A, %xor3A_535 : vector<16xi32>
      %select_n3A = arith.select %ge3A_534, %bitcast_convert_type3A, %xor3A_536 : vector<16xi1>, vector<16xi32>
      %add3A_537 = vector.broadcast %mul3A_529 : i32 to vector<16xi32>
      %add3A_538 = arith.addi %add3A_537, %iota3A : vector<16xi32>
      %gt3A = arith.cmpi sgt, %select_n3A, %get3A_286 : vector<16xi32>
      %eq3A = arith.cmpi eq, %select_n3A, %get3A_286 : vector<16xi32>
      %le3A = arith.cmpi sle, %add3A_538, %get3A_291 : vector<16xi32>
      %and3A = arith.andi %eq3A, %le3A : vector<16xi1>
      %or3A = arith.ori %gt3A, %and3A : vector<16xi1>
      %jit3A = arith.constant 1.000000e+00 : f32
      %jit3A_539 = arith.constant 0.000000e+00 : f32
      %broadcast_in_dim3A = vector.broadcast %jit3A : f32 to vector<16xf32>
      %broadcast_in_dim3A_540 = vector.broadcast %jit3A_539 : f32 to vector<16xf32>
      %select_n3A_541 = arith.select %or3A, %broadcast_in_dim3A, %broadcast_in_dim3A_540 : vector<16xi1>, vector<16xf32>
      %swap3A = arith.constant 0 : i32
      %swap3A_542 = tpu.memref_slice %arg7[%scan3A_349, %swap3A] : memref<2x32768xf32, #tpu.memory_space<vmem>> -> memref<1x32768xf32, #tpu.memory_space<vmem>>
      %swap3A_543 = tpu.memref_squeeze %swap3A_542 : memref<1x32768xf32, #tpu.memory_space<vmem>> -> memref<32768xf32, #tpu.memory_space<vmem>>
      %swap3A_544 = arith.index_cast %mul3A_529 : i32 to index
      %swap3A_545 = tpu.vector_load %swap3A_543[%swap3A_544] {strides = array<i32>} : memref<32768xf32, #tpu.memory_space<vmem>>, vector<16xf32>,
      %swap3A_546 = vector.shape_cast %swap3A_545 : vector<16xf32> to vector<16xf32>
      %swap3A_547 = vector.shape_cast %select_n3A_541 : vector<16xf32> to vector<16xf32>
      tpu.vector_store %swap3A_543[%swap3A_544], %swap3A_547 {strides = array<i32>} : memref<32768xf32, #tpu.memory_space<vmem>>, vector<16xf32>,
      %mul3A_548 = arith.constant 4 : i32
      %mul3A_549 = arith.muli %scan3A_523, %mul3A_548 : i32
      %add3A_550 = arith.constant 1 : i32
      %add3A_551 = arith.addi %mul3A_549, %add3A_550 : i32
      %mul3A_552 = arith.constant 16 : i32
      %mul3A_553 = arith.muli %add3A_551, %mul3A_552 : i32
      %get3A_554 = arith.index_cast %mul3A_553 : i32 to index
      %get3A_555 = tpu.vector_load %arg6[%get3A_554] {strides = array<i32>} : memref<32768xf32, #tpu.memory_space<vmem>>, vector<16xf32>,
      %get3A_556 = vector.shape_cast %get3A_555 : vector<16xf32> to vector<16xf32>
      %bitcast_convert_type3A_557 = tpu.bitcast %get3A_556 : vector<16xf32> -> vector<16xi32>
      %ge3A_558 = arith.constant 0 : i32
      %ge3A_559 = vector.broadcast %ge3A_558 : i32 to vector<16xi32>
      %ge3A_560 = arith.cmpi sge, %bitcast_convert_type3A_557, %ge3A_559 : vector<16xi32>
      %xor3A_561 = arith.constant 2147483647 : i32
      %xor3A_562 = vector.broadcast %xor3A_561 : i32 to vector<16xi32>
      %xor3A_563 = arith.xori %bitcast_convert_type3A_557, %xor3A_562 : vector<16xi32>
      %select_n3A_564 = arith.select %ge3A_560, %bitcast_convert_type3A_557, %xor3A_563 : vector<16xi1>, vector<16xi32>
      %add3A_565 = vector.broadcast %mul3A_553 : i32 to vector<16xi32>
      %add3A_566 = arith.addi %add3A_565, %iota3A : vector<16xi32>
      %gt3A_567 = arith.cmpi sgt, %select_n3A_564, %get3A_286 : vector<16xi32>
      %eq3A_568 = arith.cmpi eq, %select_n3A_564, %get3A_286 : vector<16xi32>
      %le3A_569 = arith.cmpi sle, %add3A_566, %get3A_291 : vector<16xi32>
      %and3A_570 = arith.andi %eq3A_568, %le3A_569 : vector<16xi1>
      %or3A_571 = arith.ori %gt3A_567, %and3A_570 : vector<16xi1>
      %jit3A_572 = arith.constant 1.000000e+00 : f32
      %jit3A_573 = arith.constant 0.000000e+00 : f32
      %broadcast_in_dim3A_574 = vector.broadcast %jit3A_572 : f32 to vector<16xf32>
      %broadcast_in_dim3A_575 = vector.broadcast %jit3A_573 : f32 to vector<16xf32>
      %select_n3A_576 = arith.select %or3A_571, %broadcast_in_dim3A_574, %broadcast_in_dim3A_575 : vector<16xi1>, vector<16xf32>
      %swap3A_577 = arith.constant 0 : i32
      %swap3A_578 = tpu.memref_slice %arg7[%scan3A_349, %swap3A_577] : memref<2x32768xf32, #tpu.memory_space<vmem>> -> memref<1x32768xf32, #tpu.memory_space<vmem>>
      %swap3A_579 = tpu.memref_squeeze %swap3A_578 : memref<1x32768xf32, #tpu.memory_space<vmem>> -> memref<32768xf32, #tpu.memory_space<vmem>>
      %swap3A_580 = arith.index_cast %mul3A_553 : i32 to index
      %swap3A_581 = tpu.vector_load %swap3A_579[%swap3A_580] {strides = array<i32>} : memref<32768xf32, #tpu.memory_space<vmem>>, vector<16xf32>,
      %swap3A_582 = vector.shape_cast %swap3A_581 : vector<16xf32> to vector<16xf32>
      %swap3A_583 = vector.shape_cast %select_n3A_576 : vector<16xf32> to vector<16xf32>
      tpu.vector_store %swap3A_579[%swap3A_580], %swap3A_583 {strides = array<i32>} : memref<32768xf32, #tpu.memory_space<vmem>>, vector<16xf32>,
      %mul3A_584 = arith.constant 4 : i32
      %mul3A_585 = arith.muli %scan3A_523, %mul3A_584 : i32
      %add3A_586 = arith.constant 2 : i32
      %add3A_587 = arith.addi %mul3A_585, %add3A_586 : i32
      %mul3A_588 = arith.constant 16 : i32
      %mul3A_589 = arith.muli %add3A_587, %mul3A_588 : i32
      %get3A_590 = arith.index_cast %mul3A_589 : i32 to index
      %get3A_591 = tpu.vector_load %arg6[%get3A_590] {strides = array<i32>} : memref<32768xf32, #tpu.memory_space<vmem>>, vector<16xf32>,
      %get3A_592 = vector.shape_cast %get3A_591 : vector<16xf32> to vector<16xf32>
      %bitcast_convert_type3A_593 = tpu.bitcast %get3A_592 : vector<16xf32> -> vector<16xi32>
      %ge3A_594 = arith.constant 0 : i32
      %ge3A_595 = vector.broadcast %ge3A_594 : i32 to vector<16xi32>
      %ge3A_596 = arith.cmpi sge, %bitcast_convert_type3A_593, %ge3A_595 : vector<16xi32>
      %xor3A_597 = arith.constant 2147483647 : i32
      %xor3A_598 = vector.broadcast %xor3A_597 : i32 to vector<16xi32>
      %xor3A_599 = arith.xori %bitcast_convert_type3A_593, %xor3A_598 : vector<16xi32>
      %select_n3A_600 = arith.select %ge3A_596, %bitcast_convert_type3A_593, %xor3A_599 : vector<16xi1>, vector<16xi32>
      %add3A_601 = vector.broadcast %mul3A_589 : i32 to vector<16xi32>
      %add3A_602 = arith.addi %add3A_601, %iota3A : vector<16xi32>
      %gt3A_603 = arith.cmpi sgt, %select_n3A_600, %get3A_286 : vector<16xi32>
      %eq3A_604 = arith.cmpi eq, %select_n3A_600, %get3A_286 : vector<16xi32>
      %le3A_605 = arith.cmpi sle, %add3A_602, %get3A_291 : vector<16xi32>
      %and3A_606 = arith.andi %eq3A_604, %le3A_605 : vector<16xi1>
      %or3A_607 = arith.ori %gt3A_603, %and3A_606 : vector<16xi1>
      %jit3A_608 = arith.constant 1.000000e+00 : f32
      %jit3A_609 = arith.constant 0.000000e+00 : f32
      %broadcast_in_dim3A_610 = vector.broadcast %jit3A_608 : f32 to vector<16xf32>
      %broadcast_in_dim3A_611 = vector.broadcast %jit3A_609 : f32 to vector<16xf32>
      %select_n3A_612 = arith.select %or3A_607, %broadcast_in_dim3A_610, %broadcast_in_dim3A_611 : vector<16xi1>, vector<16xf32>
      %swap3A_613 = arith.constant 0 : i32
      %swap3A_614 = tpu.memref_slice %arg7[%scan3A_349, %swap3A_613] : memref<2x32768xf32, #tpu.memory_space<vmem>> -> memref<1x32768xf32, #tpu.memory_space<vmem>>
      %swap3A_615 = tpu.memref_squeeze %swap3A_614 : memref<1x32768xf32, #tpu.memory_space<vmem>> -> memref<32768xf32, #tpu.memory_space<vmem>>
      %swap3A_616 = arith.index_cast %mul3A_589 : i32 to index
      %swap3A_617 = tpu.vector_load %swap3A_615[%swap3A_616] {strides = array<i32>} : memref<32768xf32, #tpu.memory_space<vmem>>, vector<16xf32>,
      %swap3A_618 = vector.shape_cast %swap3A_617 : vector<16xf32> to vector<16xf32>
      %swap3A_619 = vector.shape_cast %select_n3A_612 : vector<16xf32> to vector<16xf32>
      tpu.vector_store %swap3A_615[%swap3A_616], %swap3A_619 {strides = array<i32>} : memref<32768xf32, #tpu.memory_space<vmem>>, vector<16xf32>,
      %mul3A_620 = arith.constant 4 : i32
      %mul3A_621 = arith.muli %scan3A_523, %mul3A_620 : i32
      %add3A_622 = arith.constant 3 : i32
      %add3A_623 = arith.addi %mul3A_621, %add3A_622 : i32
      %mul3A_624 = arith.constant 16 : i32
      %mul3A_625 = arith.muli %add3A_623, %mul3A_624 : i32
      %get3A_626 = arith.index_cast %mul3A_625 : i32 to index
      %get3A_627 = tpu.vector_load %arg6[%get3A_626] {strides = array<i32>} : memref<32768xf32, #tpu.memory_space<vmem>>, vector<16xf32>,
      %get3A_628 = vector.shape_cast %get3A_627 : vector<16xf32> to vector<16xf32>
      %bitcast_convert_type3A_629 = tpu.bitcast %get3A_628 : vector<16xf32> -> vector<16xi32>
      %ge3A_630 = arith.constant 0 : i32
      %ge3A_631 = vector.broadcast %ge3A_630 : i32 to vector<16xi32>
      %ge3A_632 = arith.cmpi sge, %bitcast_convert_type3A_629, %ge3A_631 : vector<16xi32>
      %xor3A_633 = arith.constant 2147483647 : i32
      %xor3A_634 = vector.broadcast %xor3A_633 : i32 to vector<16xi32>
      %xor3A_635 = arith.xori %bitcast_convert_type3A_629, %xor3A_634 : vector<16xi32>
      %select_n3A_636 = arith.select %ge3A_632, %bitcast_convert_type3A_629, %xor3A_635 : vector<16xi1>, vector<16xi32>
      %add3A_637 = vector.broadcast %mul3A_625 : i32 to vector<16xi32>
      %add3A_638 = arith.addi %add3A_637, %iota3A : vector<16xi32>
      %gt3A_639 = arith.cmpi sgt, %select_n3A_636, %get3A_286 : vector<16xi32>
      %eq3A_640 = arith.cmpi eq, %select_n3A_636, %get3A_286 : vector<16xi32>
      %le3A_641 = arith.cmpi sle, %add3A_638, %get3A_291 : vector<16xi32>
      %and3A_642 = arith.andi %eq3A_640, %le3A_641 : vector<16xi1>
      %or3A_643 = arith.ori %gt3A_639, %and3A_642 : vector<16xi1>
      %jit3A_644 = arith.constant 1.000000e+00 : f32
      %jit3A_645 = arith.constant 0.000000e+00 : f32
      %broadcast_in_dim3A_646 = vector.broadcast %jit3A_644 : f32 to vector<16xf32>
      %broadcast_in_dim3A_647 = vector.broadcast %jit3A_645 : f32 to vector<16xf32>
      %select_n3A_648 = arith.select %or3A_643, %broadcast_in_dim3A_646, %broadcast_in_dim3A_647 : vector<16xi1>, vector<16xf32>
      %swap3A_649 = arith.constant 0 : i32
      %swap3A_650 = tpu.memref_slice %arg7[%scan3A_349, %swap3A_649] : memref<2x32768xf32, #tpu.memory_space<vmem>> -> memref<1x32768xf32, #tpu.memory_space<vmem>>
      %swap3A_651 = tpu.memref_squeeze %swap3A_650 : memref<1x32768xf32, #tpu.memory_space<vmem>> -> memref<32768xf32, #tpu.memory_space<vmem>>
      %swap3A_652 = arith.index_cast %mul3A_625 : i32 to index
      %swap3A_653 = tpu.vector_load %swap3A_651[%swap3A_652] {strides = array<i32>} : memref<32768xf32, #tpu.memory_space<vmem>>, vector<16xf32>,
      %swap3A_654 = vector.shape_cast %swap3A_653 : vector<16xf32> to vector<16xf32>
      %swap3A_655 = vector.shape_cast %select_n3A_648 : vector<16xf32> to vector<16xf32>
      tpu.vector_store %swap3A_651[%swap3A_652], %swap3A_655 {strides = array<i32>} : memref<32768xf32, #tpu.memory_space<vmem>>, vector<16xf32>,
    }
    %scan3A_354 = arith.constant 512 : i32
    %dma_start3A_355 = arith.constant 1 : i32
    %dma_start3A_356 = arith.constant 0 : i32
    %dma_start3A_357 = arith.constant 0 : i32
    %dma_start3A_358 = tpu.memref_slice %arg7[%dma_start3A_355, %dma_start3A_357] : memref<2x32768xf32, #tpu.memory_space<vmem>> -> memref<1x32768xf32, #tpu.memory_space<vmem>>
    %dma_start3A_359 = tpu.memref_squeeze %dma_start3A_358 : memref<1x32768xf32, #tpu.memory_space<vmem>> -> memref<32768xf32, #tpu.memory_space<vmem>>
    %dma_start3A_360 = arith.constant 0 : i32
    %dma_start3A_361 = tpu.memref_slice %arg5[%dma_start3A_356, %add3A_281, %dma_start3A_360] : memref<4x128x32768xf32, #tpu.memory_space<hbm>> -> memref<1x1x32768xf32, #tpu.memory_space<hbm>>
    %dma_start3A_362 = tpu.memref_squeeze %dma_start3A_361 : memref<1x1x32768xf32, #tpu.memory_space<hbm>> -> memref<32768xf32, #tpu.memory_space<hbm>>
    %dma_start3A_363 = arith.constant 0 : i32
    %dma_start3A_364 = tpu.memref_slice %arg5[%dma_start3A_356, %add3A_281, %dma_start3A_363] : memref<4x128x32768xf32, #tpu.memory_space<hbm>> -> memref<1x1x32768xf32, #tpu.memory_space<hbm>>
    %dma_start3A_365 = tpu.memref_squeeze %dma_start3A_364 : memref<1x1x32768xf32, #tpu.memory_space<hbm>> -> memref<32768xf32, #tpu.memory_space<hbm>>
    %dma_start3A_366 = arith.constant 0 : i32
    %dma_start3A_367 = tpu.memref_slice %arg7[%dma_start3A_355, %dma_start3A_366] : memref<2x32768xf32, #tpu.memory_space<vmem>> -> memref<1x32768xf32, #tpu.memory_space<vmem>>
    %dma_start3A_368 = tpu.memref_squeeze %dma_start3A_367 : memref<1x32768xf32, #tpu.memory_space<vmem>> -> memref<32768xf32, #tpu.memory_space<vmem>>
    tpu.enqueue_dma source(%dma_start3A_368 : memref<32768xf32, #tpu.memory_space<vmem>>) target(%dma_start3A_365 : memref<32768xf32, #tpu.memory_space<hbm>>) target_semaphore(%arg10 : memref<!tpu.dma_semaphore, #tpu.memory_space<semaphore_mem>>)
    %dma_start3A_369 = arith.constant 1 : i32
    %dma_start3A_370 = arith.constant 1 : i32
    %dma_start3A_371 = arith.constant 0 : i32
    %dma_start3A_372 = tpu.memref_slice %arg7[%dma_start3A_369, %dma_start3A_371] : memref<2x32768xf32, #tpu.memory_space<vmem>> -> memref<1x32768xf32, #tpu.memory_space<vmem>>
    %dma_start3A_373 = tpu.memref_squeeze %dma_start3A_372 : memref<1x32768xf32, #tpu.memory_space<vmem>> -> memref<32768xf32, #tpu.memory_space<vmem>>
    %dma_start3A_374 = arith.constant 0 : i32
    %dma_start3A_375 = tpu.memref_slice %arg5[%dma_start3A_370, %add3A_281, %dma_start3A_374] : memref<4x128x32768xf32, #tpu.memory_space<hbm>> -> memref<1x1x32768xf32, #tpu.memory_space<hbm>>
    %dma_start3A_376 = tpu.memref_squeeze %dma_start3A_375 : memref<1x1x32768xf32, #tpu.memory_space<hbm>> -> memref<32768xf32, #tpu.memory_space<hbm>>
    %dma_start3A_377 = arith.constant 0 : i32
    %dma_start3A_378 = tpu.memref_slice %arg5[%dma_start3A_370, %add3A_281, %dma_start3A_377] : memref<4x128x32768xf32, #tpu.memory_space<hbm>> -> memref<1x1x32768xf32, #tpu.memory_space<hbm>>
    %dma_start3A_379 = tpu.memref_squeeze %dma_start3A_378 : memref<1x1x32768xf32, #tpu.memory_space<hbm>> -> memref<32768xf32, #tpu.memory_space<hbm>>
    %dma_start3A_380 = arith.constant 0 : i32
    %dma_start3A_381 = tpu.memref_slice %arg7[%dma_start3A_369, %dma_start3A_380] : memref<2x32768xf32, #tpu.memory_space<vmem>> -> memref<1x32768xf32, #tpu.memory_space<vmem>>
    %dma_start3A_382 = tpu.memref_squeeze %dma_start3A_381 : memref<1x32768xf32, #tpu.memory_space<vmem>> -> memref<32768xf32, #tpu.memory_space<vmem>>
    tpu.enqueue_dma source(%dma_start3A_382 : memref<32768xf32, #tpu.memory_space<vmem>>) target(%dma_start3A_379 : memref<32768xf32, #tpu.memory_space<hbm>>) target_semaphore(%arg10 : memref<!tpu.dma_semaphore, #tpu.memory_space<semaphore_mem>>)
    %dma_start3A_383 = arith.constant 1 : i32
    %dma_start3A_384 = arith.constant 2 : i32
    %dma_start3A_385 = arith.constant 0 : i32
    %dma_start3A_386 = tpu.memref_slice %arg7[%dma_start3A_383, %dma_start3A_385] : memref<2x32768xf32, #tpu.memory_space<vmem>> -> memref<1x32768xf32, #tpu.memory_space<vmem>>
    %dma_start3A_387 = tpu.memref_squeeze %dma_start3A_386 : memref<1x32768xf32, #tpu.memory_space<vmem>> -> memref<32768xf32, #tpu.memory_space<vmem>>
    %dma_start3A_388 = arith.constant 0 : i32
    %dma_start3A_389 = tpu.memref_slice %arg5[%dma_start3A_384, %add3A_281, %dma_start3A_388] : memref<4x128x32768xf32, #tpu.memory_space<hbm>> -> memref<1x1x32768xf32, #tpu.memory_space<hbm>>
    %dma_start3A_390 = tpu.memref_squeeze %dma_start3A_389 : memref<1x1x32768xf32, #tpu.memory_space<hbm>> -> memref<32768xf32, #tpu.memory_space<hbm>>
    %dma_start3A_391 = arith.constant 0 : i32
    %dma_start3A_392 = tpu.memref_slice %arg5[%dma_start3A_384, %add3A_281, %dma_start3A_391] : memref<4x128x32768xf32, #tpu.memory_space<hbm>> -> memref<1x1x32768xf32, #tpu.memory_space<hbm>>
    %dma_start3A_393 = tpu.memref_squeeze %dma_start3A_392 : memref<1x1x32768xf32, #tpu.memory_space<hbm>> -> memref<32768xf32, #tpu.memory_space<hbm>>
    %dma_start3A_394 = arith.constant 0 : i32
    %dma_start3A_395 = tpu.memref_slice %arg7[%dma_start3A_383, %dma_start3A_394] : memref<2x32768xf32, #tpu.memory_space<vmem>> -> memref<1x32768xf32, #tpu.memory_space<vmem>>
    %dma_start3A_396 = tpu.memref_squeeze %dma_start3A_395 : memref<1x32768xf32, #tpu.memory_space<vmem>> -> memref<32768xf32, #tpu.memory_space<vmem>>
    tpu.enqueue_dma source(%dma_start3A_396 : memref<32768xf32, #tpu.memory_space<vmem>>) target(%dma_start3A_393 : memref<32768xf32, #tpu.memory_space<hbm>>) target_semaphore(%arg10 : memref<!tpu.dma_semaphore, #tpu.memory_space<semaphore_mem>>)
    %dma_start3A_397 = arith.constant 1 : i32
    %dma_start3A_398 = arith.constant 3 : i32
    %dma_start3A_399 = arith.constant 0 : i32
    %dma_start3A_400 = tpu.memref_slice %arg7[%dma_start3A_397, %dma_start3A_399] : memref<2x32768xf32, #tpu.memory_space<vmem>> -> memref<1x32768xf32, #tpu.memory_space<vmem>>
    %dma_start3A_401 = tpu.memref_squeeze %dma_start3A_400 : memref<1x32768xf32, #tpu.memory_space<vmem>> -> memref<32768xf32, #tpu.memory_space<vmem>>
    %dma_start3A_402 = arith.constant 0 : i32
    %dma_start3A_403 = tpu.memref_slice %arg5[%dma_start3A_398, %add3A_281, %dma_start3A_402] : memref<4x128x32768xf32, #tpu.memory_space<hbm>> -> memref<1x1x32768xf32, #tpu.memory_space<hbm>>
    %dma_start3A_404 = tpu.memref_squeeze %dma_start3A_403 : memref<1x1x32768xf32, #tpu.memory_space<hbm>> -> memref<32768xf32, #tpu.memory_space<hbm>>
    %dma_start3A_405 = arith.constant 0 : i32
    %dma_start3A_406 = tpu.memref_slice %arg5[%dma_start3A_398, %add3A_281, %dma_start3A_405] : memref<4x128x32768xf32, #tpu.memory_space<hbm>> -> memref<1x1x32768xf32, #tpu.memory_space<hbm>>
    %dma_start3A_407 = tpu.memref_squeeze %dma_start3A_406 : memref<1x1x32768xf32, #tpu.memory_space<hbm>> -> memref<32768xf32, #tpu.memory_space<hbm>>
    %dma_start3A_408 = arith.constant 0 : i32
    %dma_start3A_409 = tpu.memref_slice %arg7[%dma_start3A_397, %dma_start3A_408] : memref<2x32768xf32, #tpu.memory_space<vmem>> -> memref<1x32768xf32, #tpu.memory_space<vmem>>
    %dma_start3A_410 = tpu.memref_squeeze %dma_start3A_409 : memref<1x32768xf32, #tpu.memory_space<vmem>> -> memref<32768xf32, #tpu.memory_space<vmem>>
    tpu.enqueue_dma source(%dma_start3A_410 : memref<32768xf32, #tpu.memory_space<vmem>>) target(%dma_start3A_407 : memref<32768xf32, #tpu.memory_space<hbm>>) target_semaphore(%arg10 : memref<!tpu.dma_semaphore, #tpu.memory_space<semaphore_mem>>)
    %dma_wait3A_411 = arith.constant 0 : i32
    %dma_wait3A_412 = arith.constant 0 : i32
    %dma_wait3A_413 = arith.constant 0 : i32
    %dma_wait3A_414 = tpu.memref_slice %arg7[%dma_wait3A_411, %dma_wait3A_413] : memref<2x32768xf32, #tpu.memory_space<vmem>> -> memref<1x32768xf32, #tpu.memory_space<vmem>>
    %dma_wait3A_415 = tpu.memref_squeeze %dma_wait3A_414 : memref<1x32768xf32, #tpu.memory_space<vmem>> -> memref<32768xf32, #tpu.memory_space<vmem>>
    %dma_wait3A_416 = arith.constant 0 : i32
    %dma_wait3A_417 = tpu.memref_slice %arg5[%dma_wait3A_412, %add3A_151, %dma_wait3A_416] : memref<4x128x32768xf32, #tpu.memory_space<hbm>> -> memref<1x1x32768xf32, #tpu.memory_space<hbm>>
    %dma_wait3A_418 = tpu.memref_squeeze %dma_wait3A_417 : memref<1x1x32768xf32, #tpu.memory_space<hbm>> -> memref<32768xf32, #tpu.memory_space<hbm>>
    %dma_wait3A_419 = arith.constant 0 : i32
    %dma_wait3A_420 = tpu.memref_slice %arg5[%dma_wait3A_412, %add3A_151, %dma_wait3A_419] : memref<4x128x32768xf32, #tpu.memory_space<hbm>> -> memref<1x1x32768xf32, #tpu.memory_space<hbm>>
    %dma_wait3A_421 = tpu.memref_squeeze %dma_wait3A_420 : memref<1x1x32768xf32, #tpu.memory_space<hbm>> -> memref<32768xf32, #tpu.memory_space<hbm>>
    %dma_wait3A_422 = arith.constant 0 : i32
    %dma_wait3A_423 = tpu.memref_slice %arg7[%dma_wait3A_411, %dma_wait3A_422] : memref<2x32768xf32, #tpu.memory_space<vmem>> -> memref<1x32768xf32, #tpu.memory_space<vmem>>
    %dma_wait3A_424 = tpu.memref_squeeze %dma_wait3A_423 : memref<1x32768xf32, #tpu.memory_space<vmem>> -> memref<32768xf32, #tpu.memory_space<vmem>>
    tpu.wait_dma2 semaphore(%arg10 : memref<!tpu.dma_semaphore, #tpu.memory_space<semaphore_mem>>) src(%dma_wait3A_424 : memref<32768xf32, #tpu.memory_space<vmem>>) dst(%dma_wait3A_421 : memref<32768xf32, #tpu.memory_space<hbm>>)
    %dma_wait3A_425 = arith.constant 0 : i32
    %dma_wait3A_426 = arith.constant 1 : i32
    %dma_wait3A_427 = arith.constant 0 : i32
    %dma_wait3A_428 = tpu.memref_slice %arg7[%dma_wait3A_425, %dma_wait3A_427] : memref<2x32768xf32, #tpu.memory_space<vmem>> -> memref<1x32768xf32, #tpu.memory_space<vmem>>
    %dma_wait3A_429 = tpu.memref_squeeze %dma_wait3A_428 : memref<1x32768xf32, #tpu.memory_space<vmem>> -> memref<32768xf32, #tpu.memory_space<vmem>>
    %dma_wait3A_430 = arith.constant 0 : i32
    %dma_wait3A_431 = tpu.memref_slice %arg5[%dma_wait3A_426, %add3A_151, %dma_wait3A_430] : memref<4x128x32768xf32, #tpu.memory_space<hbm>> -> memref<1x1x32768xf32, #tpu.memory_space<hbm>>
    %dma_wait3A_432 = tpu.memref_squeeze %dma_wait3A_431 : memref<1x1x32768xf32, #tpu.memory_space<hbm>> -> memref<32768xf32, #tpu.memory_space<hbm>>
    %dma_wait3A_433 = arith.constant 0 : i32
    %dma_wait3A_434 = tpu.memref_slice %arg5[%dma_wait3A_426, %add3A_151, %dma_wait3A_433] : memref<4x128x32768xf32, #tpu.memory_space<hbm>> -> memref<1x1x32768xf32, #tpu.memory_space<hbm>>
    %dma_wait3A_435 = tpu.memref_squeeze %dma_wait3A_434 : memref<1x1x32768xf32, #tpu.memory_space<hbm>> -> memref<32768xf32, #tpu.memory_space<hbm>>
    %dma_wait3A_436 = arith.constant 0 : i32
    %dma_wait3A_437 = tpu.memref_slice %arg7[%dma_wait3A_425, %dma_wait3A_436] : memref<2x32768xf32, #tpu.memory_space<vmem>> -> memref<1x32768xf32, #tpu.memory_space<vmem>>
    %dma_wait3A_438 = tpu.memref_squeeze %dma_wait3A_437 : memref<1x32768xf32, #tpu.memory_space<vmem>> -> memref<32768xf32, #tpu.memory_space<vmem>>
    tpu.wait_dma2 semaphore(%arg10 : memref<!tpu.dma_semaphore, #tpu.memory_space<semaphore_mem>>) src(%dma_wait3A_438 : memref<32768xf32, #tpu.memory_space<vmem>>) dst(%dma_wait3A_435 : memref<32768xf32, #tpu.memory_space<hbm>>)
    %dma_wait3A_439 = arith.constant 0 : i32
    %dma_wait3A_440 = arith.constant 2 : i32
    %dma_wait3A_441 = arith.constant 0 : i32
    %dma_wait3A_442 = tpu.memref_slice %arg7[%dma_wait3A_439, %dma_wait3A_441] : memref<2x32768xf32, #tpu.memory_space<vmem>> -> memref<1x32768xf32, #tpu.memory_space<vmem>>
    %dma_wait3A_443 = tpu.memref_squeeze %dma_wait3A_442 : memref<1x32768xf32, #tpu.memory_space<vmem>> -> memref<32768xf32, #tpu.memory_space<vmem>>
    %dma_wait3A_444 = arith.constant 0 : i32
    %dma_wait3A_445 = tpu.memref_slice %arg5[%dma_wait3A_440, %add3A_151, %dma_wait3A_444] : memref<4x128x32768xf32, #tpu.memory_space<hbm>> -> memref<1x1x32768xf32, #tpu.memory_space<hbm>>
    %dma_wait3A_446 = tpu.memref_squeeze %dma_wait3A_445 : memref<1x1x32768xf32, #tpu.memory_space<hbm>> -> memref<32768xf32, #tpu.memory_space<hbm>>
    %dma_wait3A_447 = arith.constant 0 : i32
    %dma_wait3A_448 = tpu.memref_slice %arg5[%dma_wait3A_440, %add3A_151, %dma_wait3A_447] : memref<4x128x32768xf32, #tpu.memory_space<hbm>> -> memref<1x1x32768xf32, #tpu.memory_space<hbm>>
    %dma_wait3A_449 = tpu.memref_squeeze %dma_wait3A_448 : memref<1x1x32768xf32, #tpu.memory_space<hbm>> -> memref<32768xf32, #tpu.memory_space<hbm>>
    %dma_wait3A_450 = arith.constant 0 : i32
    %dma_wait3A_451 = tpu.memref_slice %arg7[%dma_wait3A_439, %dma_wait3A_450] : memref<2x32768xf32, #tpu.memory_space<vmem>> -> memref<1x32768xf32, #tpu.memory_space<vmem>>
    %dma_wait3A_452 = tpu.memref_squeeze %dma_wait3A_451 : memref<1x32768xf32, #tpu.memory_space<vmem>> -> memref<32768xf32, #tpu.memory_space<vmem>>
    tpu.wait_dma2 semaphore(%arg10 : memref<!tpu.dma_semaphore, #tpu.memory_space<semaphore_mem>>) src(%dma_wait3A_452 : memref<32768xf32, #tpu.memory_space<vmem>>) dst(%dma_wait3A_449 : memref<32768xf32, #tpu.memory_space<hbm>>)
    %dma_wait3A_453 = arith.constant 0 : i32
    %dma_wait3A_454 = arith.constant 3 : i32
    %dma_wait3A_455 = arith.constant 0 : i32
    %dma_wait3A_456 = tpu.memref_slice %arg7[%dma_wait3A_453, %dma_wait3A_455] : memref<2x32768xf32, #tpu.memory_space<vmem>> -> memref<1x32768xf32, #tpu.memory_space<vmem>>
    %dma_wait3A_457 = tpu.memref_squeeze %dma_wait3A_456 : memref<1x32768xf32, #tpu.memory_space<vmem>> -> memref<32768xf32, #tpu.memory_space<vmem>>
    %dma_wait3A_458 = arith.constant 0 : i32
    %dma_wait3A_459 = tpu.memref_slice %arg5[%dma_wait3A_454, %add3A_151, %dma_wait3A_458] : memref<4x128x32768xf32, #tpu.memory_space<hbm>> -> memref<1x1x32768xf32, #tpu.memory_space<hbm>>
    %dma_wait3A_460 = tpu.memref_squeeze %dma_wait3A_459 : memref<1x1x32768xf32, #tpu.memory_space<hbm>> -> memref<32768xf32, #tpu.memory_space<hbm>>
    %dma_wait3A_461 = arith.constant 0 : i32
    %dma_wait3A_462 = tpu.memref_slice %arg5[%dma_wait3A_454, %add3A_151, %dma_wait3A_461] : memref<4x128x32768xf32, #tpu.memory_space<hbm>> -> memref<1x1x32768xf32, #tpu.memory_space<hbm>>
    %dma_wait3A_463 = tpu.memref_squeeze %dma_wait3A_462 : memref<1x1x32768xf32, #tpu.memory_space<hbm>> -> memref<32768xf32, #tpu.memory_space<hbm>>
    %dma_wait3A_464 = arith.constant 0 : i32
    %dma_wait3A_465 = tpu.memref_slice %arg7[%dma_wait3A_453, %dma_wait3A_464] : memref<2x32768xf32, #tpu.memory_space<vmem>> -> memref<1x32768xf32, #tpu.memory_space<vmem>>
    %dma_wait3A_466 = tpu.memref_squeeze %dma_wait3A_465 : memref<1x32768xf32, #tpu.memory_space<vmem>> -> memref<32768xf32, #tpu.memory_space<vmem>>
    tpu.wait_dma2 semaphore(%arg10 : memref<!tpu.dma_semaphore, #tpu.memory_space<semaphore_mem>>) src(%dma_wait3A_466 : memref<32768xf32, #tpu.memory_space<vmem>>) dst(%dma_wait3A_463 : memref<32768xf32, #tpu.memory_space<hbm>>)
    %dma_wait3A_467 = arith.constant 1 : i32
    %dma_wait3A_468 = arith.constant 0 : i32
    %dma_wait3A_469 = arith.constant 0 : i32
    %dma_wait3A_470 = tpu.memref_slice %arg7[%dma_wait3A_467, %dma_wait3A_469] : memref<2x32768xf32, #tpu.memory_space<vmem>> -> memref<1x32768xf32, #tpu.memory_space<vmem>>
    %dma_wait3A_471 = tpu.memref_squeeze %dma_wait3A_470 : memref<1x32768xf32, #tpu.memory_space<vmem>> -> memref<32768xf32, #tpu.memory_space<vmem>>
    %dma_wait3A_472 = arith.constant 0 : i32
    %dma_wait3A_473 = tpu.memref_slice %arg5[%dma_wait3A_468, %add3A_281, %dma_wait3A_472] : memref<4x128x32768xf32, #tpu.memory_space<hbm>> -> memref<1x1x32768xf32, #tpu.memory_space<hbm>>
    %dma_wait3A_474 = tpu.memref_squeeze %dma_wait3A_473 : memref<1x1x32768xf32, #tpu.memory_space<hbm>> -> memref<32768xf32, #tpu.memory_space<hbm>>
    %dma_wait3A_475 = arith.constant 0 : i32
    %dma_wait3A_476 = tpu.memref_slice %arg5[%dma_wait3A_468, %add3A_281, %dma_wait3A_475] : memref<4x128x32768xf32, #tpu.memory_space<hbm>> -> memref<1x1x32768xf32, #tpu.memory_space<hbm>>
    %dma_wait3A_477 = tpu.memref_squeeze %dma_wait3A_476 : memref<1x1x32768xf32, #tpu.memory_space<hbm>> -> memref<32768xf32, #tpu.memory_space<hbm>>
    %dma_wait3A_478 = arith.constant 0 : i32
    %dma_wait3A_479 = tpu.memref_slice %arg7[%dma_wait3A_467, %dma_wait3A_478] : memref<2x32768xf32, #tpu.memory_space<vmem>> -> memref<1x32768xf32, #tpu.memory_space<vmem>>
    %dma_wait3A_480 = tpu.memref_squeeze %dma_wait3A_479 : memref<1x32768xf32, #tpu.memory_space<vmem>> -> memref<32768xf32, #tpu.memory_space<vmem>>
    tpu.wait_dma2 semaphore(%arg10 : memref<!tpu.dma_semaphore, #tpu.memory_space<semaphore_mem>>) src(%dma_wait3A_480 : memref<32768xf32, #tpu.memory_space<vmem>>) dst(%dma_wait3A_477 : memref<32768xf32, #tpu.memory_space<hbm>>)
    %dma_wait3A_481 = arith.constant 1 : i32
    %dma_wait3A_482 = arith.constant 1 : i32
    %dma_wait3A_483 = arith.constant 0 : i32
    %dma_wait3A_484 = tpu.memref_slice %arg7[%dma_wait3A_481, %dma_wait3A_483] : memref<2x32768xf32, #tpu.memory_space<vmem>> -> memref<1x32768xf32, #tpu.memory_space<vmem>>
    %dma_wait3A_485 = tpu.memref_squeeze %dma_wait3A_484 : memref<1x32768xf32, #tpu.memory_space<vmem>> -> memref<32768xf32, #tpu.memory_space<vmem>>
    %dma_wait3A_486 = arith.constant 0 : i32
    %dma_wait3A_487 = tpu.memref_slice %arg5[%dma_wait3A_482, %add3A_281, %dma_wait3A_486] : memref<4x128x32768xf32, #tpu.memory_space<hbm>> -> memref<1x1x32768xf32, #tpu.memory_space<hbm>>
    %dma_wait3A_488 = tpu.memref_squeeze %dma_wait3A_487 : memref<1x1x32768xf32, #tpu.memory_space<hbm>> -> memref<32768xf32, #tpu.memory_space<hbm>>
    %dma_wait3A_489 = arith.constant 0 : i32
    %dma_wait3A_490 = tpu.memref_slice %arg5[%dma_wait3A_482, %add3A_281, %dma_wait3A_489] : memref<4x128x32768xf32, #tpu.memory_space<hbm>> -> memref<1x1x32768xf32, #tpu.memory_space<hbm>>
    %dma_wait3A_491 = tpu.memref_squeeze %dma_wait3A_490 : memref<1x1x32768xf32, #tpu.memory_space<hbm>> -> memref<32768xf32, #tpu.memory_space<hbm>>
    %dma_wait3A_492 = arith.constant 0 : i32
    %dma_wait3A_493 = tpu.memref_slice %arg7[%dma_wait3A_481, %dma_wait3A_492] : memref<2x32768xf32, #tpu.memory_space<vmem>> -> memref<1x32768xf32, #tpu.memory_space<vmem>>
    %dma_wait3A_494 = tpu.memref_squeeze %dma_wait3A_493 : memref<1x32768xf32, #tpu.memory_space<vmem>> -> memref<32768xf32, #tpu.memory_space<vmem>>
    tpu.wait_dma2 semaphore(%arg10 : memref<!tpu.dma_semaphore, #tpu.memory_space<semaphore_mem>>) src(%dma_wait3A_494 : memref<32768xf32, #tpu.memory_space<vmem>>) dst(%dma_wait3A_491 : memref<32768xf32, #tpu.memory_space<hbm>>)
    %dma_wait3A_495 = arith.constant 1 : i32
    %dma_wait3A_496 = arith.constant 2 : i32
    %dma_wait3A_497 = arith.constant 0 : i32
    %dma_wait3A_498 = tpu.memref_slice %arg7[%dma_wait3A_495, %dma_wait3A_497] : memref<2x32768xf32, #tpu.memory_space<vmem>> -> memref<1x32768xf32, #tpu.memory_space<vmem>>
    %dma_wait3A_499 = tpu.memref_squeeze %dma_wait3A_498 : memref<1x32768xf32, #tpu.memory_space<vmem>> -> memref<32768xf32, #tpu.memory_space<vmem>>
    %dma_wait3A_500 = arith.constant 0 : i32
    %dma_wait3A_501 = tpu.memref_slice %arg5[%dma_wait3A_496, %add3A_281, %dma_wait3A_500] : memref<4x128x32768xf32, #tpu.memory_space<hbm>> -> memref<1x1x32768xf32, #tpu.memory_space<hbm>>
    %dma_wait3A_502 = tpu.memref_squeeze %dma_wait3A_501 : memref<1x1x32768xf32, #tpu.memory_space<hbm>> -> memref<32768xf32, #tpu.memory_space<hbm>>
    %dma_wait3A_503 = arith.constant 0 : i32
    %dma_wait3A_504 = tpu.memref_slice %arg5[%dma_wait3A_496, %add3A_281, %dma_wait3A_503] : memref<4x128x32768xf32, #tpu.memory_space<hbm>> -> memref<1x1x32768xf32, #tpu.memory_space<hbm>>
    %dma_wait3A_505 = tpu.memref_squeeze %dma_wait3A_504 : memref<1x1x32768xf32, #tpu.memory_space<hbm>> -> memref<32768xf32, #tpu.memory_space<hbm>>
    %dma_wait3A_506 = arith.constant 0 : i32
    %dma_wait3A_507 = tpu.memref_slice %arg7[%dma_wait3A_495, %dma_wait3A_506] : memref<2x32768xf32, #tpu.memory_space<vmem>> -> memref<1x32768xf32, #tpu.memory_space<vmem>>
    %dma_wait3A_508 = tpu.memref_squeeze %dma_wait3A_507 : memref<1x32768xf32, #tpu.memory_space<vmem>> -> memref<32768xf32, #tpu.memory_space<vmem>>
    tpu.wait_dma2 semaphore(%arg10 : memref<!tpu.dma_semaphore, #tpu.memory_space<semaphore_mem>>) src(%dma_wait3A_508 : memref<32768xf32, #tpu.memory_space<vmem>>) dst(%dma_wait3A_505 : memref<32768xf32, #tpu.memory_space<hbm>>)
    %dma_wait3A_509 = arith.constant 1 : i32
    %dma_wait3A_510 = arith.constant 3 : i32
    %dma_wait3A_511 = arith.constant 0 : i32
    %dma_wait3A_512 = tpu.memref_slice %arg7[%dma_wait3A_509, %dma_wait3A_511] : memref<2x32768xf32, #tpu.memory_space<vmem>> -> memref<1x32768xf32, #tpu.memory_space<vmem>>
    %dma_wait3A_513 = tpu.memref_squeeze %dma_wait3A_512 : memref<1x32768xf32, #tpu.memory_space<vmem>> -> memref<32768xf32, #tpu.memory_space<vmem>>
    %dma_wait3A_514 = arith.constant 0 : i32
    %dma_wait3A_515 = tpu.memref_slice %arg5[%dma_wait3A_510, %add3A_281, %dma_wait3A_514] : memref<4x128x32768xf32, #tpu.memory_space<hbm>> -> memref<1x1x32768xf32, #tpu.memory_space<hbm>>
    %dma_wait3A_516 = tpu.memref_squeeze %dma_wait3A_515 : memref<1x1x32768xf32, #tpu.memory_space<hbm>> -> memref<32768xf32, #tpu.memory_space<hbm>>
    %dma_wait3A_517 = arith.constant 0 : i32
    %dma_wait3A_518 = tpu.memref_slice %arg5[%dma_wait3A_510, %add3A_281, %dma_wait3A_517] : memref<4x128x32768xf32, #tpu.memory_space<hbm>> -> memref<1x1x32768xf32, #tpu.memory_space<hbm>>
    %dma_wait3A_519 = tpu.memref_squeeze %dma_wait3A_518 : memref<1x1x32768xf32, #tpu.memory_space<hbm>> -> memref<32768xf32, #tpu.memory_space<hbm>>
    %dma_wait3A_520 = arith.constant 0 : i32
    %dma_wait3A_521 = tpu.memref_slice %arg7[%dma_wait3A_509, %dma_wait3A_520] : memref<2x32768xf32, #tpu.memory_space<vmem>> -> memref<1x32768xf32, #tpu.memory_space<vmem>>
    %dma_wait3A_522 = tpu.memref_squeeze %dma_wait3A_521 : memref<1x32768xf32, #tpu.memory_space<vmem>> -> memref<32768xf32, #tpu.memory_space<vmem>>
    tpu.wait_dma2 semaphore(%arg10 : memref<!tpu.dma_semaphore, #tpu.memory_space<semaphore_mem>>) src(%dma_wait3A_522 : memref<32768xf32, #tpu.memory_space<vmem>>) dst(%dma_wait3A_519 : memref<32768xf32, #tpu.memory_space<hbm>>)
    return
  }
}

module attributes {stable_mosaic.version = 14 : i64} {
  func.func @_thresh_body(%arg0: i32, %arg1: memref<32x32768xf32, #tpu.memory_space<vmem>>, %arg2: memref<32x128xi32, #tpu.memory_space<vmem>>, %arg3: memref<32x128xi32, #tpu.memory_space<vmem>>) attributes {dimension_semantics = [#tpu.dimension_semantics<arbitrary>], iteration_bounds = array<i64: 4>, scalar_prefetch = 0 : i64, scratch_operands = 0 : i64, tpu.core_type = #tpu.core_type<tc>, window_params = [{transform_indices = @transform_0, window_bounds = array<i64: 32, 32768>}, {transform_indices = @transform_1, window_bounds = array<i64: 32, 128>}, {transform_indices = @transform_2, window_bounds = array<i64: 32, 128>}]} {
    %get3A = arith.constant 0 : index
    %get3A_0 = arith.constant 0 : index
    %get3A_1 = vector.load %arg1[%get3A, %get3A_0] : memref<32x32768xf32, #tpu.memory_space<vmem>>, vector<32x32768xf32>
    %bitcast_convert_type3A = tpu.bitcast %get3A_1 : vector<32x32768xf32> -> vector<32x32768xi32>
    %ge3A = arith.constant 0 : i32
    %ge3A_2 = vector.broadcast %ge3A : i32 to vector<32x32768xi32>
    %ge3A_3 = arith.cmpi sge, %bitcast_convert_type3A, %ge3A_2 : vector<32x32768xi32>
    %xor3A = arith.constant 2147483647 : i32
    %xor3A_4 = vector.broadcast %xor3A : i32 to vector<32x32768xi32>
    %xor3A_5 = arith.xori %bitcast_convert_type3A, %xor3A_4 : vector<32x32768xi32>
    %select_n3A = arith.select %ge3A_3, %bitcast_convert_type3A, %xor3A_5 : vector<32x32768xi1>, vector<32x32768xi32>
    %reshape3A = vector.shape_cast %select_n3A : vector<32x32768xi32> to vector<32x64x512xi32>
    %reduce_max3A = arith.constant dense<-2147483648> : vector<32x64xi32>
    %reduce_max3A_6 = vector.multi_reduction <maxsi>, %reshape3A, %reduce_max3A [2] : vector<32x64x512xi32> to vector<32x64xi32>
    %reduce_min3A = arith.constant dense<2147483647> : vector<32xi32>
    %reduce_min3A_7 = vector.multi_reduction <minsi>, %reduce_max3A_6, %reduce_min3A [1] : vector<32x64xi32> to vector<32xi32>
    %broadcast_in_dim3A = vector.shape_cast %reduce_min3A_7 : vector<32xi32> to vector<32x1xi32>
    %reduce_max3A_8 = arith.constant dense<-2147483648> : vector<32xi32>
    %reduce_max3A_9 = vector.multi_reduction <maxsi>, %reduce_max3A_6, %reduce_max3A_8 [1] : vector<32x64xi32> to vector<32xi32>
    %broadcast_in_dim3A_10 = vector.shape_cast %reduce_max3A_9 : vector<32xi32> to vector<32x1xi32>
    %while3A:2 = scf.while (%while3A_38 = %broadcast_in_dim3A, %while3A_39 = %broadcast_in_dim3A_10) : (vector<32x1xi32>, vector<32x1xi32>) -> (vector<32x1xi32>, vector<32x1xi32>) {
      %lt3A = arith.cmpi slt, %while3A_38, %while3A_39 : vector<32x1xi32>
      %reduce_or3A = arith.constant 1.000000e+00 : f32
      %reduce_or3A_40 = arith.constant 0.000000e+00 : f32
      %reduce_or3A_41 = vector.broadcast %reduce_or3A : f32 to vector<32x1xf32>
      %reduce_or3A_42 = vector.broadcast %reduce_or3A_40 : f32 to vector<32x1xf32>
      %reduce_or3A_43 = arith.select %lt3A, %reduce_or3A_41, %reduce_or3A_42 : vector<32x1xi1>, vector<32x1xf32>
      %reduce_or3A_44 = vector.shape_cast %reduce_or3A_43 : vector<32x1xf32> to vector<1x32x1xf32>
      %reduce_or3A_45 = arith.constant dense<0xFF800000> : vector<1xf32>
      %reduce_or3A_46 = vector.multi_reduction <maximumf>, %reduce_or3A_44, %reduce_or3A_45 [1, 2] : vector<1x32x1xf32> to vector<1xf32>
      %reduce_or3A_47 = vector.shape_cast %reduce_or3A_46 : vector<1xf32> to vector<1x1x1xf32>
      %reduce_or3A_48 = vector.extract %reduce_or3A_47[0, 0, 0] : f32 from vector<1x1x1xf32>
      %reduce_or3A_49 = arith.constant 0.000000e+00 : f32
      %reduce_or3A_50 = arith.cmpf ogt, %reduce_or3A_48, %reduce_or3A_49 : f32
      scf.condition(%reduce_or3A_50) %while3A_38, %while3A_39 : vector<32x1xi32>, vector<32x1xi32>
    } do {
    ^bb0(%while3A_38: vector<32x1xi32>, %while3A_39: vector<32x1xi32>):
      %shift_right_arithmetic3A = arith.constant 1 : i32
      %shift_right_arithmetic3A_40 = vector.broadcast %shift_right_arithmetic3A : i32 to vector<32x1xi32>
      %shift_right_arithmetic3A_41 = arith.shrsi %while3A_38, %shift_right_arithmetic3A_40 : vector<32x1xi32>
      %shift_right_arithmetic3A_42 = arith.constant 1 : i32
      %shift_right_arithmetic3A_43 = vector.broadcast %shift_right_arithmetic3A_42 : i32 to vector<32x1xi32>
      %shift_right_arithmetic3A_44 = arith.shrsi %while3A_39, %shift_right_arithmetic3A_43 : vector<32x1xi32>
      %add3A = arith.addi %shift_right_arithmetic3A_41, %shift_right_arithmetic3A_44 : vector<32x1xi32>
      %and3A = arith.andi %while3A_38, %while3A_39 : vector<32x1xi32>
      %and3A_45 = arith.constant 1 : i32
      %and3A_46 = vector.broadcast %and3A_45 : i32 to vector<32x1xi32>
      %and3A_47 = arith.andi %and3A, %and3A_46 : vector<32x1xi32>
      %add3A_48 = arith.addi %add3A, %and3A_47 : vector<32x1xi32>
      %gt3A_49 = vector.broadcast %add3A_48 : vector<32x1xi32> to vector<32x32768xi32>
      %gt3A_50 = arith.cmpi sgt, %select_n3A, %gt3A_49 : vector<32x32768xi32>
      %convert_element_type3A_51 = arith.extui %gt3A_50 : vector<32x32768xi1> to vector<32x32768xi32>
      %reduce_sum3A_52 = arith.constant dense<0> : vector<32xi32>
      %reduce_sum3A_53 = vector.multi_reduction <add>, %convert_element_type3A_51, %reduce_sum3A_52 [1] : vector<32x32768xi32> to vector<32xi32>
      %broadcast_in_dim3A_54 = vector.shape_cast %reduce_sum3A_53 : vector<32xi32> to vector<32x1xi32>
      %ge3A_55 = arith.constant 64 : i32
      %ge3A_56 = vector.broadcast %ge3A_55 : i32 to vector<32x1xi32>
      %ge3A_57 = arith.cmpi sge, %broadcast_in_dim3A_54, %ge3A_56 : vector<32x1xi32>
      %add3A_58 = arith.constant 1 : i32
      %add3A_59 = vector.broadcast %add3A_58 : i32 to vector<32x1xi32>
      %add3A_60 = arith.addi %add3A_48, %add3A_59 : vector<32x1xi32>
      %select_n3A_61 = arith.select %ge3A_57, %add3A_60, %while3A_38 : vector<32x1xi1>, vector<32x1xi32>
      %select_n3A_62 = arith.select %ge3A_57, %while3A_39, %add3A_48 : vector<32x1xi1>, vector<32x1xi32>
      scf.yield %select_n3A_61, %select_n3A_62 : vector<32x1xi32>, vector<32x1xi32>
    }
    %gt3A = vector.broadcast %while3A#0 : vector<32x1xi32> to vector<32x32768xi32>
    %gt3A_11 = arith.cmpi sgt, %select_n3A, %gt3A : vector<32x32768xi32>
    %eq3A = vector.broadcast %while3A#0 : vector<32x1xi32> to vector<32x32768xi32>
    %eq3A_12 = arith.cmpi eq, %select_n3A, %eq3A : vector<32x32768xi32>
    %convert_element_type3A = arith.extui %gt3A_11 : vector<32x32768xi1> to vector<32x32768xi32>
    %reduce_sum3A = arith.constant dense<0> : vector<32xi32>
    %reduce_sum3A_13 = vector.multi_reduction <add>, %convert_element_type3A, %reduce_sum3A [1] : vector<32x32768xi32> to vector<32xi32>
    %broadcast_in_dim3A_14 = vector.shape_cast %reduce_sum3A_13 : vector<32xi32> to vector<32x1xi32>
    %convert_element_type3A_15 = arith.extui %eq3A_12 : vector<32x32768xi1> to vector<32x32768xi32>
    %reduce_sum3A_16 = arith.constant dense<0> : vector<32xi32>
    %reduce_sum3A_17 = vector.multi_reduction <add>, %convert_element_type3A_15, %reduce_sum3A_16 [1] : vector<32x32768xi32> to vector<32xi32>
    %broadcast_in_dim3A_18 = vector.shape_cast %reduce_sum3A_17 : vector<32xi32> to vector<32x1xi32>
    %sub3A = arith.constant 64 : i32
    %sub3A_19 = vector.broadcast %sub3A : i32 to vector<32x1xi32>
    %sub3A_20 = arith.subi %sub3A_19, %broadcast_in_dim3A_14 : vector<32x1xi32>
    %iota3A = tpu.iota {dimensions = array<i32: 1>} : vector<32x32768xi32>
    %gt3A_21 = arith.cmpi sgt, %broadcast_in_dim3A_18, %sub3A_20 : vector<32x1xi32>
    %jit3A = arith.constant 0 : i32
    %jit3A_22 = arith.constant 32767 : i32
    %broadcast_in_dim3A_23 = vector.broadcast %jit3A : i32 to vector<32x1xi32>
    %broadcast_in_dim3A_24 = vector.broadcast %jit3A_22 : i32 to vector<32x1xi32>
    %select_n3A_25 = arith.select %gt3A_21, %broadcast_in_dim3A_23, %broadcast_in_dim3A_24 : vector<32x1xi1>, vector<32x1xi32>
    %broadcast_in_dim3A_26 = arith.constant 32767 : i32
    %broadcast_in_dim3A_27 = vector.broadcast %broadcast_in_dim3A_26 : i32 to vector<32x1xi32>
    %while3A_28:2 = scf.while (%while3A_38 = %select_n3A_25, %while3A_39 = %broadcast_in_dim3A_27) : (vector<32x1xi32>, vector<32x1xi32>) -> (vector<32x1xi32>, vector<32x1xi32>) {
      %lt3A = arith.cmpi slt, %while3A_38, %while3A_39 : vector<32x1xi32>
      %reduce_or3A = arith.constant 1.000000e+00 : f32
      %reduce_or3A_40 = arith.constant 0.000000e+00 : f32
      %reduce_or3A_41 = vector.broadcast %reduce_or3A : f32 to vector<32x1xf32>
      %reduce_or3A_42 = vector.broadcast %reduce_or3A_40 : f32 to vector<32x1xf32>
      %reduce_or3A_43 = arith.select %lt3A, %reduce_or3A_41, %reduce_or3A_42 : vector<32x1xi1>, vector<32x1xf32>
      %reduce_or3A_44 = vector.shape_cast %reduce_or3A_43 : vector<32x1xf32> to vector<1x32x1xf32>
      %reduce_or3A_45 = arith.constant dense<0xFF800000> : vector<1xf32>
      %reduce_or3A_46 = vector.multi_reduction <maximumf>, %reduce_or3A_44, %reduce_or3A_45 [1, 2] : vector<1x32x1xf32> to vector<1xf32>
      %reduce_or3A_47 = vector.shape_cast %reduce_or3A_46 : vector<1xf32> to vector<1x1x1xf32>
      %reduce_or3A_48 = vector.extract %reduce_or3A_47[0, 0, 0] : f32 from vector<1x1x1xf32>
      %reduce_or3A_49 = arith.constant 0.000000e+00 : f32
      %reduce_or3A_50 = arith.cmpf ogt, %reduce_or3A_48, %reduce_or3A_49 : f32
      scf.condition(%reduce_or3A_50) %while3A_38, %while3A_39 : vector<32x1xi32>, vector<32x1xi32>
    } do {
    ^bb0(%while3A_38: vector<32x1xi32>, %while3A_39: vector<32x1xi32>):
      %add3A = arith.addi %while3A_38, %while3A_39 : vector<32x1xi32>
      %shift_right_arithmetic3A = arith.constant 1 : i32
      %shift_right_arithmetic3A_40 = vector.broadcast %shift_right_arithmetic3A : i32 to vector<32x1xi32>
      %shift_right_arithmetic3A_41 = arith.shrsi %add3A, %shift_right_arithmetic3A_40 : vector<32x1xi32>
      %le3A = vector.broadcast %shift_right_arithmetic3A_41 : vector<32x1xi32> to vector<32x32768xi32>
      %le3A_42 = arith.cmpi sle, %iota3A, %le3A : vector<32x32768xi32>
      %and3A = arith.andi %eq3A_12, %le3A_42 : vector<32x32768xi1>
      %convert_element_type3A_43 = arith.extui %and3A : vector<32x32768xi1> to vector<32x32768xi32>
      %reduce_sum3A_44 = arith.constant dense<0> : vector<32xi32>
      %reduce_sum3A_45 = vector.multi_reduction <add>, %convert_element_type3A_43, %reduce_sum3A_44 [1] : vector<32x32768xi32> to vector<32xi32>
      %broadcast_in_dim3A_46 = vector.shape_cast %reduce_sum3A_45 : vector<32xi32> to vector<32x1xi32>
      %ge3A_47 = arith.cmpi sge, %broadcast_in_dim3A_46, %sub3A_20 : vector<32x1xi32>
      %add3A_48 = arith.constant 1 : i32
      %add3A_49 = vector.broadcast %add3A_48 : i32 to vector<32x1xi32>
      %add3A_50 = arith.addi %shift_right_arithmetic3A_41, %add3A_49 : vector<32x1xi32>
      %select_n3A_51 = arith.select %ge3A_47, %while3A_38, %add3A_50 : vector<32x1xi1>, vector<32x1xi32>
      %select_n3A_52 = arith.select %ge3A_47, %shift_right_arithmetic3A_41, %while3A_39 : vector<32x1xi1>, vector<32x1xi32>
      scf.yield %select_n3A_51, %select_n3A_52 : vector<32x1xi32>, vector<32x1xi32>
    }
    %broadcast_in_dim3A_29 = vector.shape_cast %while3A#0 : vector<32x1xi32> to vector<32x1xi32>
    %broadcast_in_dim3A_30 = vector.broadcast %broadcast_in_dim3A_29 : vector<32x1xi32> to vector<32x128xi32>
    %swap3A = arith.constant 0 : index
    %swap3A_31 = arith.constant 0 : index
    %swap3A_32 = vector.load %arg2[%swap3A, %swap3A_31] : memref<32x128xi32, #tpu.memory_space<vmem>>, vector<32x128xi32>
    tpu.vector_store %arg2[%swap3A, %swap3A_31], %broadcast_in_dim3A_30 {strides = array<i32>} : memref<32x128xi32, #tpu.memory_space<vmem>>, vector<32x128xi32>,
    %broadcast_in_dim3A_33 = vector.shape_cast %while3A_28#0 : vector<32x1xi32> to vector<32x1xi32>
    %broadcast_in_dim3A_34 = vector.broadcast %broadcast_in_dim3A_33 : vector<32x1xi32> to vector<32x128xi32>
    %swap3A_35 = arith.constant 0 : index
    %swap3A_36 = arith.constant 0 : index
    %swap3A_37 = vector.load %arg3[%swap3A_35, %swap3A_36] : memref<32x128xi32, #tpu.memory_space<vmem>>, vector<32x128xi32>
    tpu.vector_store %arg3[%swap3A_35, %swap3A_36], %broadcast_in_dim3A_34 {strides = array<i32>} : memref<32x128xi32, #tpu.memory_space<vmem>>, vector<32x128xi32>,
    return
  }
  func.func @transform_0(%arg0: i32) -> (i32, i32) {
    %c0_i32 = arith.constant 0 : i32
    %c0_i32_0 = arith.constant 0 : i32
    return %arg0, %c0_i32 : i32, i32
  }
  func.func @transform_1(%arg0: i32) -> (i32, i32) {
    %c0_i32 = arith.constant 0 : i32
    %c0_i32_0 = arith.constant 0 : i32
    return %arg0, %c0_i32 : i32, i32
  }
  func.func @transform_2(%arg0: i32) -> (i32, i32) {
    %c0_i32 = arith.constant 0 : i32
    %c0_i32_0 = arith.constant 0 : i32
    return %arg0, %c0_i32 : i32, i32
  }
}

</mosaic_0001>

<sc_bundles>
// kernel: kernel.4.cloned.1.call-start
scs
__scs_entry_jumppad:
0x0: {  	(pc) =	sbr.rel $0x88, $3  }
0x1: {  	(tag) =	ssettag $0x0;
	lr =	simm.s32 $0x1  }
0x2: {  	[smem:$0x3FA0] =	sst lr;
	_ =	strace $0xD0000000  }
0x3: {  	_ = 	snop  }
0x4: {  	_ = 	snop  }
0x5: {  	_ = 	snop  }
0x6: {  	_ = 	snop  }
0x7: {  	_ = 	snop  }
__scs_overlays_trampoline_lowered:
0x8: {  	[smem:$0x3FAF] =	sst s0  }
0x9: {  	[smem:$0x3FB0] =	sst s1  }
0xa: {  	[smem:$0x3FB1] =	sst s2  }
0xb: {  	[smem:$0x3FB2] =	sst s3  }
0xc: {  	[smem:$0x3FB3] =	sst s4  }
0xd: {  	[smem:$0x3FB4] =	sst s5  }
0xe: {  	[smem:$0x3FB5] =	sst s6  }
0xf: {  	[smem:$0x3FB6] =	sst s7  }
0x10: {  	[smem:$0x3FB7] =	sst s8  }
0x11: {  	[smem:$0x3FB8] =	sst s9;
	s0 =	simm.s32 @!p0 $0x0  }
0x12: {  	s1 =	sld [smem:$0x3F9E];
	s0 =	simm.s32 @p0 $0x1  }
0x13: {  	[smem:$0x3FB9] =	sst s0;
	s0 =	simm.s32 @!p1 $0x0  }
0x14: {  	s2 =	sld [smem:$0x3F9D];
	s0 =	simm.s32 @p1 $0x1  }
0x15: {  	[smem:$0x3FBA] =	sst s0;
	s0 =	simm.s32 @!p2 $0x0  }
0x16: {  	s3 =	sld [smem:$0x3FDB];
	s0 =	simm.s32 @p2 $0x1  }
0x17: {  	s4 =	simm.s32 $0x1BF5;
	[smem:$0x3FBC] =	sst s0  }
0x18: {  	s0 =	sld [smem:$0x3F9F];
	_ =	swait.ge [sflag:s4], $0x0  }
0x19: {  	s7 =	sld [smem:$0x3FA0]  }
0x1a: {  	s8 =	sadd.s32 $0xFFFFE003, lr  }
0x1b: {  	s9 =	sadd.s32 $0xFFFFFEF7, lr;
	s5 =	simm.s32 $0xFFFFFFFF;
	p2 =	slt.u32 s8, $0xFFFFF086  }
0x1c: {  	p1 =	slt.u32 s9, $0xF7A;
	s5 =	simm.s32 @!p2 $0x0  }
0x1d: {  	s5 =	simm.s32 @p1 $0x1;
	p0 =	seq.s32 s7, s2  }
0x1e: {  	s7 =	smul.u32 @!p0 $0xF7A, s2;
	p2 =	seq.s32 @!p0 s5, $0x0  }
0x1f: {  	s9 =	smul.u32 $0xF7A, s1;
	s8 =	simm.s32 @!p0 $0x1BF5;
	p2 =	por !p2, p0  }
0x20: {  	[sflag:s8] =	ssyncset.s32 @!p0 $0xFFFFF086;
	s6 =	sadd.s32 @!p0 s3, s7;
	s7 =	simm.s32 @!p0 $0x108  }
0x21: {  	s3 =	sadd.s32 s3, s9;
	s6 =	sadd.s32 @!p0 $0x88, s6;
	s7 =	simm.s32 @p2 $0x1082  }
0x22: {  	[simem:s7], [sflag:s8] =	dma.local @!p0 [hbm:s6], $0xF7A  }
0x23: {  	s9 =	sor.u32 $0xD0000000, s2;
	s6 =	simm.s32 $0x108;
	_ =	swait.ge @!p0 [sflag:s8], $0x0  }
0x24: {  	s3 =	sadd.s32 $0x88, s3;
	s6 =	simm.s32 @!p1 $0x1082;
	[sflag:s4] =	ssyncset.s32 $0xFFFFF086  }
0x25: {  	[simem:s6], [sflag:s4] =	dma.local [hbm:s3], $0xF7A  }
0x26: {  	[smem:$0x3FA0] =	sst s1;
	(tag) =	ssettag s2;
	_ =	strace s9  }
0x27: {  	s1 =	sld [smem:$0x3FB0]  }
0x28: {  	s2 =	sld [smem:$0x3FB1]  }
0x29: {  	s4 =	sld [smem:$0x3FB3]  }
0x2a: {  	p0 =	seq.s32 s5, $0x0;
	s5 =	sld [smem:$0x3FB4]  }
0x2b: {  	s6 =	sld [smem:$0x3FB5]  }
0x2c: {  	s7 =	sld [smem:$0x3FB6]  }
0x2d: {  	s3 =	simm.s32 $0x108;
	s8 =	sld [smem:$0x3FB7]  }
0x2e: {  	s3 =	simm.s32 @!p0 $0x1082;
	s9 =	sld [smem:$0x3FB8]  }
0x2f: {  	lr =	sadd.s32 s0, s3;
	s0 =	sld [smem:$0x3FAF]  }
0x30: {  	s3 =	sld [smem:$0x3FB2]  }
0x31: {  	[smem:$0x3FBB] =	sst s10  }
0x32: {  	s10 =	sld [smem:$0x3FB9];
	_ =	sdelay $0x3  }
0x33: {  	p0 =	seq.s32 s10, $0x1;
	s10 =	sld [smem:$0x3FBB];
	_ =	sdelay $0x3  }
0x34: {  	[smem:$0x3FBB] =	sst s10  }
0x35: {  	s10 =	sld [smem:$0x3FBA];
	_ =	sdelay $0x3  }
0x36: {  	p1 =	seq.s32 s10, $0x1;
	s10 =	sld [smem:$0x3FBB];
	_ =	sdelay $0x3  }
0x37: {  	[smem:$0x3FBB] =	sst s10  }
0x38: {  	s10 =	sld [smem:$0x3FBC]  }
0x39: {  	_ = 	snop;
	(pc) =	sbr.ind lr, $3  }
0x3a: {  	_ = 	snop  }
0x3b: {  	_ = 	snop  }
0x3c: {  	p2 =	seq.s32 s10, $0x1;
	s10 =	sld [smem:$0x3FBB]  }
0x3d: {  	_ =	shalt  }
0x3e: {  	_ =	shalt  }
0x3f: {  	_ =	shalt  }
0x40: {  	_ =	shalt  }
0x41: {  	_ =	shalt  }
0x42: {  	_ =	shalt  }
0x43: {  	_ =	shalt  }
0x44: {  	_ =	shalt  }
0x45: {  	_ =	shalt  }
0x46: {  	_ =	shalt  }
0x47: {  	_ =	shalt  }
0x48: {  	_ =	shalt  }
0x49: {  	_ =	shalt  }
0x4a: {  	_ =	shalt  }
0x4b: {  	_ =	shalt  }
0x4c: {  	_ =	shalt  }
0x4d: {  	_ =	shalt  }
0x4e: {  	_ =	shalt  }
0x4f: {  	_ =	shalt  }
0x50: {  	_ =	shalt  }
0x51: {  	_ =	shalt  }
0x52: {  	_ =	shalt  }
0x53: {  	_ =	shalt  }
0x54: {  	_ =	shalt  }
0x55: {  	_ =	shalt  }
0x56: {  	_ =	shalt  }
0x57: {  	_ =	shalt  }
0x58: {  	_ =	shalt  }
0x59: {  	_ =	shalt  }
0x5a: {  	_ =	shalt  }
0x5b: {  	_ =	shalt  }
0x5c: {  	_ =	shalt  }
0x5d: {  	_ =	shalt  }
0x5e: {  	_ =	shalt  }
0x5f: {  	_ =	shalt  }
0x60: {  	_ =	shalt  }
0x61: {  	_ =	shalt  }
0x62: {  	_ =	shalt  }
0x63: {  	_ =	shalt  }
0x64: {  	_ =	shalt  }
0x65: {  	_ =	shalt  }
0x66: {  	_ =	shalt  }
0x67: {  	_ =	shalt  }
0x68: {  	_ =	shalt  }
0x69: {  	_ =	shalt  }
0x6a: {  	_ =	shalt  }
0x6b: {  	_ =	shalt  }
0x6c: {  	_ =	shalt  }
0x6d: {  	_ =	shalt  }
0x6e: {  	_ =	shalt  }
0x6f: {  	_ =	shalt  }
0x70: {  	_ =	shalt  }
0x71: {  	_ =	shalt  }
0x72: {  	_ =	shalt  }
0x73: {  	_ =	shalt  }
0x74: {  	_ =	shalt  }
0x75: {  	_ =	shalt  }
0x76: {  	_ =	shalt  }
0x77: {  	_ =	shalt  }
0x78: {  	_ =	shalt  }
0x79: {  	_ =	shalt  }
0x7a: {  	_ =	shalt  }
0x7b: {  	_ =	shalt  }
0x7c: {  	_ =	shalt  }
0x7d: {  	_ =	shalt  }
0x7e: {  	_ =	shalt  }
0x7f: {  	_ =	shalt  }
0x80: {  	_ =	shalt  }
0x81: {  	_ =	shalt  }
0x82: {  	_ =	shalt  }
0x83: {  	_ =	shalt  }
0x84: {  	_ =	shalt  }
0x85: {  	_ =	shalt  }
0x86: {  	_ =	shalt  }
0x87: {  	_ =	shalt  }
.Lfunc_end0:
.L_simem_size_0:
called_computation.1_lowered:
.L_overlay_start_0:
0x88: {  	s2 =	sld [smem:$0x3FD9]  }
0x89: {  	s3 =	sld [smem:$0x3FFE];
	_ =	sdelay $0x1  }
0x8a: {  	s1 =	srdreg.scid  }
0x8b: {  	s0 =	sand.u32 $0x1, s1  }
0x8c: {  	s17 =	sshll.u32 s0, $0xA;
	s2 =	sadd.s32 s3, s2  }
0x8d: {  	s2 =	sadd.s32 s2, s17  }
0x8e: {  	[smem:$0x3FC7] =	sst s2  }
0x8f: {  	_ = 	snop  }
0x90: {  	s2 =	sld [smem:$0x3FD0];
	(tm) =	ssettm $0x1  }
0x91: {  	s18 =	sld [smem:$0x3FFB];
	_ =	sdelay $0x3  }
0x92: {  	_ =	strace s18  }
0x93: {  	s3 =	sld [smem:$0x3FFC];
	_ =	sdelay $0x3  }
0x94: {  	_ =	strace s3  }
0x95: {  	s3 =	sld [smem:$0x3FFD];
	_ =	sdelay $0x3  }
0x96: {  	_ =	strace s3  }
0x97: {  	_ =	strace $0x8FFFFFFF  }
0x98: {  	s19 =	sld [smem:$0x3FDB];
	_ =	sdelay $0x1  }
0x99: {  	s4 =	simm.s32 $_scs_section_size  }
0x9a: {  	s5 =	simm.s32 $_size__tile_overlayer_lowered;
	s6 =	simm.s32 $_tile_overlayer_lowered  }
0x9b: {  	s22 =	simm.s32 $0x1BFF;
	s21 =	sshll.u32 s6, $0x1;
	s3 =	sadd.s32 s4, s19  }
0x9c: {  	s7 =	simm.s32 $0x0;
	s20 =	sshll.u32 s5, $0x1;
	s5 =	sadd.s32 s21, s3  }
0x9d: {  	[timem:s7], [sflag:s22] =	dma.local [hbm:s5], s20  }
0x9e: {  	_ =	swait.ge [sflag:s22], s20  }
0x9f: {  	s4 =	ssub.s32 $0x0, s20;
	[sflag:s22] =	ssyncset.done $0x0  }
0xa0: {  	[sflag:s22] =	ssyncadd.s32 s4;
	_ =	sdelay $0x1  }
0xa1: {  	s23 =	simm.s32 $0x1B8B  }
0xa2: {  	_ =	swait.ge [sflag:s23], $0x1  }
0xa3: {  	[sflag:s23] =	ssyncset.done $0x0  }
0xa4: {  	s25 =	simm.s32 $0x1B8E;
	s24 =	sld [smem:$0x3FFE];
	[sflag:s23] =	ssyncadd.s32 $0xFFFFFFFF  }
0xa5: {  	s26 =	simm.s32 $execute0_lowered;
	[smem:$0x3FD2] =	sst s25  }
0xa6: {  	s5 =	sshll.u32 s26, $0x1;
	_ =	strace $0x80000046;
	[dreg:$0x1] =	wrdreg $0xFFFFFFFF  }
0xa7: {  	s28 =	simm.s32 $_size_execute0_lowered;
	s3 =	sadd.s32 s3, s5;
	[dreg:$0x0] =	wrdreg $0x0  }
0xa8: {  	s5 =	sshll.u32 s28, $0x1;
	[dreg:$0x2] =	wrdreg s3  }
0xa9: {  	[dreg:$0x3] =	wrdreg s5  }
0xaa: {  	[dreg:$0x4] =	wrdreg $0xC0  }
0xab: {  	_ =	task [dreg:s7], $0x5FFFF  }
0xac: {  	[dreg:$0x1] =	wrdreg $0xFFFFFFFF  }
0xad: {  	[dreg:$0x0] =	wrdreg $0x60  }
0xae: {  	[dreg:$0x2] =	wrdreg s2  }
0xaf: {  	[dreg:$0x3] =	wrdreg s24  }
0xb0: {  	[dreg:$0x4] =	wrdreg $0x9  }
0xb1: {  	_ =	task.clear_ibuf [dreg:s7], $0x5FFFF;
	_ =	strace $0x90000046  }
0xb2: {  	s29 =	simm.s32 $0x9;
	_ =	strace $0x80000048  }
0xb3: {  	_ =	swait.ge [sflag:s29], $0x1  }
0xb4: {  	[sflag:s29] =	ssyncadd.s32 $0xFFFFFFFF  }
0xb5: {  	_ =	strace $0x90000048  }
0xb6: {  	_ =	sfence  }
0xb7: {  	s30 =	sld [smem:$0x0];
	_ =	sdelay $0x2  }
0xb8: {  	s31 =	sshll.u32 s1, $0xD;
	s1 =	sshrl.u32 s1, $0x2  }
0xb9: {  	s3 =	sand.u32 $0x4000, s31;
	s1 =	sadd.s32 s1, s30  }
0xba: {  	s0 =	sor.u32 s3, s0;
	s1 =	sshll.u32 s1, $0x11  }
0xbb: {  	s0 =	sor.u32 s1, s0  }
0xbc: {  	s0 =	sadd.s32 $0x8F2B, s0  }
0xbd: {  	[sflag:s0] =	ssyncadd.remote.s32 $0x1  }
0xbe: {  	_ =	sfence.sel $0xFFFF  }
0xbf: {  	[dreg:$0x0] =	wrdreg $0xFFFFFFFF;
	(pc) =	sbr.abs _section_cstart, $3  }
0xc0: {  	[dreg:$0x1] =	wrdreg $0xFFFFFFFF  }
0xc1: {  	_ =	task.clear_ibuf [dreg:s7], $0x2FFFF;
	_ =	strace $0x9FFFFFFF  }
0xc2: {  	(tm) =	ssettm $0x7FFFFFFF  }
0xc3: {  	_ =	shalt  }
tec
execute0_lowered:
.L_overlay_start_1:
0x0: {  	(tag) =	ssettag $0x1  }
0x1: {  	s1 =	srdreg.scid;
	s0 =	rddreg [dreg:$0x0]  }
0x2: {  	s7 =	stileid.u32;
	s3 =	rddreg [dreg:$0x1]  }
0x3: {  	s2 =	simm.s32 $0x0;
	s28 =	simm.s32 $0x2;
	s30 =	simm.s32 $0x80  }
0x4: {  	s31 =	simm.s32 $0x400;
	s1 =	sand.u32 $0x1, s1;
	s5 =	sshll.u32 s7, $0xA  }
0x5: {  	[smem:$0x7FF] =	sst s2;
	s14 =	sshll.u32 s7, $0x12;
	s4 =	sshll.u32 s1, $0x9  }
0x6: {  	_ =	strace $0x80000047;
	s1 =	ssub.s32 $0x2, s1;
	s15 =	sor.u32 $0x400000, s14  }
0x7: {  	s16 =	sor.u32 $0x800000, s14;
	s17 =	sor.u32 $0xC00000, s14;
	s5 =	sor.u32 s4, s5  }
0x8: {  	s6 =	sshrl.u32 s1, $0x1;
	s21 =	sor.u32 s4, s14;
	s12 =	sor.u32 $0x80, s4  }
0x9: {  	s18 =	sor.u32 $0x100, s4;
	s4 =	sor.u32 $0x180, s4;
	s5 =	sshrl.u32 s5, $0x3  }
0xa: {  	s1 =	ssub.s32 s1, s6;
	s22 =	sshrl.u32 s21, $0x3;
	s23 =	sor.u32 s14, s12  }
0xb: {  	s11 =	sor.u32 s12, s15;
	s25 =	sor.u32 s12, s16;
	s13 =	sor.u32 s12, s17  }
0xc: {  	s19 =	sor.u32 s14, s18;
	s21 =	sor.u32 s14, s4;
	s5 =	sadd.s32 s5, s3  }
0xd: {  	s3 =	sadd.s32 $0x2000, s3;
	s6 =	sadd.s32 s0, s22;
	s24 =	sshrl.u32 s11, $0x3  }
0xe: {  	s26 =	sshrl.u32 s13, $0x3;
	s29 =	sshrl.u32 s19, $0x3;
	s20 =	sadd.s32 $0x1000, s5  }
0xf: {  	s5 =	sadd.s32 $0x1800, s5;
	[dreg:$0x5] =	wrdreg s6;
	s6 =	sadd.s32 s3, s22  }
0x10: {  	s11 =	sadd.s32 s3, s24;
	s13 =	sadd.s32 s3, s26;
	[dreg:$0x3] =	wrdreg s20  }
0x11: {  	s22 =	sor.u32 s4, s15;
	s14 =	sadd.s32 s0, s29;
	[dreg:$0x4] =	wrdreg s5  }
0x12: {  	s7 =	sadd.s32 $0x80000, s6;
	s5 =	sshrl.u32 s23, $0x3;
	s8 =	sadd.s32 $0x100000, s6  }
0x13: {  	s20 =	sor.u32 s18, s16;
	s23 =	sor.u32 s4, s16;
	s4 =	sor.u32 s4, s17  }
0x14: {  	s26 =	sshrl.u32 s22, $0x3;
	s9 =	sadd.s32 s0, s5;
	s10 =	sadd.s32 s3, s5  }
0x15: {  	s5 =	sshrl.u32 s25, $0x3;
	s20 =	sshrl.u32 s20, $0x3;
	s25 =	sshrl.u32 s21, $0x3  }
0x16: {  	s4 =	sshrl.u32 s4, $0x3;
	s21 =	sadd.s32 s3, s26;
	[dreg:$0x6] =	wrdreg s9  }
0x17: {  	s12 =	sadd.s32 s3, s5;
	s9 =	sor.u32 s18, s15;
	s18 =	sor.u32 s18, s17  }
0x18: {  	s15 =	sadd.s32 s3, s29;
	s17 =	sadd.s32 s3, s20;
	s20 =	sadd.s32 s3, s25  }
0x19: {  	s29 =	sshrl.u32 s23, $0x3;
	s23 =	sadd.s32 s3, s4;
	s19 =	sshrl.u32 s9, $0x3  }
0x1a: {  	s24 =	sshrl.u32 s18, $0x3;
	s22 =	sadd.s32 s3, s29;
	s16 =	sadd.s32 s3, s19  }
0x1b: {  	s18 =	sadd.s32 s3, s24;
	s19 =	sadd.s32 s0, s25;
	s24 =	sadd.s32 $0x180000, s6  }
0x1c: {  	v0 =	vlaneseq.u32;
	v1 =	vimm.f32 $0.0e+00;
	s25 =	smax.u32 s1, $0x1;
	s1 =	simm.s32 $0x1;
	s0 =	simm.s32 $0x0  }
.LBB2_1:
0x1d: {  	s3 =	rddreg [dreg:$0x3];
	s4 =	simm.s32 $0x18000  }
0x1e: {  	[tilespmem:s4], [sflag:$0x2] =	stream.linear.gather [hbm4b:s3+s2], $0x200, $0x38;
	[tilespmem:$0x18400] =	vst v63  }
0x1f: {  	_ =	swait.ge [sflag:s28], $0x200  }
0x20: {  	[sflag:s28] =	ssyncset.done $0x0  }
0x21: {  	s9 =	simm.s32 $0x18200;
	s5 =	rddreg [dreg:$0x4];
	[sflag:s28] =	ssyncadd.s32 $0xFFFFFE00  }
0x22: {  	[tilespmem:s9], [sflag:$0x2] =	stream.linear.gather [hbm4b:s5+s2], $0x200, $0x38;
	[tilespmem:$0x18400] =	vst v63  }
0x23: {  	_ =	swait.ge [sflag:s28], $0x200  }
0x24: {  	[sflag:s28] =	ssyncset.done $0x0  }
0x25: {  	s26 =	rddreg [dreg:$0x5];
	[sflag:s28] =	ssyncadd.s32 $0xFFFFFE00  }
0x26: {  	[tilespmem:s2], [sflag:$0x2] =	stream.strided.gather [hbm4b:s26+s30], $0x8000, s31, s30, $0x38;
	[tilespmem:$0x18400] =	vst v63  }
0x27: {  	_ =	swait.ge [sflag:s28], $0x8000  }
0x28: {  	[sflag:s28] =	ssyncset.done $0x0  }
0x29: {  	s26 =	simm.s32 $0x20;
	[sflag:s28] =	ssyncadd.s32 $0xFFFF8000  }
0x2a: {  	v4 =	vld [tilespmem:s26+$0xFFFFFFE0]  }
0x2b: {  	v2 =	vld [tilespmem:$0x18000]  }
0x2c: {  	v3 =	vld [tilespmem:$0x18200];
	_ =	sdelay $0x2  }
0x2d: {  	v5 =	vxor.u32 $0x7FFFFFFF, v4;
	vm0 =	vlt.s32 v4, $0x0  }
0x2e: {  	v4 =	vsel vm0, v5, v4;
	v5 =	vor.u32 s2, v0  }
0x2f: {  	vm0 =	veq.s32 v4, v2;
	vm1 =	vle.s32 v5, v3  }
0x30: {  	s4 =	sand.u32 $0xFF00, s2;
	vm2 =	vgt.s32 v4, v2;
	vm0 =	vmand vm1, vm0  }
0x31: {  	s3 =	sadd.s32 $0x8000, s4;
	s5 =	sand.u32 $0x40, s2;
	vm0 =	vmor vm2, vm0  }
0x32: {  	s4 =	sor.u32 s5, s3;
	v4 =	vsel vm0, $0x3F800000, v1  }
0x33: {  	[tilespmem:s4+$0x0] =	vst v4  }
0x34: {  	v4 =	vld [tilespmem:s26+$0xFFFFFFF0];
	_ =	sdelay $0x4  }
0x35: {  	s9 =	simm.s32 $0x10;
	v5 =	vxor.u32 $0x7FFFFFFF, v4;
	vm7 =	vlt.s32 v4, $0x0  }
0x36: {  	v4 =	vsel vm7, v5, v4;
	v5 =	vor.u32 s9, v0  }
0x37: {  	vm0 =	veq.s32 v4, v2;
	vm8 =	vle.s32 v5, v3  }
0x38: {  	vm9 =	vgt.s32 v4, v2;
	vm0 =	vmand vm8, vm0  }
0x39: {  	s4 =	sand.u32 $0x50, s9;
	vm0 =	vmor vm9, vm0  }
0x3a: {  	s4 =	sor.u32 s4, s3;
	v4 =	vsel vm0, $0x3F800000, v1  }
0x3b: {  	[tilespmem:s4+$0x0] =	vst v4  }
0x3c: {  	v4 =	vld [tilespmem:s26+$0x0];
	_ =	sdelay $0x4  }
0x3d: {  	s5 =	simm.s32 $0x20;
	v5 =	vxor.u32 $0x7FFFFFFF, v4;
	vm10 =	vlt.s32 v4, $0x0  }
0x3e: {  	v4 =	vsel vm10, v5, v4;
	v5 =	vor.u32 s5, v0  }
0x3f: {  	vm0 =	veq.s32 v4, v2;
	vm11 =	vle.s32 v5, v3  }
0x40: {  	vm12 =	vgt.s32 v4, v2;
	vm0 =	vmand vm11, vm0  }
0x41: {  	s4 =	sand.u32 $0x60, s5;
	vm0 =	vmor vm12, vm0  }
0x42: {  	s4 =	sor.u32 s4, s3;
	v4 =	vsel vm0, $0x3F800000, v1  }
0x43: {  	[tilespmem:s4+$0x0] =	vst v4  }
0x44: {  	v4 =	vld [tilespmem:s26+$0x10];
	_ =	sdelay $0x4  }
0x45: {  	s9 =	simm.s32 $0x30;
	v5 =	vxor.u32 $0x7FFFFFFF, v4;
	vm13 =	vlt.s32 v4, $0x0  }
0x46: {  	v4 =	vsel vm13, v5, v4;
	v5 =	vor.u32 s9, v0  }
0x47: {  	vm0 =	veq.s32 v4, v2;
	vm14 =	vle.s32 v5, v3  }
0x48: {  	vm15 =	vgt.s32 v4, v2;
	vm0 =	vmand vm14, vm0  }
0x49: {  	s4 =	sand.u32 $0x70, s9;
	vm0 =	vmor vm15, vm0  }
0x4a: {  	s29 =	simm.s32 $0x40;
	s4 =	sor.u32 s4, s3;
	s3 =	simm.s32 $0x0;
	v4 =	vsel vm0, $0x3F800000, v1  }
.LBB2_2:
0x4b: {  	p0 =	sne.s32 s29, $0x7FC0;
	[tilespmem:s4+$0x0] =	vst v4;
	s3 =	sadd.s32 $0x80, s3;
	s26 =	sadd.s32 $0x40, s26  }
0x4c: {  	s4 =	smov.u32 s29;
	s29 =	sadd.s32 $0x40, s29;
	v4 =	vld [tilespmem:s26+$0xFFFFFFE0];
	_ =	sdelay $0x4  }
0x4d: {  	v5 =	vxor.u32 $0x7FFFFFFF, v4;
	vm0 =	vlt.s32 v4, $0x0  }
0x4e: {  	v4 =	vsel vm0, v5, v4;
	v5 =	vor.u32 s4, v0  }
0x4f: {  	vm0 =	veq.s32 v4, v2;
	vm1 =	vle.s32 v5, v3  }
0x50: {  	s5 =	sand.u32 $0xFF00, s3;
	vm2 =	vgt.s32 v4, v2;
	vm0 =	vmand vm1, vm0  }
0x51: {  	s9 =	sand.u32 $0x40, s4;
	s5 =	sadd.s32 $0x8000, s5;
	vm0 =	vmor vm2, vm0  }
0x52: {  	s9 =	sor.u32 s9, s5;
	v4 =	vsel vm0, $0x3F800000, v1  }
0x53: {  	[tilespmem:s9+$0x0] =	vst v4  }
0x54: {  	v4 =	vld [tilespmem:s26+$0xFFFFFFF0];
	_ =	sdelay $0x4  }
0x55: {  	s9 =	sadd.s32 $0x10, s4;
	v5 =	vxor.u32 $0x7FFFFFFF, v4;
	vm0 =	vlt.s32 v4, $0x0  }
0x56: {  	v4 =	vsel vm0, v5, v4;
	v5 =	vor.u32 s9, v0  }
0x57: {  	vm0 =	veq.s32 v4, v2;
	vm1 =	vle.s32 v5, v3  }
0x58: {  	vm2 =	vgt.s32 v4, v2;
	vm0 =	vmand vm1, vm0  }
0x59: {  	s9 =	sand.u32 $0x50, s9;
	vm0 =	vmor vm2, vm0  }
0x5a: {  	s9 =	sor.u32 s9, s5;
	v4 =	vsel vm0, $0x3F800000, v1  }
0x5b: {  	[tilespmem:s9+$0x0] =	vst v4  }
0x5c: {  	v4 =	vld [tilespmem:s26+$0x0];
	_ =	sdelay $0x4  }
0x5d: {  	s9 =	sadd.s32 $0x20, s4;
	v5 =	vxor.u32 $0x7FFFFFFF, v4;
	vm0 =	vlt.s32 v4, $0x0  }
0x5e: {  	v4 =	vsel vm0, v5, v4;
	v5 =	vor.u32 s9, v0  }
0x5f: {  	vm0 =	veq.s32 v4, v2;
	vm1 =	vle.s32 v5, v3  }
0x60: {  	vm2 =	vgt.s32 v4, v2;
	vm0 =	vmand vm1, vm0  }
0x61: {  	s9 =	sand.u32 $0x60, s9;
	vm0 =	vmor vm2, vm0  }
0x62: {  	s9 =	sor.u32 s9, s5;
	v4 =	vsel vm0, $0x3F800000, v1  }
0x63: {  	[tilespmem:s9+$0x0] =	vst v4  }
0x64: {  	v4 =	vld [tilespmem:s26+$0x10];
	_ =	sdelay $0x4  }
0x65: {  	s4 =	sadd.s32 $0x30, s4;
	v5 =	vxor.u32 $0x7FFFFFFF, v4;
	vm0 =	vlt.s32 v4, $0x0  }
.Ltmp0:
0x66: {  	v4 =	vsel vm0, v5, v4;
	v5 =	vor.u32 s4, v0;
	(pc) =	sbr.rel @p0 .LBB2_2-.Ltmp0, $4  }
0x67: {  	vm0 =	veq.s32 v4, v2;
	vm1 =	vle.s32 v5, v3  }
0x68: {  	vm2 =	vgt.s32 v4, v2;
	vm0 =	vmand vm1, vm0  }
0x69: {  	s4 =	sand.u32 $0x70, s4;
	vm0 =	vmor vm2, vm0  }
0x6a: {  	s4 =	sor.u32 s4, s5;
	v4 =	vsel vm0, $0x3F800000, v1  }
0x6b: {  	s3 =	simm.s32 $0x8000  }
0x6c: {  	[tilespmem:s4+$0x0] =	vst v4;
	s4 =	simm.s32 $0x80;
	s26 =	sadd.s32 $0x0, s6;
	s5 =	simm.s32 $0x8100  }
.LBB2_4:
0x6d: {  	[hbm4b:s26+s2] =	stream.linear.scatter [tilespmem:s3], [sflag:$0x1], $0x80, $0x38;
	[tilespmem:$0x18400] =	vst v63  }
0x6e: {  	s9 =	smov.u32 s4;
	s3 =	smov.u32 s5;
	p0 =	sne.s32 s4, $0x7F80  }
.Ltmp1:
0x6f: {  	s4 =	sadd.s32 $0x80, s4;
	(pc) =	sbr.rel @p0 .LBB2_4-.Ltmp1, $2  }
0x70: {  	_ =	sdelay $0x2  }
0x71: {  	s5 =	sadd.s32 $0x100, s5;
	s26 =	sadd.s32 s9, s6  }
0x72: {  	[hbm4b:s26+s2] =	stream.linear.scatter [tilespmem:s3], [sflag:$0x1], $0x80, $0x38;
	[tilespmem:$0x18400] =	vst v63  }
0x73: {  	s3 =	simm.s32 $0x8000  }
0x74: {  	s4 =	simm.s32 $0x80;
	s26 =	sadd.s32 $0x0, s7;
	s5 =	simm.s32 $0x8100  }
.LBB2_6:
0x75: {  	[hbm4b:s26+s2] =	stream.linear.scatter [tilespmem:s3], [sflag:$0x1], $0x80, $0x38;
	[tilespmem:$0x18400] =	vst v63  }
0x76: {  	s9 =	smov.u32 s4;
	s3 =	smov.u32 s5;
	p0 =	sne.s32 s4, $0x7F80  }
.Ltmp2:
0x77: {  	s4 =	sadd.s32 $0x80, s4;
	(pc) =	sbr.rel @p0 .LBB2_6-.Ltmp2, $2  }
0x78: {  	_ =	sdelay $0x2  }
0x79: {  	s5 =	sadd.s32 $0x100, s5;
	s26 =	sadd.s32 s9, s7  }
0x7a: {  	[hbm4b:s26+s2] =	stream.linear.scatter [tilespmem:s3], [sflag:$0x1], $0x80, $0x38;
	[tilespmem:$0x18400] =	vst v63  }
0x7b: {  	s3 =	simm.s32 $0x8000  }
0x7c: {  	s4 =	simm.s32 $0x80;
	s26 =	sadd.s32 $0x0, s8;
	s5 =	simm.s32 $0x8100  }
.LBB2_8:
0x7d: {  	[hbm4b:s26+s2] =	stream.linear.scatter [tilespmem:s3], [sflag:$0x1], $0x80, $0x38;
	[tilespmem:$0x18400] =	vst v63  }
0x7e: {  	s9 =	smov.u32 s4;
	s3 =	smov.u32 s5;
	p0 =	sne.s32 s4, $0x7F80  }
.Ltmp3:
0x7f: {  	s4 =	sadd.s32 $0x80, s4;
	(pc) =	sbr.rel @p0 .LBB2_8-.Ltmp3, $2  }
0x80: {  	_ =	sdelay $0x2  }
0x81: {  	s5 =	sadd.s32 $0x100, s5;
	s26 =	sadd.s32 s9, s8  }
0x82: {  	[hbm4b:s26+s2] =	stream.linear.scatter [tilespmem:s3], [sflag:$0x1], $0x80, $0x38;
	[tilespmem:$0x18400] =	vst v63  }
0x83: {  	s3 =	simm.s32 $0x8000  }
0x84: {  	s4 =	simm.s32 $0x80;
	s26 =	sadd.s32 $0x0, s24;
	s5 =	simm.s32 $0x8100  }
.LBB2_10:
0x85: {  	[hbm4b:s26+s2] =	stream.linear.scatter [tilespmem:s3], [sflag:$0x1], $0x80, $0x38;
	[tilespmem:$0x18400] =	vst v63  }
0x86: {  	s9 =	smov.u32 s4;
	s3 =	smov.u32 s5;
	p0 =	sne.s32 s4, $0x7F80  }
.Ltmp4:
0x87: {  	s4 =	sadd.s32 $0x80, s4;
	(pc) =	sbr.rel @p0 .LBB2_10-.Ltmp4, $2  }
0x88: {  	_ =	sdelay $0x2  }
0x89: {  	s5 =	sadd.s32 $0x100, s5;
	s26 =	sadd.s32 s9, s24  }
0x8a: {  	[hbm4b:s26+s2] =	stream.linear.scatter [tilespmem:s3], [sflag:$0x1], $0x80, $0x38;
	[tilespmem:$0x18400] =	vst v63  }
0x8b: {  	s26 =	simm.s32 $0x0;
	s5 =	rddreg [dreg:$0x6]  }
0x8c: {  	[tilespmem:s26], [sflag:$0x2] =	stream.strided.gather [hbm4b:s5+s30], $0x8000, s31, s30, $0x38;
	[tilespmem:$0x18400] =	vst v63  }
0x8d: {  	_ =	swait.ge [sflag:s28], $0x8000  }
0x8e: {  	[sflag:s28] =	ssyncset.done $0x0  }
0x8f: {  	s29 =	simm.s32 $0x20;
	[sflag:s28] =	ssyncadd.s32 $0xFFFF8000  }
0x90: {  	v4 =	vld [tilespmem:s29+$0xFFFFFFE0]  }
0x91: {  	v2 =	vld [tilespmem:$0x18080]  }
0x92: {  	v3 =	vld [tilespmem:$0x18280];
	_ =	sdelay $0x2  }
0x93: {  	v5 =	vxor.u32 $0x7FFFFFFF, v4;
	vm0 =	vlt.s32 v4, $0x0  }
0x94: {  	v4 =	vsel vm0, v5, v4;
	v5 =	vor.u32 s26, v0  }
0x95: {  	vm0 =	veq.s32 v4, v2;
	vm1 =	vle.s32 v5, v3  }
0x96: {  	s9 =	sand.u32 $0xFF00, s26;
	vm2 =	vgt.s32 v4, v2;
	vm0 =	vmand vm1, vm0  }
0x97: {  	s4 =	sand.u32 $0x40, s26;
	s5 =	sadd.s32 $0x8080, s9;
	vm0 =	vmor vm2, vm0  }
0x98: {  	s3 =	sor.u32 s4, s5;
	v4 =	vsel vm0, $0x3F800000, v1  }
0x99: {  	[tilespmem:s3+$0x0] =	vst v4  }
0x9a: {  	v4 =	vld [tilespmem:s29+$0xFFFFFFF0];
	_ =	sdelay $0x4  }
0x9b: {  	s4 =	simm.s32 $0x10;
	v5 =	vxor.u32 $0x7FFFFFFF, v4;
	vm7 =	vlt.s32 v4, $0x0  }
0x9c: {  	v4 =	vsel vm7, v5, v4;
	v5 =	vor.u32 s4, v0  }
0x9d: {  	vm0 =	veq.s32 v4, v2;
	vm8 =	vle.s32 v5, v3  }
0x9e: {  	vm9 =	vgt.s32 v4, v2;
	vm0 =	vmand vm8, vm0  }
0x9f: {  	s3 =	sand.u32 $0x50, s4;
	vm0 =	vmor vm9, vm0  }
0xa0: {  	s3 =	sor.u32 s3, s5;
	v4 =	vsel vm0, $0x3F800000, v1  }
0xa1: {  	[tilespmem:s3+$0x0] =	vst v4  }
0xa2: {  	v4 =	vld [tilespmem:s29+$0x0];
	_ =	sdelay $0x4  }
0xa3: {  	s9 =	simm.s32 $0x20;
	v5 =	vxor.u32 $0x7FFFFFFF, v4;
	vm10 =	vlt.s32 v4, $0x0  }
0xa4: {  	v4 =	vsel vm10, v5, v4;
	v5 =	vor.u32 s9, v0  }
0xa5: {  	vm0 =	veq.s32 v4, v2;
	vm11 =	vle.s32 v5, v3  }
0xa6: {  	vm12 =	vgt.s32 v4, v2;
	vm0 =	vmand vm11, vm0  }
0xa7: {  	s3 =	sand.u32 $0x60, s9;
	vm0 =	vmor vm12, vm0  }
0xa8: {  	s3 =	sor.u32 s3, s5;
	v4 =	vsel vm0, $0x3F800000, v1  }
0xa9: {  	[tilespmem:s3+$0x0] =	vst v4  }
0xaa: {  	v4 =	vld [tilespmem:s29+$0x10];
	_ =	sdelay $0x4  }
0xab: {  	s4 =	simm.s32 $0x30;
	v5 =	vxor.u32 $0x7FFFFFFF, v4;
	vm13 =	vlt.s32 v4, $0x0  }
0xac: {  	v4 =	vsel vm13, v5, v4;
	v5 =	vor.u32 s4, v0  }
0xad: {  	vm0 =	veq.s32 v4, v2;
	vm14 =	vle.s32 v5, v3  }
0xae: {  	vm15 =	vgt.s32 v4, v2;
	vm0 =	vmand vm14, vm0  }
0xaf: {  	s9 =	sand.u32 $0x70, s4;
	vm0 =	vmor vm15, vm0  }
0xb0: {  	s3 =	simm.s32 $0x40;
	s4 =	sor.u32 s9, s5;
	v4 =	vsel vm0, $0x3F800000, v1  }
.LBB2_12:
0xb1: {  	p0 =	sne.s32 s3, $0x7FC0;
	[tilespmem:s4+$0x0] =	vst v4;
	s26 =	sadd.s32 $0x80, s26;
	s29 =	sadd.s32 $0x40, s29  }
0xb2: {  	s4 =	smov.u32 s3;
	s3 =	sadd.s32 $0x40, s3;
	v4 =	vld [tilespmem:s29+$0xFFFFFFE0];
	_ =	sdelay $0x4  }
0xb3: {  	v5 =	vxor.u32 $0x7FFFFFFF, v4;
	vm0 =	vlt.s32 v4, $0x0  }
0xb4: {  	v4 =	vsel vm0, v5, v4;
	v5 =	vor.u32 s4, v0  }
0xb5: {  	vm0 =	veq.s32 v4, v2;
	vm1 =	vle.s32 v5, v3  }
0xb6: {  	s5 =	sand.u32 $0xFF00, s26;
	vm2 =	vgt.s32 v4, v2;
	vm0 =	vmand vm1, vm0  }
0xb7: {  	s9 =	sand.u32 $0x40, s4;
	s5 =	sadd.s32 $0x8080, s5;
	vm0 =	vmor vm2, vm0  }
0xb8: {  	s9 =	sor.u32 s9, s5;
	v4 =	vsel vm0, $0x3F800000, v1  }
0xb9: {  	[tilespmem:s9+$0x0] =	vst v4  }
0xba: {  	v4 =	vld [tilespmem:s29+$0xFFFFFFF0];
	_ =	sdelay $0x4  }
0xbb: {  	s9 =	sadd.s32 $0x10, s4;
	v5 =	vxor.u32 $0x7FFFFFFF, v4;
	vm0 =	vlt.s32 v4, $0x0  }
0xbc: {  	v4 =	vsel vm0, v5, v4;
	v5 =	vor.u32 s9, v0  }
0xbd: {  	vm0 =	veq.s32 v4, v2;
	vm1 =	vle.s32 v5, v3  }
0xbe: {  	vm2 =	vgt.s32 v4, v2;
	vm0 =	vmand vm1, vm0  }
0xbf: {  	s9 =	sand.u32 $0x50, s9;
	vm0 =	vmor vm2, vm0  }
0xc0: {  	s9 =	sor.u32 s9, s5;
	v4 =	vsel vm0, $0x3F800000, v1  }
0xc1: {  	[tilespmem:s9+$0x0] =	vst v4  }
0xc2: {  	v4 =	vld [tilespmem:s29+$0x0];
	_ =	sdelay $0x4  }
0xc3: {  	s9 =	sadd.s32 $0x20, s4;
	v5 =	vxor.u32 $0x7FFFFFFF, v4;
	vm0 =	vlt.s32 v4, $0x0  }
0xc4: {  	v4 =	vsel vm0, v5, v4;
	v5 =	vor.u32 s9, v0  }
0xc5: {  	vm0 =	veq.s32 v4, v2;
	vm1 =	vle.s32 v5, v3  }
0xc6: {  	vm2 =	vgt.s32 v4, v2;
	vm0 =	vmand vm1, vm0  }
0xc7: {  	s9 =	sand.u32 $0x60, s9;
	vm0 =	vmor vm2, vm0  }
0xc8: {  	s9 =	sor.u32 s9, s5;
	v4 =	vsel vm0, $0x3F800000, v1  }
0xc9: {  	[tilespmem:s9+$0x0] =	vst v4  }
0xca: {  	v4 =	vld [tilespmem:s29+$0x10];
	_ =	sdelay $0x4  }
0xcb: {  	s4 =	sadd.s32 $0x30, s4;
	v5 =	vxor.u32 $0x7FFFFFFF, v4;
	vm0 =	vlt.s32 v4, $0x0  }
.Ltmp5:
0xcc: {  	v4 =	vsel vm0, v5, v4;
	v5 =	vor.u32 s4, v0;
	(pc) =	sbr.rel @p0 .LBB2_12-.Ltmp5, $4  }
0xcd: {  	vm0 =	veq.s32 v4, v2;
	vm1 =	vle.s32 v5, v3  }
0xce: {  	vm2 =	vgt.s32 v4, v2;
	vm0 =	vmand vm1, vm0  }
0xcf: {  	s4 =	sand.u32 $0x70, s4;
	vm0 =	vmor vm2, vm0  }
0xd0: {  	s4 =	sor.u32 s4, s5;
	v4 =	vsel vm0, $0x3F800000, v1  }
0xd1: {  	s3 =	simm.s32 $0x8080  }
0xd2: {  	[tilespmem:s4+$0x0] =	vst v4;
	s4 =	simm.s32 $0x80;
	s26 =	sadd.s32 $0x0, s10;
	s5 =	simm.s32 $0x8180  }
.LBB2_14:
0xd3: {  	[hbm4b:s26+s2] =	stream.linear.scatter [tilespmem:s3], [sflag:$0x1], $0x80, $0x38;
	[tilespmem:$0x18400] =	vst v63  }
0xd4: {  	s9 =	smov.u32 s4;
	s3 =	smov.u32 s5;
	p0 =	sne.s32 s4, $0x7F80  }
.Ltmp6:
0xd5: {  	s4 =	sadd.s32 $0x80, s4;
	(pc) =	sbr.rel @p0 .LBB2_14-.Ltmp6, $2  }
0xd6: {  	_ =	sdelay $0x2  }
0xd7: {  	s5 =	sadd.s32 $0x100, s5;
	s26 =	sadd.s32 s9, s10  }
0xd8: {  	[hbm4b:s26+s2] =	stream.linear.scatter [tilespmem:s3], [sflag:$0x1], $0x80, $0x38;
	[tilespmem:$0x18400] =	vst v63  }
0xd9: {  	s3 =	simm.s32 $0x8080  }
0xda: {  	s4 =	simm.s32 $0x80;
	s26 =	sadd.s32 $0x0, s11;
	s5 =	simm.s32 $0x8180  }
.LBB2_16:
0xdb: {  	[hbm4b:s26+s2] =	stream.linear.scatter [tilespmem:s3], [sflag:$0x1], $0x80, $0x38;
	[tilespmem:$0x18400] =	vst v63  }
0xdc: {  	s9 =	smov.u32 s4;
	s3 =	smov.u32 s5;
	p0 =	sne.s32 s4, $0x7F80  }
.Ltmp7:
0xdd: {  	s4 =	sadd.s32 $0x80, s4;
	(pc) =	sbr.rel @p0 .LBB2_16-.Ltmp7, $2  }
0xde: {  	_ =	sdelay $0x2  }
0xdf: {  	s5 =	sadd.s32 $0x100, s5;
	s26 =	sadd.s32 s9, s11  }
0xe0: {  	[hbm4b:s26+s2] =	stream.linear.scatter [tilespmem:s3], [sflag:$0x1], $0x80, $0x38;
	[tilespmem:$0x18400] =	vst v63  }
0xe1: {  	s3 =	simm.s32 $0x8080  }
0xe2: {  	s4 =	simm.s32 $0x80;
	s26 =	sadd.s32 $0x0, s12;
	s5 =	simm.s32 $0x8180  }
.LBB2_18:
0xe3: {  	[hbm4b:s26+s2] =	stream.linear.scatter [tilespmem:s3], [sflag:$0x1], $0x80, $0x38;
	[tilespmem:$0x18400] =	vst v63  }
0xe4: {  	s9 =	smov.u32 s4;
	s3 =	smov.u32 s5;
	p0 =	sne.s32 s4, $0x7F80  }
.Ltmp8:
0xe5: {  	s4 =	sadd.s32 $0x80, s4;
	(pc) =	sbr.rel @p0 .LBB2_18-.Ltmp8, $2  }
0xe6: {  	_ =	sdelay $0x2  }
0xe7: {  	s5 =	sadd.s32 $0x100, s5;
	s26 =	sadd.s32 s9, s12  }
0xe8: {  	[hbm4b:s26+s2] =	stream.linear.scatter [tilespmem:s3], [sflag:$0x1], $0x80, $0x38;
	[tilespmem:$0x18400] =	vst v63  }
0xe9: {  	s3 =	simm.s32 $0x8080  }
0xea: {  	s4 =	simm.s32 $0x80;
	s26 =	sadd.s32 $0x0, s13;
	s5 =	simm.s32 $0x8180  }
.LBB2_20:
0xeb: {  	[hbm4b:s26+s2] =	stream.linear.scatter [tilespmem:s3], [sflag:$0x1], $0x80, $0x38;
	[tilespmem:$0x18400] =	vst v63  }
0xec: {  	s9 =	smov.u32 s4;
	s3 =	smov.u32 s5;
	p0 =	sne.s32 s4, $0x7F80  }
.Ltmp9:
0xed: {  	s4 =	sadd.s32 $0x80, s4;
	(pc) =	sbr.rel @p0 .LBB2_20-.Ltmp9, $2  }
0xee: {  	_ =	sdelay $0x2  }
0xef: {  	s5 =	sadd.s32 $0x100, s5;
	s26 =	sadd.s32 s9, s13  }
0xf0: {  	[hbm4b:s26+s2] =	stream.linear.scatter [tilespmem:s3], [sflag:$0x1], $0x80, $0x38;
	[tilespmem:$0x18400] =	vst v63  }
0xf1: {  	s26 =	simm.s32 $0x0  }
0xf2: {  	[tilespmem:s26], [sflag:$0x2] =	stream.strided.gather [hbm4b:s14+s30], $0x8000, s31, s30, $0x38;
	[tilespmem:$0x18400] =	vst v63  }
0xf3: {  	_ =	swait.ge [sflag:s28], $0x8000  }
0xf4: {  	[sflag:s28] =	ssyncset.done $0x0  }
0xf5: {  	[sflag:s28] =	ssyncadd.s32 $0xFFFF8000  }
0xf6: {  	v2 =	vld [tilespmem:$0x18100]  }
0xf7: {  	v3 =	vld [tilespmem:$0x18300];
	_ =	swait.ge [sflag:s1], $0x8000  }
0xf8: {  	[sflag:s1] =	ssyncset.done $0x0  }
0xf9: {  	[sflag:s1] =	ssyncadd.s32 $0xFFFF8000  }
0xfa: {  	_ =	swait.ge [sflag:s1], $0x8000  }
0xfb: {  	[sflag:s1] =	ssyncset.done $0x0  }
0xfc: {  	[sflag:s1] =	ssyncadd.s32 $0xFFFF8000  }
0xfd: {  	_ =	swait.ge [sflag:s1], $0x8000  }
0xfe: {  	[sflag:s1] =	ssyncset.done $0x0  }
0xff: {  	[sflag:s1] =	ssyncadd.s32 $0xFFFF8000  }
0x100: {  	_ =	swait.ge [sflag:s1], $0x8000  }
0x101: {  	[sflag:s1] =	ssyncset.done $0x0  }
0x102: {  	s29 =	simm.s32 $0x20;
	[sflag:s1] =	ssyncadd.s32 $0xFFFF8000  }
0x103: {  	v4 =	vld [tilespmem:s29+$0xFFFFFFE0];
	_ =	sdelay $0x4  }
0x104: {  	v5 =	vxor.u32 $0x7FFFFFFF, v4;
	vm0 =	vlt.s32 v4, $0x0  }
0x105: {  	v4 =	vsel vm0, v5, v4;
	v5 =	vor.u32 s26, v0  }
0x106: {  	vm0 =	veq.s32 v4, v2;
	vm1 =	vle.s32 v5, v3  }
0x107: {  	s9 =	sand.u32 $0xFF00, s26;
	vm2 =	vgt.s32 v4, v2;
	vm0 =	vmand vm1, vm0  }
0x108: {  	s4 =	sand.u32 $0x40, s26;
	s5 =	sadd.s32 $0x8000, s9;
	vm0 =	vmor vm2, vm0  }
0x109: {  	s3 =	sor.u32 s4, s5;
	v4 =	vsel vm0, $0x3F800000, v1  }
0x10a: {  	[tilespmem:s3+$0x0] =	vst v4  }
0x10b: {  	v4 =	vld [tilespmem:s29+$0xFFFFFFF0];
	_ =	sdelay $0x4  }
0x10c: {  	s4 =	simm.s32 $0x10;
	v5 =	vxor.u32 $0x7FFFFFFF, v4;
	vm7 =	vlt.s32 v4, $0x0  }
0x10d: {  	v4 =	vsel vm7, v5, v4;
	v5 =	vor.u32 s4, v0  }
0x10e: {  	vm0 =	veq.s32 v4, v2;
	vm8 =	vle.s32 v5, v3  }
0x10f: {  	vm9 =	vgt.s32 v4, v2;
	vm0 =	vmand vm8, vm0  }
0x110: {  	s3 =	sand.u32 $0x50, s4;
	vm0 =	vmor vm9, vm0  }
0x111: {  	s3 =	sor.u32 s3, s5;
	v4 =	vsel vm0, $0x3F800000, v1  }
0x112: {  	[tilespmem:s3+$0x0] =	vst v4  }
0x113: {  	v4 =	vld [tilespmem:s29+$0x0];
	_ =	sdelay $0x4  }
0x114: {  	s9 =	simm.s32 $0x20;
	v5 =	vxor.u32 $0x7FFFFFFF, v4;
	vm10 =	vlt.s32 v4, $0x0  }
0x115: {  	v4 =	vsel vm10, v5, v4;
	v5 =	vor.u32 s9, v0  }
0x116: {  	vm0 =	veq.s32 v4, v2;
	vm11 =	vle.s32 v5, v3  }
0x117: {  	vm12 =	vgt.s32 v4, v2;
	vm0 =	vmand vm11, vm0  }
0x118: {  	s3 =	sand.u32 $0x60, s9;
	vm0 =	vmor vm12, vm0  }
0x119: {  	s3 =	sor.u32 s3, s5;
	v4 =	vsel vm0, $0x3F800000, v1  }
0x11a: {  	[tilespmem:s3+$0x0] =	vst v4  }
0x11b: {  	v4 =	vld [tilespmem:s29+$0x10];
	_ =	sdelay $0x4  }
0x11c: {  	s4 =	simm.s32 $0x30;
	v5 =	vxor.u32 $0x7FFFFFFF, v4;
	vm13 =	vlt.s32 v4, $0x0  }
0x11d: {  	v4 =	vsel vm13, v5, v4;
	v5 =	vor.u32 s4, v0  }
0x11e: {  	vm0 =	veq.s32 v4, v2;
	vm14 =	vle.s32 v5, v3  }
0x11f: {  	vm15 =	vgt.s32 v4, v2;
	vm0 =	vmand vm14, vm0  }
0x120: {  	s9 =	sand.u32 $0x70, s4;
	vm0 =	vmor vm15, vm0  }
0x121: {  	s3 =	simm.s32 $0x40;
	s4 =	sor.u32 s9, s5;
	v4 =	vsel vm0, $0x3F800000, v1  }
.LBB2_22:
0x122: {  	p0 =	sne.s32 s3, $0x7FC0;
	[tilespmem:s4+$0x0] =	vst v4;
	s26 =	sadd.s32 $0x80, s26;
	s29 =	sadd.s32 $0x40, s29  }
0x123: {  	s4 =	smov.u32 s3;
	s3 =	sadd.s32 $0x40, s3;
	v4 =	vld [tilespmem:s29+$0xFFFFFFE0];
	_ =	sdelay $0x4  }
0x124: {  	v5 =	vxor.u32 $0x7FFFFFFF, v4;
	vm0 =	vlt.s32 v4, $0x0  }
0x125: {  	v4 =	vsel vm0, v5, v4;
	v5 =	vor.u32 s4, v0  }
0x126: {  	vm0 =	veq.s32 v4, v2;
	vm1 =	vle.s32 v5, v3  }
0x127: {  	s5 =	sand.u32 $0xFF00, s26;
	vm2 =	vgt.s32 v4, v2;
	vm0 =	vmand vm1, vm0  }
0x128: {  	s9 =	sand.u32 $0x40, s4;
	s5 =	sadd.s32 $0x8000, s5;
	vm0 =	vmor vm2, vm0  }
0x129: {  	s9 =	sor.u32 s9, s5;
	v4 =	vsel vm0, $0x3F800000, v1  }
0x12a: {  	[tilespmem:s9+$0x0] =	vst v4  }
0x12b: {  	v4 =	vld [tilespmem:s29+$0xFFFFFFF0];
	_ =	sdelay $0x4  }
0x12c: {  	s9 =	sadd.s32 $0x10, s4;
	v5 =	vxor.u32 $0x7FFFFFFF, v4;
	vm0 =	vlt.s32 v4, $0x0  }
0x12d: {  	v4 =	vsel vm0, v5, v4;
	v5 =	vor.u32 s9, v0  }
0x12e: {  	vm0 =	veq.s32 v4, v2;
	vm1 =	vle.s32 v5, v3  }
0x12f: {  	vm2 =	vgt.s32 v4, v2;
	vm0 =	vmand vm1, vm0  }
0x130: {  	s9 =	sand.u32 $0x50, s9;
	vm0 =	vmor vm2, vm0  }
0x131: {  	s9 =	sor.u32 s9, s5;
	v4 =	vsel vm0, $0x3F800000, v1  }
0x132: {  	[tilespmem:s9+$0x0] =	vst v4  }
0x133: {  	v4 =	vld [tilespmem:s29+$0x0];
	_ =	sdelay $0x4  }
0x134: {  	s9 =	sadd.s32 $0x20, s4;
	v5 =	vxor.u32 $0x7FFFFFFF, v4;
	vm0 =	vlt.s32 v4, $0x0  }
0x135: {  	v4 =	vsel vm0, v5, v4;
	v5 =	vor.u32 s9, v0  }
0x136: {  	vm0 =	veq.s32 v4, v2;
	vm1 =	vle.s32 v5, v3  }
0x137: {  	vm2 =	vgt.s32 v4, v2;
	vm0 =	vmand vm1, vm0  }
0x138: {  	s9 =	sand.u32 $0x60, s9;
	vm0 =	vmor vm2, vm0  }
0x139: {  	s9 =	sor.u32 s9, s5;
	v4 =	vsel vm0, $0x3F800000, v1  }
0x13a: {  	[tilespmem:s9+$0x0] =	vst v4  }
0x13b: {  	v4 =	vld [tilespmem:s29+$0x10];
	_ =	sdelay $0x4  }
0x13c: {  	s4 =	sadd.s32 $0x30, s4;
	v5 =	vxor.u32 $0x7FFFFFFF, v4;
	vm0 =	vlt.s32 v4, $0x0  }
.Ltmp10:
0x13d: {  	v4 =	vsel vm0, v5, v4;
	v5 =	vor.u32 s4, v0;
	(pc) =	sbr.rel @p0 .LBB2_22-.Ltmp10, $4  }
0x13e: {  	vm0 =	veq.s32 v4, v2;
	vm1 =	vle.s32 v5, v3  }
0x13f: {  	vm2 =	vgt.s32 v4, v2;
	vm0 =	vmand vm1, vm0  }
0x140: {  	s4 =	sand.u32 $0x70, s4;
	vm0 =	vmor vm2, vm0  }
0x141: {  	s4 =	sor.u32 s4, s5;
	v4 =	vsel vm0, $0x3F800000, v1  }
0x142: {  	s3 =	simm.s32 $0x8000  }
0x143: {  	[tilespmem:s4+$0x0] =	vst v4;
	s4 =	simm.s32 $0x80;
	s26 =	sadd.s32 $0x0, s15;
	s5 =	simm.s32 $0x8100  }
.LBB2_24:
0x144: {  	[hbm4b:s26+s2] =	stream.linear.scatter [tilespmem:s3], [sflag:$0x1], $0x80, $0x38;
	[tilespmem:$0x18400] =	vst v63  }
0x145: {  	s9 =	smov.u32 s4;
	s3 =	smov.u32 s5;
	p0 =	sne.s32 s4, $0x7F80  }
.Ltmp11:
0x146: {  	s4 =	sadd.s32 $0x80, s4;
	(pc) =	sbr.rel @p0 .LBB2_24-.Ltmp11, $2  }
0x147: {  	_ =	sdelay $0x2  }
0x148: {  	s5 =	sadd.s32 $0x100, s5;
	s26 =	sadd.s32 s9, s15  }
0x149: {  	[hbm4b:s26+s2] =	stream.linear.scatter [tilespmem:s3], [sflag:$0x1], $0x80, $0x38;
	[tilespmem:$0x18400] =	vst v63  }
0x14a: {  	s3 =	simm.s32 $0x8000  }
0x14b: {  	s4 =	simm.s32 $0x80;
	s26 =	sadd.s32 $0x0, s16;
	s5 =	simm.s32 $0x8100  }
.LBB2_26:
0x14c: {  	[hbm4b:s26+s2] =	stream.linear.scatter [tilespmem:s3], [sflag:$0x1], $0x80, $0x38;
	[tilespmem:$0x18400] =	vst v63  }
0x14d: {  	s9 =	smov.u32 s4;
	s3 =	smov.u32 s5;
	p0 =	sne.s32 s4, $0x7F80  }
.Ltmp12:
0x14e: {  	s4 =	sadd.s32 $0x80, s4;
	(pc) =	sbr.rel @p0 .LBB2_26-.Ltmp12, $2  }
0x14f: {  	_ =	sdelay $0x2  }
0x150: {  	s5 =	sadd.s32 $0x100, s5;
	s26 =	sadd.s32 s9, s16  }
0x151: {  	[hbm4b:s26+s2] =	stream.linear.scatter [tilespmem:s3], [sflag:$0x1], $0x80, $0x38;
	[tilespmem:$0x18400] =	vst v63  }
0x152: {  	s3 =	simm.s32 $0x8000  }
0x153: {  	s4 =	simm.s32 $0x80;
	s26 =	sadd.s32 $0x0, s17;
	s5 =	simm.s32 $0x8100  }
.LBB2_28:
0x154: {  	[hbm4b:s26+s2] =	stream.linear.scatter [tilespmem:s3], [sflag:$0x1], $0x80, $0x38;
	[tilespmem:$0x18400] =	vst v63  }
0x155: {  	s9 =	smov.u32 s4;
	s3 =	smov.u32 s5;
	p0 =	sne.s32 s4, $0x7F80  }
.Ltmp13:
0x156: {  	s4 =	sadd.s32 $0x80, s4;
	(pc) =	sbr.rel @p0 .LBB2_28-.Ltmp13, $2  }
0x157: {  	_ =	sdelay $0x2  }
0x158: {  	s5 =	sadd.s32 $0x100, s5;
	s26 =	sadd.s32 s9, s17  }
0x159: {  	[hbm4b:s26+s2] =	stream.linear.scatter [tilespmem:s3], [sflag:$0x1], $0x80, $0x38;
	[tilespmem:$0x18400] =	vst v63  }
0x15a: {  	s3 =	simm.s32 $0x8000  }
0x15b: {  	s4 =	simm.s32 $0x80;
	s26 =	sadd.s32 $0x0, s18;
	s5 =	simm.s32 $0x8100  }
.LBB2_30:
0x15c: {  	[hbm4b:s26+s2] =	stream.linear.scatter [tilespmem:s3], [sflag:$0x1], $0x80, $0x38;
	[tilespmem:$0x18400] =	vst v63  }
0x15d: {  	s9 =	smov.u32 s4;
	s3 =	smov.u32 s5;
	p0 =	sne.s32 s4, $0x7F80  }
.Ltmp14:
0x15e: {  	s4 =	sadd.s32 $0x80, s4;
	(pc) =	sbr.rel @p0 .LBB2_30-.Ltmp14, $2  }
0x15f: {  	_ =	sdelay $0x2  }
0x160: {  	s5 =	sadd.s32 $0x100, s5;
	s26 =	sadd.s32 s9, s18  }
0x161: {  	[hbm4b:s26+s2] =	stream.linear.scatter [tilespmem:s3], [sflag:$0x1], $0x80, $0x38;
	[tilespmem:$0x18400] =	vst v63  }
0x162: {  	s26 =	simm.s32 $0x0  }
0x163: {  	[tilespmem:s26], [sflag:$0x2] =	stream.strided.gather [hbm4b:s19+s30], $0x8000, s31, s30, $0x38;
	[tilespmem:$0x18400] =	vst v63  }
0x164: {  	_ =	swait.ge [sflag:s28], $0x8000  }
0x165: {  	[sflag:s28] =	ssyncset.done $0x0  }
0x166: {  	[sflag:s28] =	ssyncadd.s32 $0xFFFF8000  }
0x167: {  	v2 =	vld [tilespmem:$0x18180]  }
0x168: {  	v3 =	vld [tilespmem:$0x18380];
	_ =	swait.ge [sflag:s1], $0x8000  }
0x169: {  	[sflag:s1] =	ssyncset.done $0x0  }
0x16a: {  	[sflag:s1] =	ssyncadd.s32 $0xFFFF8000  }
0x16b: {  	_ =	swait.ge [sflag:s1], $0x8000  }
0x16c: {  	[sflag:s1] =	ssyncset.done $0x0  }
0x16d: {  	[sflag:s1] =	ssyncadd.s32 $0xFFFF8000  }
0x16e: {  	_ =	swait.ge [sflag:s1], $0x8000  }
0x16f: {  	[sflag:s1] =	ssyncset.done $0x0  }
0x170: {  	[sflag:s1] =	ssyncadd.s32 $0xFFFF8000  }
0x171: {  	_ =	swait.ge [sflag:s1], $0x8000  }
0x172: {  	[sflag:s1] =	ssyncset.done $0x0  }
0x173: {  	s29 =	simm.s32 $0x20;
	[sflag:s1] =	ssyncadd.s32 $0xFFFF8000  }
0x174: {  	v4 =	vld [tilespmem:s29+$0xFFFFFFE0];
	_ =	sdelay $0x4  }
0x175: {  	v5 =	vxor.u32 $0x7FFFFFFF, v4;
	vm0 =	vlt.s32 v4, $0x0  }
0x176: {  	v4 =	vsel vm0, v5, v4;
	v5 =	vor.u32 s26, v0  }
0x177: {  	vm0 =	veq.s32 v4, v2;
	vm1 =	vle.s32 v5, v3  }
0x178: {  	s9 =	sand.u32 $0xFF00, s26;
	vm2 =	vgt.s32 v4, v2;
	vm0 =	vmand vm1, vm0  }
0x179: {  	s4 =	sand.u32 $0x40, s26;
	s5 =	sadd.s32 $0x8080, s9;
	vm0 =	vmor vm2, vm0  }
0x17a: {  	s3 =	sor.u32 s4, s5;
	v4 =	vsel vm0, $0x3F800000, v1  }
0x17b: {  	[tilespmem:s3+$0x0] =	vst v4  }
0x17c: {  	v4 =	vld [tilespmem:s29+$0xFFFFFFF0];
	_ =	sdelay $0x4  }
0x17d: {  	s4 =	simm.s32 $0x10;
	v5 =	vxor.u32 $0x7FFFFFFF, v4;
	vm7 =	vlt.s32 v4, $0x0  }
0x17e: {  	v4 =	vsel vm7, v5, v4;
	v5 =	vor.u32 s4, v0  }
0x17f: {  	vm0 =	veq.s32 v4, v2;
	vm8 =	vle.s32 v5, v3  }
0x180: {  	vm9 =	vgt.s32 v4, v2;
	vm0 =	vmand vm8, vm0  }
0x181: {  	s3 =	sand.u32 $0x50, s4;
	vm0 =	vmor vm9, vm0  }
0x182: {  	s3 =	sor.u32 s3, s5;
	v4 =	vsel vm0, $0x3F800000, v1  }
0x183: {  	[tilespmem:s3+$0x0] =	vst v4  }
0x184: {  	v4 =	vld [tilespmem:s29+$0x0];
	_ =	sdelay $0x4  }
0x185: {  	s9 =	simm.s32 $0x20;
	v5 =	vxor.u32 $0x7FFFFFFF, v4;
	vm10 =	vlt.s32 v4, $0x0  }
0x186: {  	v4 =	vsel vm10, v5, v4;
	v5 =	vor.u32 s9, v0  }
0x187: {  	vm0 =	veq.s32 v4, v2;
	vm11 =	vle.s32 v5, v3  }
0x188: {  	vm12 =	vgt.s32 v4, v2;
	vm0 =	vmand vm11, vm0  }
0x189: {  	s3 =	sand.u32 $0x60, s9;
	vm0 =	vmor vm12, vm0  }
0x18a: {  	s3 =	sor.u32 s3, s5;
	v4 =	vsel vm0, $0x3F800000, v1  }
0x18b: {  	[tilespmem:s3+$0x0] =	vst v4  }
0x18c: {  	v4 =	vld [tilespmem:s29+$0x10];
	_ =	sdelay $0x4  }
0x18d: {  	s4 =	simm.s32 $0x30;
	v5 =	vxor.u32 $0x7FFFFFFF, v4;
	vm13 =	vlt.s32 v4, $0x0  }
0x18e: {  	v4 =	vsel vm13, v5, v4;
	v5 =	vor.u32 s4, v0  }
0x18f: {  	vm0 =	veq.s32 v4, v2;
	vm14 =	vle.s32 v5, v3  }
0x190: {  	vm15 =	vgt.s32 v4, v2;
	vm0 =	vmand vm14, vm0  }
0x191: {  	s9 =	sand.u32 $0x70, s4;
	vm0 =	vmor vm15, vm0  }
0x192: {  	s3 =	simm.s32 $0x40;
	s4 =	sor.u32 s9, s5;
	v4 =	vsel vm0, $0x3F800000, v1  }
.LBB2_32:
0x193: {  	p0 =	sne.s32 s3, $0x7FC0;
	[tilespmem:s4+$0x0] =	vst v4;
	s26 =	sadd.s32 $0x80, s26;
	s29 =	sadd.s32 $0x40, s29  }
0x194: {  	s4 =	smov.u32 s3;
	s3 =	sadd.s32 $0x40, s3;
	v4 =	vld [tilespmem:s29+$0xFFFFFFE0];
	_ =	sdelay $0x4  }
0x195: {  	v5 =	vxor.u32 $0x7FFFFFFF, v4;
	vm0 =	vlt.s32 v4, $0x0  }
0x196: {  	v4 =	vsel vm0, v5, v4;
	v5 =	vor.u32 s4, v0  }
0x197: {  	vm0 =	veq.s32 v4, v2;
	vm1 =	vle.s32 v5, v3  }
0x198: {  	s5 =	sand.u32 $0xFF00, s26;
	vm2 =	vgt.s32 v4, v2;
	vm0 =	vmand vm1, vm0  }
0x199: {  	s9 =	sand.u32 $0x40, s4;
	s5 =	sadd.s32 $0x8080, s5;
	vm0 =	vmor vm2, vm0  }
0x19a: {  	s9 =	sor.u32 s9, s5;
	v4 =	vsel vm0, $0x3F800000, v1  }
0x19b: {  	[tilespmem:s9+$0x0] =	vst v4  }
0x19c: {  	v4 =	vld [tilespmem:s29+$0xFFFFFFF0];
	_ =	sdelay $0x4  }
0x19d: {  	s9 =	sadd.s32 $0x10, s4;
	v5 =	vxor.u32 $0x7FFFFFFF, v4;
	vm0 =	vlt.s32 v4, $0x0  }
0x19e: {  	v4 =	vsel vm0, v5, v4;
	v5 =	vor.u32 s9, v0  }
0x19f: {  	vm0 =	veq.s32 v4, v2;
	vm1 =	vle.s32 v5, v3  }
0x1a0: {  	vm2 =	vgt.s32 v4, v2;
	vm0 =	vmand vm1, vm0  }
0x1a1: {  	s9 =	sand.u32 $0x50, s9;
	vm0 =	vmor vm2, vm0  }
0x1a2: {  	s9 =	sor.u32 s9, s5;
	v4 =	vsel vm0, $0x3F800000, v1  }
0x1a3: {  	[tilespmem:s9+$0x0] =	vst v4  }
0x1a4: {  	v4 =	vld [tilespmem:s29+$0x0];
	_ =	sdelay $0x4  }
0x1a5: {  	s9 =	sadd.s32 $0x20, s4;
	v5 =	vxor.u32 $0x7FFFFFFF, v4;
	vm0 =	vlt.s32 v4, $0x0  }
0x1a6: {  	v4 =	vsel vm0, v5, v4;
	v5 =	vor.u32 s9, v0  }
0x1a7: {  	vm0 =	veq.s32 v4, v2;
	vm1 =	vle.s32 v5, v3  }
0x1a8: {  	vm2 =	vgt.s32 v4, v2;
	vm0 =	vmand vm1, vm0  }
0x1a9: {  	s9 =	sand.u32 $0x60, s9;
	vm0 =	vmor vm2, vm0  }
0x1aa: {  	s9 =	sor.u32 s9, s5;
	v4 =	vsel vm0, $0x3F800000, v1  }
0x1ab: {  	[tilespmem:s9+$0x0] =	vst v4  }
0x1ac: {  	v4 =	vld [tilespmem:s29+$0x10];
	_ =	sdelay $0x4  }
0x1ad: {  	s4 =	sadd.s32 $0x30, s4;
	v5 =	vxor.u32 $0x7FFFFFFF, v4;
	vm0 =	vlt.s32 v4, $0x0  }
.Ltmp15:
0x1ae: {  	v4 =	vsel vm0, v5, v4;
	v5 =	vor.u32 s4, v0;
	(pc) =	sbr.rel @p0 .LBB2_32-.Ltmp15, $4  }
0x1af: {  	vm0 =	veq.s32 v4, v2;
	vm1 =	vle.s32 v5, v3  }
0x1b0: {  	vm2 =	vgt.s32 v4, v2;
	vm0 =	vmand vm1, vm0  }
0x1b1: {  	s4 =	sand.u32 $0x70, s4;
	vm0 =	vmor vm2, vm0  }
0x1b2: {  	s4 =	sor.u32 s4, s5;
	v4 =	vsel vm0, $0x3F800000, v1  }
0x1b3: {  	s3 =	simm.s32 $0x8080  }
0x1b4: {  	[tilespmem:s4+$0x0] =	vst v4;
	s4 =	simm.s32 $0x80;
	s26 =	sadd.s32 $0x0, s20;
	s5 =	simm.s32 $0x8180  }
.LBB2_34:
0x1b5: {  	[hbm4b:s26+s2] =	stream.linear.scatter [tilespmem:s3], [sflag:$0x1], $0x80, $0x38;
	[tilespmem:$0x18400] =	vst v63  }
0x1b6: {  	s9 =	smov.u32 s4;
	s3 =	smov.u32 s5;
	p0 =	sne.s32 s4, $0x7F80  }
.Ltmp16:
0x1b7: {  	s4 =	sadd.s32 $0x80, s4;
	(pc) =	sbr.rel @p0 .LBB2_34-.Ltmp16, $2  }
0x1b8: {  	_ =	sdelay $0x2  }
0x1b9: {  	s5 =	sadd.s32 $0x100, s5;
	s26 =	sadd.s32 s9, s20  }
0x1ba: {  	[hbm4b:s26+s2] =	stream.linear.scatter [tilespmem:s3], [sflag:$0x1], $0x80, $0x38;
	[tilespmem:$0x18400] =	vst v63  }
0x1bb: {  	s3 =	simm.s32 $0x8080  }
0x1bc: {  	s4 =	simm.s32 $0x80;
	s26 =	sadd.s32 $0x0, s21;
	s5 =	simm.s32 $0x8180  }
.LBB2_36:
0x1bd: {  	[hbm4b:s26+s2] =	stream.linear.scatter [tilespmem:s3], [sflag:$0x1], $0x80, $0x38;
	[tilespmem:$0x18400] =	vst v63  }
0x1be: {  	s9 =	smov.u32 s4;
	s3 =	smov.u32 s5;
	p0 =	sne.s32 s4, $0x7F80  }
.Ltmp17:
0x1bf: {  	s4 =	sadd.s32 $0x80, s4;
	(pc) =	sbr.rel @p0 .LBB2_36-.Ltmp17, $2  }
0x1c0: {  	_ =	sdelay $0x2  }
0x1c1: {  	s5 =	sadd.s32 $0x100, s5;
	s26 =	sadd.s32 s9, s21  }
0x1c2: {  	[hbm4b:s26+s2] =	stream.linear.scatter [tilespmem:s3], [sflag:$0x1], $0x80, $0x38;
	[tilespmem:$0x18400] =	vst v63  }
0x1c3: {  	s3 =	simm.s32 $0x8080  }
0x1c4: {  	s4 =	simm.s32 $0x80;
	s26 =	sadd.s32 $0x0, s22;
	s5 =	simm.s32 $0x8180  }
.LBB2_38:
0x1c5: {  	[hbm4b:s26+s2] =	stream.linear.scatter [tilespmem:s3], [sflag:$0x1], $0x80, $0x38;
	[tilespmem:$0x18400] =	vst v63  }
0x1c6: {  	s9 =	smov.u32 s4;
	s3 =	smov.u32 s5;
	p0 =	sne.s32 s4, $0x7F80  }
.Ltmp18:
0x1c7: {  	s4 =	sadd.s32 $0x80, s4;
	(pc) =	sbr.rel @p0 .LBB2_38-.Ltmp18, $2  }
0x1c8: {  	_ =	sdelay $0x2  }
0x1c9: {  	s5 =	sadd.s32 $0x100, s5;
	s26 =	sadd.s32 s9, s22  }
0x1ca: {  	[hbm4b:s26+s2] =	stream.linear.scatter [tilespmem:s3], [sflag:$0x1], $0x80, $0x38;
	[tilespmem:$0x18400] =	vst v63  }
0x1cb: {  	s3 =	simm.s32 $0x8080  }
0x1cc: {  	s4 =	simm.s32 $0x80;
	s26 =	sadd.s32 $0x0, s23;
	s5 =	simm.s32 $0x8180  }
.LBB2_40:
0x1cd: {  	[hbm4b:s26+s2] =	stream.linear.scatter [tilespmem:s3], [sflag:$0x1], $0x80, $0x38;
	[tilespmem:$0x18400] =	vst v63  }
0x1ce: {  	s9 =	smov.u32 s4;
	s3 =	smov.u32 s5;
	p0 =	sne.s32 s4, $0x7F80  }
.Ltmp19:
0x1cf: {  	s4 =	sadd.s32 $0x80, s4;
	(pc) =	sbr.rel @p0 .LBB2_40-.Ltmp19, $2  }
0x1d0: {  	_ =	sdelay $0x2  }
0x1d1: {  	s5 =	sadd.s32 $0x100, s5;
	s26 =	sadd.s32 s9, s23  }
0x1d2: {  	[hbm4b:s26+s2] =	stream.linear.scatter [tilespmem:s3], [sflag:$0x1], $0x80, $0x38;
	[tilespmem:$0x18400] =	vst v63  }
0x1d3: {  	_ =	swait.ge [sflag:s1], $0x8000  }
0x1d4: {  	[sflag:s1] =	ssyncset.done $0x0  }
0x1d5: {  	[sflag:s1] =	ssyncadd.s32 $0xFFFF8000  }
0x1d6: {  	_ =	swait.ge [sflag:s1], $0x8000  }
0x1d7: {  	[sflag:s1] =	ssyncset.done $0x0  }
0x1d8: {  	[sflag:s1] =	ssyncadd.s32 $0xFFFF8000  }
0x1d9: {  	_ =	swait.ge [sflag:s1], $0x8000  }
0x1da: {  	[sflag:s1] =	ssyncset.done $0x0  }
0x1db: {  	[sflag:s1] =	ssyncadd.s32 $0xFFFF8000  }
0x1dc: {  	_ =	swait.ge [sflag:s1], $0x8000  }
0x1dd: {  	[sflag:s1] =	ssyncset.done $0x0  }
0x1de: {  	[sflag:s1] =	ssyncadd.s32 $0xFFFF8000  }
0x1df: {  	_ =	swait.ge [sflag:s1], $0x8000  }
0x1e0: {  	[sflag:s1] =	ssyncset.done $0x0  }
0x1e1: {  	[sflag:s1] =	ssyncadd.s32 $0xFFFF8000  }
0x1e2: {  	_ =	swait.ge [sflag:s1], $0x8000  }
0x1e3: {  	[sflag:s1] =	ssyncset.done $0x0  }
0x1e4: {  	s0 =	sadd.s32 $0x1, s0;
	[sflag:s1] =	ssyncadd.s32 $0xFFFF8000  }
0x1e5: {  	p0 =	sne.s32 s0, s25;
	_ =	swait.ge [sflag:s1], $0x8000  }
.Ltmp20:
0x1e6: {  	[sflag:s1] =	ssyncset.done $0x0;
	(pc) =	sbr.rel @p0 .LBB2_1-.Ltmp20, $4  }
0x1e7: {  	[sflag:s1] =	ssyncadd.s32 $0xFFFF8000  }
0x1e8: {  	_ =	swait.ge [sflag:s1], $0x8000  }
0x1e9: {  	[sflag:s1] =	ssyncset.done $0x0  }
0x1ea: {  	[sflag:s1] =	ssyncadd.s32 $0xFFFF8000  }
0x1eb: {  	_ =	sfence.sel $0x180000  }
0x1ec: {  	[bflag:$0x0] =	sbarrier.arrive $0xFFFF  }
0x1ed: {  	_ =	strace $0x90000047  }
0x1ee: {  	s0 =	stileid.u32;
	[bflag:$0x2] =	sbarrier.arrive $0xFFFF  }
0x1ef: {  	p0 =	sne.s32 s0, $0x0;
	s0 =	rddreg [dreg:$0x2]  }
0x1f0: {  	s0 =	sadd.s32 @!p0 $0x100000, s0  }
0x1f1: {  	[sflag:s0] =	ssyncadd.tile.s32 @!p0 $0x1;
	_ =	shalt  }
.Lfunc_end2:
_tile_overlayer_lowered:
.L_overlay_start_2:
0x1f2: {  	(tag) =	ssettag $0x2  }
0x1f3: {  	s0 =	rddreg [dreg:$0x0];
	s2 =	stileid.u32  }
0x1f4: {  	s1 =	rddreg [dreg:$0x1];
	p0 =	sne.s32 s2, $0x0  }
0x1f5: {  	s3 =	rddreg [dreg:$0x2];
	[bflag:$0x3] =	sbarrier.arrive $0xFFFF;
	s2 =	simm.s32 @!p0 $0x1C02  }
0x1f6: {  	[timem:s3], [sflag:s2] =	dma.local @!p0 [hbm:s0], s1  }
0x1f7: {  	s0 =	simm.s32 @!p0 $0x2  }
0x1f8: {  	_ =	swait.ge @!p0 [sflag:s0], s1  }
0x1f9: {  	s1 =	ssub.s32 @!p0 $0x0, s1;
	[sflag:s0] =	ssyncset.done @!p0 $0x0  }
0x1fa: {  	[sflag:s0] =	ssyncadd.s32 @!p0 s1  }
0x1fb: {  	[bflag:$0x3] =	sbarrier.arrive $0xFFFF  }
0x1fc: {  	_ =	shalt  }

// kernel: sparse-core-data-format-call.cloned.1.call-start
scs
called_computation_lowered:
.L_overlay_start_0:
0x0: {  	s2 =	sld [smem:$0x3FD9]  }
0x1: {  	s3 =	sld [smem:$0x3FFE];
	_ =	sdelay $0x1  }
0x2: {  	s1 =	srdreg.scid  }
0x3: {  	s0 =	sand.u32 $0x1, s1  }
0x4: {  	s18 =	sshll.u32 s0, $0xA;
	s2 =	sadd.s32 s3, s2  }
0x5: {  	s2 =	sadd.s32 s2, s18  }
0x6: {  	[smem:$0x3FC7] =	sst s2  }
0x7: {  	_ = 	snop  }
0x8: {  	s2 =	sld [smem:$0x3FD0];
	(tm) =	ssettm $0x1  }
0x9: {  	s19 =	sld [smem:$0x3FFB];
	_ =	sdelay $0x3  }
0xa: {  	_ =	strace s19  }
0xb: {  	s3 =	sld [smem:$0x3FFC];
	_ =	sdelay $0x3  }
0xc: {  	_ =	strace s3  }
0xd: {  	s3 =	sld [smem:$0x3FFD];
	_ =	sdelay $0x3  }
0xe: {  	_ =	strace s3  }
0xf: {  	_ =	strace $0x8FFFFFFF  }
0x10: {  	s20 =	sld [smem:$0x3FDB];
	_ =	sdelay $0x1  }
0x11: {  	s4 =	simm.s32 $_scs_section_size  }
0x12: {  	s5 =	simm.s32 $_size__tile_overlayer_lowered;
	s6 =	simm.s32 $_tile_overlayer_lowered  }
0x13: {  	s23 =	simm.s32 $0x1BFF;
	s22 =	sshll.u32 s6, $0x1;
	s3 =	sadd.s32 s4, s20  }
0x14: {  	s7 =	simm.s32 $0x0;
	s21 =	sshll.u32 s5, $0x1;
	s5 =	sadd.s32 s22, s3  }
0x15: {  	[timem:s7], [sflag:s23] =	dma.local [hbm:s5], s21  }
0x16: {  	_ =	swait.ge [sflag:s23], s21  }
0x17: {  	s4 =	ssub.s32 $0x0, s21;
	[sflag:s23] =	ssyncset.done $0x0  }
0x18: {  	[sflag:s23] =	ssyncadd.s32 s4;
	_ =	sdelay $0x1  }
0x19: {  	s24 =	simm.s32 $0x1B8B  }
0x1a: {  	_ =	swait.ge [sflag:s24], $0x1  }
0x1b: {  	[sflag:s24] =	ssyncset.done $0x0  }
0x1c: {  	s26 =	simm.s32 $0x1B8E;
	s25 =	sld [smem:$0x3FFE];
	[sflag:s24] =	ssyncadd.s32 $0xFFFFFFFF  }
0x1d: {  	s27 =	simm.s32 $execute0_lowered;
	[smem:$0x3FD2] =	sst s26  }
0x1e: {  	s5 =	sshll.u32 s27, $0x1;
	_ =	strace $0x80000049;
	[dreg:$0x1] =	wrdreg $0xFFFFFFFF  }
0x1f: {  	s28 =	simm.s32 $_size_execute0_lowered;
	s3 =	sadd.s32 s3, s5;
	[dreg:$0x0] =	wrdreg $0x0  }
0x20: {  	s5 =	sshll.u32 s28, $0x1;
	[dreg:$0x2] =	wrdreg s3  }
0x21: {  	[dreg:$0x3] =	wrdreg s5  }
0x22: {  	[dreg:$0x4] =	wrdreg $0xC0  }
0x23: {  	_ =	task [dreg:s7], $0x5FFFF  }
0x24: {  	[dreg:$0x1] =	wrdreg $0xFFFFFFFF  }
0x25: {  	[dreg:$0x0] =	wrdreg $0x60  }
0x26: {  	[dreg:$0x2] =	wrdreg s25  }
0x27: {  	[dreg:$0x3] =	wrdreg s2  }
0x28: {  	[dreg:$0x4] =	wrdreg $0x9  }
0x29: {  	_ =	task.clear_ibuf [dreg:s7], $0x5FFFF;
	_ =	strace $0x90000049  }
0x2a: {  	s29 =	simm.s32 $0x9;
	_ =	strace $0x8000004B  }
0x2b: {  	_ =	swait.ge [sflag:s29], $0x1  }
0x2c: {  	[sflag:s29] =	ssyncadd.s32 $0xFFFFFFFF  }
0x2d: {  	_ =	strace $0x9000004B  }
0x2e: {  	_ =	sfence  }
0x2f: {  	s30 =	sld [smem:$0x0];
	_ =	sdelay $0x2  }
0x30: {  	s31 =	sshll.u32 s1, $0xD;
	s1 =	sshrl.u32 s1, $0x2  }
0x31: {  	s3 =	sand.u32 $0x4000, s31;
	s1 =	sadd.s32 s1, s30  }
0x32: {  	s0 =	sor.u32 s3, s0;
	s1 =	sshll.u32 s1, $0x11  }
0x33: {  	s0 =	sor.u32 s1, s0  }
0x34: {  	s0 =	sadd.s32 $0x8F2B, s0  }
0x35: {  	[sflag:s0] =	ssyncadd.remote.s32 $0x1  }
0x36: {  	_ =	sfence.sel $0xFFFF  }
0x37: {  	[dreg:$0x0] =	wrdreg $0xFFFFFFFF;
	(pc) =	sbr.abs _section_cstart, $3  }
0x38: {  	[dreg:$0x1] =	wrdreg $0xFFFFFFFF  }
0x39: {  	_ =	task.clear_ibuf [dreg:s7], $0x2FFFF;
	_ =	strace $0x9FFFFFFF  }
0x3a: {  	(tm) =	ssettm $0x7FFFFFFF  }
0x3b: {  	_ =	shalt  }
tec
execute0_lowered:
.L_overlay_start_1:
0x0: {  	(tag) =	ssettag $0x1  }
0x1: {  	s0 =	stileid.u32;
	s4 =	rddreg [dreg:$0x0]  }
0x2: {  	s1 =	srdreg.scid;
	s3 =	rddreg [dreg:$0x1];
	s7 =	simm.s32 $0x1  }
0x3: {  	s31 =	simm.s32 $0x2;
	s2 =	sshll.u32 s0, $0x1;
	s1 =	sshll.u32 s1, $0x5  }
0x4: {  	s15 =	simm.s32 $0x0;
	s9 =	simm.s32 $0x8000;
	s1 =	sor.u32 s2, s1  }
0x5: {  	s10 =	simm.s32 $0x0;
	s16 =	simm.s32 $0x0;
	s2 =	sand.u32 $0x38, s1  }
0x6: {  	s17 =	simm.s32 $0x0;
	s11 =	simm.s32 $0x0;
	s5 =	ssub.s32 $0x80, s2  }
0x7: {  	s14 =	simm.s32 $0x0;
	s4 =	sadd.s32 $0x2000, s4;
	s6 =	sand.u32 $0x38, s5  }
.Ltmp0:
0x8: {  	s1 =	rddreg [dreg:$0x2];
	p0 =	sne.s32 s6, $0x0;
	(pc) =	sbr.rel .LBB1_1-.Ltmp0, $4  }
0x9: {  	_ =	strace $0x8000004A;
	s8 =	sshrl.u32 s5, $0x6;
	s7 =	simm.s32 @!p0 $0x0  }
0xa: {  	s12 =	smov.u32 s2;
	s6 =	simm.s32 $0x1;
	s7 =	sadd.s32 s7, s8  }
0xb: {  	s5 =	sand.u32 $0x3, s0;
	[sflag:s6] =	ssyncpa.u1 $0x0;
	s7 =	sshll.u32 s7, $0x4  }
0xc: {  	s13 =	smov.u32 s5;
	[sflag:s31] =	ssyncpa.u1 $0x0;
	s8 =	sor.u32 $0x1, s7  }
.LBB1_7:
0xd: {  	s18 =	sadd.s32 $0x800, s11  }
0xe: {  	s15 =	sadd.s32 $0x40, s12;
	s19 =	smov.u32 s12;
	p1 =	sgt.s32 s18, $0x7FFF  }
0xf: {  	s19 =	smov.u32 @p1 s15  }
0x10: {  	s21 =	smov.u32 s13;
	s15 =	sadd.s32 $0x4, s13;
	p2 =	sgt.s32 s19, $0x7F  }
0x11: {  	s21 =	smov.u32 @p2 s15  }
0x12: {  	s18 =	simm.s32 @p1 $0x0;
	p1 =	sgt.s32 s21, $0x3  }
0x13: {  	p0 =	slt.u32 s14, $0x2;
	s21 =	smov.u32 @p1 s5;
	p1 =	sne.s32 s14, s8  }
.Ltmp1:
0x14: {  	s20 =	simm.s32 @!p0 $0x2;
	(pc) =	sbr.rel @!p1 .LBB1_8-.Ltmp1, $4  }
0x15: {  	s16 =	smov.u32 s12;
	s17 =	smov.u32 s13;
	_ =	swait.ge @!p0 [sflag:s20], $0x4000  }
0x16: {  	s10 =	sadd.s32 $0x4000, s10;
	[sflag:s20] =	ssyncset.done @!p0 $0x0;
	s19 =	smov.u32 @p2 s2  }
0x17: {  	s15 =	smov.u32 s11;
	[sflag:s20] =	ssyncadd.s32 @!p0 $0xFFFFC000;
	s11 =	smov.u32 s18  }
0x18: {  	s12 =	smov.u32 s19;
	s14 =	sadd.s32 $0x1, s14;
	s13 =	smov.u32 s21  }
.LBB1_1:
0x19: {  	p0 =	sge.u32 s14, s7;
	s31 =	sadd.s32 $0xFFFFFFFF, s14  }
0x1a: {  	s18 =	sxor.u32 @!p0 $0xFFFFFFFF, s14;
	s19 =	sand.u32 @!p0 $0x78, s11;
	s20 =	sshll.u32 @!p0 s12, $0xF  }
0x1b: {  	s21 =	sshll.u32 @!p0 s11, $0x3;
	s22 =	sshll.u32 @!p0 s12, $0x7;
	s20 =	sand.u32 @!p0 $0x3C0000, s20  }
0x1c: {  	s22 =	sand.u32 @!p0 $0x380, s22;
	s20 =	sadd.s32 @!p0 s20, s21;
	s21 =	sand.u32 @!p0 $0x7C00, s21  }
0x1d: {  	s19 =	sor.u32 @!p0 s22, s19;
	s22 =	sshll.u32 @!p0 s13, $0x13;
	s20 =	sshrl.u32 @!p0 s20, $0x3  }
0x1e: {  	s19 =	sor.u32 @!p0 s21, s19;
	s21 =	sadd.s32 @!p0 s4, s22;
	s20 =	sand.u32 @!p0 $0x7F000, s20  }
0x1f: {  	s18 =	sshll.u32 @!p0 s18, $0xE;
	s19 =	sshrl.u32 @!p0 s19, $0x3;
	s20 =	sadd.s32 @!p0 s20, s21  }
0x20: {  	s18 =	sand.u32 @!p0 $0x4000, s18;
	s19 =	sadd.s32 @!p0 s19, s20;
	s20 =	sand.u32 @!p0 $0x7, s11  }
0x21: {  	[tilespmem:s18], [sflag:$0x1] =	stream.linear.gather @!p0 [hbm4b:s19+s20], $0x4000, $0x38;
	[tilespmem:$0x10000] =	vst v63  }
0x22: {  	p0 =	sge.u32 s31, s7  }
.Ltmp2:
0x23: {  	_ = 	snop;
	(pc) =	sbr.rel @p0 .LBB1_7-.Ltmp2, $1  }
0x24: {  	_ =	sdelay $0x3  }
0x25: {  	s18 =	sand.u32 $0x4000, s10  }
0x26: {  	_ =	swait.ge [sflag:s6], $0x4000;
	s21 =	sshll.u32 s14, $0xE;
	s19 =	sor.u32 $0x8100, s18  }
0x27: {  	s20 =	sor.u32 $0x800, s18;
	[sflag:s6] =	ssyncset.done $0x0;
	s31 =	sand.u32 $0x4000, s21  }
0x28: {  	s21 =	simm.s32 $0x0;
	[sflag:s6] =	ssyncadd.s32 $0xFFFFC000;
	s18 =	sor.u32 $0x8000, s31  }
.LBB1_3:
0x29: {  	v0 =	vld [tilespmem:s20+$0x470]  }
0x2a: {  	v1 =	vld [tilespmem:s20+$0xFFFFF810]  }
0x2b: {  	v2 =	vld [tilespmem:s20+$0xFFFFF820]  }
0x2c: {  	v3 =	vld [tilespmem:s20+$0xFFFFF830]  }
0x2d: {  	v4 =	vld [tilespmem:s20+$0xFFFFF840]  }
0x2e: {  	v5 =	vld [tilespmem:s20+$0xFFFFF850];
	[tilespmem:s19+$0xF0] =	vst v0  }
0x2f: {  	[tilespmem:s19+$0xFFFFFF10] =	vst v1;
	v0 =	vld [tilespmem:s20+$0xFFFFF860]  }
0x30: {  	[tilespmem:s19+$0xFFFFFF20] =	vst v2;
	v1 =	vld [tilespmem:s20+$0xFFFFF870]  }
0x31: {  	[tilespmem:s19+$0xFFFFFF30] =	vst v3;
	v2 =	vld [tilespmem:s20+$0xFFFFFC00]  }
0x32: {  	[tilespmem:s19+$0xFFFFFF40] =	vst v4;
	v3 =	vld [tilespmem:s20+$0xFFFFFC10]  }
0x33: {  	[tilespmem:s19+$0xFFFFFF50] =	vst v5;
	v4 =	vld [tilespmem:s20+$0xFFFFFC20]  }
0x34: {  	v5 =	vld [tilespmem:s20+$0x420];
	[tilespmem:s19+$0xFFFFFF60] =	vst v0  }
0x35: {  	v0 =	vld [tilespmem:s20+$0xFFFFFC30];
	[tilespmem:s19+$0xFFFFFF70] =	vst v1  }
0x36: {  	v1 =	vld [tilespmem:s20+$0xFFFFFC40];
	[tilespmem:s19+$0xFFFFFF80] =	vst v2  }
0x37: {  	[tilespmem:s19+$0xFFFFFF90] =	vst v3;
	v3 =	vld [tilespmem:s20+$0xFFFFFC60]  }
0x38: {  	[tilespmem:s19+$0xFFFFFFA0] =	vst v4;
	v4 =	vld [tilespmem:s20+$0xFFFFFC70]  }
0x39: {  	v2 =	vld [tilespmem:s20+$0xFFFFFC50];
	[tilespmem:s19+$0xA0] =	vst v5  }
0x3a: {  	[tilespmem:s19+$0xFFFFFFB0] =	vst v0;
	v0 =	vld [tilespmem:s20+$0x0]  }
0x3b: {  	[tilespmem:s19+$0xFFFFFFC0] =	vst v1;
	v1 =	vld [tilespmem:s20+$0x10]  }
0x3c: {  	[tilespmem:s19+$0xFFFFFFE0] =	vst v3;
	v3 =	vld [tilespmem:s20+$0x30]  }
0x3d: {  	[tilespmem:s19+$0xFFFFFFF0] =	vst v4;
	v4 =	vld [tilespmem:s20+$0x40]  }
0x3e: {  	[tilespmem:s19+$0xFFFFFFD0] =	vst v2;
	v2 =	vld [tilespmem:s20+$0x20]  }
0x3f: {  	[tilespmem:s19+$0x0] =	vst v0;
	v0 =	vld [tilespmem:s20+$0x50]  }
0x40: {  	[tilespmem:s19+$0x10] =	vst v1;
	v1 =	vld [tilespmem:s20+$0x60]  }
0x41: {  	[tilespmem:s19+$0x30] =	vst v3;
	v3 =	vld [tilespmem:s20+$0x400]  }
0x42: {  	[tilespmem:s19+$0x40] =	vst v4;
	v4 =	vld [tilespmem:s20+$0x410]  }
0x43: {  	[tilespmem:s19+$0x20] =	vst v2;
	v2 =	vld [tilespmem:s20+$0x70]  }
0x44: {  	[tilespmem:s19+$0x50] =	vst v0;
	v0 =	vld [tilespmem:s20+$0x430]  }
0x45: {  	[tilespmem:s19+$0x60] =	vst v1;
	v1 =	vld [tilespmem:s20+$0x440]  }
0x46: {  	[tilespmem:s19+$0x80] =	vst v3;
	v3 =	vld [tilespmem:s20+$0x450]  }
0x47: {  	[tilespmem:s19+$0x90] =	vst v4;
	v4 =	vld [tilespmem:s20+$0x460]  }
0x48: {  	s23 =	simm.s32 $0x0;
	s24 =	sadd.s32 $0x1000, s20;
	s22 =	smov.u32 s19;
	[tilespmem:s19+$0x70] =	vst v2;
	v2 =	vld [tilespmem:s20+$0xFFFFF800]  }
.LBB1_4:
0x49: {  	v5 =	vld [tilespmem:s24+$0x470];
	s23 =	sadd.s32 $0x200, s23;
	[tilespmem:s22+$0xB0] =	vst v0  }
0x4a: {  	v0 =	vld [tilespmem:s24+$0xFFFFF810];
	p0 =	slt.u32 s23, $0x600;
	[tilespmem:s22+$0xC0] =	vst v1  }
0x4b: {  	v1 =	vld [tilespmem:s24+$0xFFFFF820];
	[tilespmem:s22+$0xD0] =	vst v3  }
0x4c: {  	v3 =	vld [tilespmem:s24+$0xFFFFF830];
	[tilespmem:s22+$0xE0] =	vst v4  }
0x4d: {  	v4 =	vld [tilespmem:s24+$0xFFFFF840];
	[tilespmem:s22+$0xFFFFFF00] =	vst v2;
	s22 =	sadd.s32 $0x200, s22  }
0x4e: {  	v2 =	vld [tilespmem:s24+$0xFFFFF850];
	[tilespmem:s22+$0xF0] =	vst v5  }
0x4f: {  	[tilespmem:s22+$0xFFFFFF10] =	vst v0;
	v0 =	vld [tilespmem:s24+$0xFFFFF860]  }
0x50: {  	[tilespmem:s22+$0xFFFFFF20] =	vst v1;
	v1 =	vld [tilespmem:s24+$0xFFFFF870]  }
0x51: {  	[tilespmem:s22+$0xFFFFFF30] =	vst v3;
	v3 =	vld [tilespmem:s24+$0xFFFFFC00]  }
0x52: {  	[tilespmem:s22+$0xFFFFFF40] =	vst v4;
	v4 =	vld [tilespmem:s24+$0xFFFFFC10]  }
0x53: {  	[tilespmem:s22+$0xFFFFFF50] =	vst v2;
	v2 =	vld [tilespmem:s24+$0xFFFFFC20]  }
0x54: {  	[tilespmem:s22+$0xFFFFFF60] =	vst v0;
	v0 =	vld [tilespmem:s24+$0xFFFFFC30]  }
0x55: {  	[tilespmem:s22+$0xFFFFFF70] =	vst v1;
	v1 =	vld [tilespmem:s24+$0xFFFFFC40]  }
0x56: {  	[tilespmem:s22+$0xFFFFFF80] =	vst v3;
	v3 =	vld [tilespmem:s24+$0xFFFFFC50]  }
0x57: {  	[tilespmem:s22+$0xFFFFFF90] =	vst v4;
	v4 =	vld [tilespmem:s24+$0xFFFFFC60]  }
0x58: {  	[tilespmem:s22+$0xFFFFFFA0] =	vst v2;
	v2 =	vld [tilespmem:s24+$0xFFFFFC70]  }
0x59: {  	[tilespmem:s22+$0xFFFFFFB0] =	vst v0;
	v0 =	vld [tilespmem:s24+$0x0]  }
0x5a: {  	[tilespmem:s22+$0xFFFFFFC0] =	vst v1;
	v1 =	vld [tilespmem:s24+$0x10]  }
0x5b: {  	[tilespmem:s22+$0xFFFFFFD0] =	vst v3;
	v3 =	vld [tilespmem:s24+$0x20]  }
0x5c: {  	[tilespmem:s22+$0xFFFFFFE0] =	vst v4;
	v4 =	vld [tilespmem:s24+$0x30]  }
0x5d: {  	[tilespmem:s22+$0xFFFFFFF0] =	vst v2;
	v2 =	vld [tilespmem:s24+$0x40]  }
0x5e: {  	[tilespmem:s22+$0x0] =	vst v0;
	v0 =	vld [tilespmem:s24+$0x50]  }
0x5f: {  	[tilespmem:s22+$0x10] =	vst v1;
	v1 =	vld [tilespmem:s24+$0x60]  }
0x60: {  	[tilespmem:s22+$0x20] =	vst v3;
	v3 =	vld [tilespmem:s24+$0x70]  }
0x61: {  	[tilespmem:s22+$0x30] =	vst v4;
	v4 =	vld [tilespmem:s24+$0x400]  }
0x62: {  	[tilespmem:s22+$0x40] =	vst v2;
	v2 =	vld [tilespmem:s24+$0x410]  }
0x63: {  	[tilespmem:s22+$0x50] =	vst v0;
	v5 =	vld [tilespmem:s24+$0x420]  }
.Ltmp3:
0x64: {  	[tilespmem:s22+$0x60] =	vst v1;
	v0 =	vld [tilespmem:s24+$0x430];
	(pc) =	sbr.rel @p0 .LBB1_4-.Ltmp3, $4  }
0x65: {  	[tilespmem:s22+$0x70] =	vst v3;
	v1 =	vld [tilespmem:s24+$0x440]  }
0x66: {  	[tilespmem:s22+$0x80] =	vst v4;
	v3 =	vld [tilespmem:s24+$0x450]  }
0x67: {  	[tilespmem:s22+$0x90] =	vst v2;
	v4 =	vld [tilespmem:s24+$0x460]  }
0x68: {  	v2 =	vld [tilespmem:s24+$0xFFFFF800];
	[tilespmem:s22+$0xA0] =	vst v5;
	s24 =	sadd.s32 $0x1000, s24  }
0x69: {  	s21 =	sadd.s32 $0x1, s21  }
0x6a: {  	p0 =	sne.s32 s21, $0x8  }
.Ltmp4:
0x6b: {  	[tilespmem:s22+$0xB0] =	vst v0;
	(pc) =	sbr.rel @p0 .LBB1_3-.Ltmp4, $4  }
0x6c: {  	[tilespmem:s22+$0xC0] =	vst v1  }
0x6d: {  	[tilespmem:s22+$0xD0] =	vst v3  }
0x6e: {  	[tilespmem:s22+$0xE0] =	vst v4  }
0x6f: {  	s19 =	sadd.s32 $0x800, s19;
	s20 =	sadd.s32 $0x80, s20;
	[tilespmem:s22+$0xFFFFFF00] =	vst v2  }
.Ltmp5:
0x70: {  	s17 =	sshll.u32 s17, $0x13;
	s16 =	sshll.u32 s16, $0xC;
	(pc) =	sbr.rel .LBB1_7-.Ltmp5, $4  }
0x71: {  	s19 =	sshrl.u32 s15, $0x3;
	s31 =	sand.u32 $0x7, s15;
	s17 =	sadd.s32 s3, s17  }
0x72: {  	s19 =	sand.u32 $0xFFF, s19;
	s15 =	sshll.u32 s31, $0x12;
	s16 =	sadd.s32 s16, s17  }
0x73: {  	s15 =	sor.u32 $0x800, s15;
	s16 =	sadd.s32 s19, s16  }
0x74: {  	[hbm4b:s16+s15] =	stream.strided.scatter [tilespmem:s18], [sflag:$0x2], $0x4000, s9, s15, $0x38;
	[tilespmem:$0x10000] =	vst v63  }
.LBB1_8:
0x75: {  	_ =	sfence.sel $0x180000  }
0x76: {  	s2 =	simm.s32 $0x1;
	[bflag:$0x0] =	sbarrier.arrive $0xFFFF  }
0x77: {  	s31 =	simm.s32 $0x2;
	[sflag:s2] =	ssyncpa.u1 $0x1  }
0x78: {  	[sflag:s31] =	ssyncpa.u1 $0x1  }
0x79: {  	p0 =	sne.s32 s0, $0x0;
	_ =	strace $0x9000004A  }
0x7a: {  	s0 =	sadd.s32 @!p0 $0x100000, s1;
	[bflag:$0x2] =	sbarrier.arrive $0xFFFF  }
0x7b: {  	[sflag:s0] =	ssyncadd.tile.s32 @!p0 $0x1;
	_ =	shalt  }
.Lfunc_end1:
_tile_overlayer_lowered:
.L_overlay_start_2:
0x7c: {  	(tag) =	ssettag $0x2  }
0x7d: {  	s0 =	rddreg [dreg:$0x0];
	s2 =	stileid.u32  }
0x7e: {  	s1 =	rddreg [dreg:$0x1];
	p0 =	sne.s32 s2, $0x0  }
0x7f: {  	s3 =	rddreg [dreg:$0x2];
	[bflag:$0x3] =	sbarrier.arrive $0xFFFF;
	s2 =	simm.s32 @!p0 $0x1C01  }
0x80: {  	[timem:s3], [sflag:s2] =	dma.local @!p0 [hbm:s0], s1  }
0x81: {  	s0 =	simm.s32 @!p0 $0x1  }
0x82: {  	_ =	swait.ge @!p0 [sflag:s0], s1  }
0x83: {  	s1 =	ssub.s32 @!p0 $0x0, s1;
	[sflag:s0] =	ssyncset.done @!p0 $0x0  }
0x84: {  	[sflag:s0] =	ssyncadd.s32 @!p0 s1  }
0x85: {  	[bflag:$0x3] =	sbarrier.arrive $0xFFFF  }
0x86: {  	_ =	shalt  }

</sc_bundles>
